<compile_context>
chip_gen: v7x
topology: tpu7x:2x2x1
jax: 0.10.2.dev20260603
libtpu: 0.0.44.dev20260713+nightly
codegen_flags: <defaults>
</compile_context>

<pallas_src>
import functools

import jax
import jax.numpy as jnp
from jax import lax
from jax.experimental import pallas as pl
from jax.experimental.pallas import tpu as pltpu
from jax.experimental.pallas import tpu_sc as plsc

B, S, H = 2, 2048, 1024
E, K = 16, 2
FE, FS = 512, 1408
T = B * S
N = T * K
M = 128
NT = N // M + E
PN = NT * M

NC, NS = 2, 16
NW = NC * NS


def _pack_rows(a):
    ab = a.astype(jnp.bfloat16).astype(jnp.float32)
    lo = lax.bitcast_convert_type(ab[:, : H // 2], jnp.uint32)
    hi = lax.bitcast_convert_type(ab[:, H // 2 :], jnp.uint32)
    return lax.bitcast_convert_type(hi | (lo >> 16), jnp.float32)


def _unpack_rows(p):
    u = lax.bitcast_convert_type(p, jnp.uint32)
    lo = lax.bitcast_convert_type(u << 16, jnp.float32)
    hi = lax.bitcast_convert_type(u & jnp.uint32(0xFFFF0000), jnp.float32)
    return jnp.concatenate([lo, hi], axis=1)


def _router_body(x_ref, wg_ref, oi_ref, ow_ref, ox_ref, or_ref, cnt_ref, offs):
    logits = lax.dot_general(x_ref[...], wg_ref[...], (((1,), (0,)), ((), ())),
                             preferred_element_type=jnp.float32)
    lane = lax.broadcasted_iota(jnp.int32, logits.shape, 1)
    logits = jnp.where(lane < E, logits, -1e30)
    m1 = jnp.max(logits, axis=1, keepdims=True)
    i1 = jnp.min(jnp.where(logits == m1, lane, 127), axis=1, keepdims=True)
    l2 = jnp.where(lane == i1, -1e30, logits)
    m2 = jnp.max(l2, axis=1, keepdims=True)
    i2 = jnp.min(jnp.where(l2 == m2, lane, 127), axis=1, keepdims=True)
    e2 = jnp.exp(m2 - m1)
    wa = 1.0 / (1.0 + e2)
    wb = 1.0 - wa
    oi_ref[...] = jnp.where(lane == 0, i1, jnp.where(lane == 1, i2, 0))
    ow_ref[...] = jnp.where(lane == 0, wa, jnp.where(lane == 1, wb, 0.0))
    ox_ref[...] = _pack_rows(x_ref[...])

    @pl.when(pl.program_id(0) == 0)
    def _():
        offs[...] = jnp.zeros_like(offs)

    bt = logits.shape[0]
    oh1 = (lane == i1).astype(jnp.float32)
    oh2 = (lane == i2).astype(jnp.float32)
    row = lax.broadcasted_iota(jnp.int32, (bt, bt), 0)
    col = lax.broadcasted_iota(jnp.int32, (bt, bt), 1)
    ltri = (col < row).astype(jnp.float32)
    c1 = lax.dot_general(ltri, oh1, (((1,), (0,)), ((), ())),
                         preferred_element_type=jnp.float32)
    c2 = lax.dot_general(ltri, oh2, (((1,), (0,)), ((), ())),
                         preferred_element_type=jnp.float32)
    base = c1 + c2 + offs[...]
    r0 = jnp.sum(jnp.where(lane == i1, base, 0.0), axis=1, keepdims=True)
    r1 = jnp.sum(jnp.where(lane == i2, base + oh1, 0.0), axis=1, keepdims=True)
    or_ref[...] = jnp.where(lane == 0, r0, jnp.where(lane == 1, r1, 0.0)
                            ).astype(jnp.int32)
    offs[...] = offs[...] + jnp.sum(oh1 + oh2, axis=0, keepdims=True)
    cnt_ref[...] = offs[...]


def _router(xf, wgp):
    bt = 512
    return pl.pallas_call(
        _router_body,
        grid=(T // bt,),
        in_specs=[
            pl.BlockSpec((bt, H), lambda i: (i, 0)),
            pl.BlockSpec((H, 128), lambda i: (0, 0)),
        ],
        out_specs=[
            pl.BlockSpec((bt, 128), lambda i: (i, 0)),
            pl.BlockSpec((bt, 128), lambda i: (i, 0)),
            pl.BlockSpec((bt, H // 2), lambda i: (i, 0)),
            pl.BlockSpec((bt, 128), lambda i: (i, 0)),
            pl.BlockSpec((1, 128), lambda i: (0, 0)),
        ],
        out_shape=[
            jax.ShapeDtypeStruct((T, 128), jnp.int32),
            jax.ShapeDtypeStruct((T, 128), jnp.float32),
            jax.ShapeDtypeStruct((T, H // 2), jnp.float32),
            jax.ShapeDtypeStruct((T, 128), jnp.int32),
            jax.ShapeDtypeStruct((1, 128), jnp.float32),
        ],
        scratch_shapes=[pltpu.VMEM((1, 128), jnp.float32)],
    )(xf, wgp)


def _plumb_body(cnt_ref, oi_ref, rk_ref, dest_ref, te_ref):
    lane1 = lax.broadcasted_iota(jnp.int32, (1, 128), 1)
    c = cnt_ref[...]
    padded = jnp.where(lane1 < E, jnp.floor((c + (M - 1)) / M) * M, 0.0)
    srow = lax.broadcasted_iota(jnp.int32, (128, 128), 0)
    scol = lax.broadcasted_iota(jnp.int32, (128, 128), 1)
    utri = (srow < scol).astype(jnp.float32)
    pstart = lax.dot_general(padded, utri, (((1,), (0,)), ((), ())),
                             preferred_element_type=jnp.float32)

    bt = oi_ref.shape[0]
    lane = lax.broadcasted_iota(jnp.int32, (bt, 128), 1)
    e0 = oi_ref[:, 0:1]
    e1 = oi_ref[:, 1:2]
    s0 = jnp.sum(jnp.where(lane == e0, pstart, 0.0), axis=1, keepdims=True)
    s1 = jnp.sum(jnp.where(lane == e1, pstart, 0.0), axis=1, keepdims=True)
    d0 = rk_ref[:, 0:1] + s0.astype(jnp.int32)
    d1 = rk_ref[:, 1:2] + s1.astype(jnp.int32)
    dest_ref[...] = jnp.where(lane == 0, d0, jnp.where(lane == 1, d1, 0))

    @pl.when(pl.program_id(0) == 0)
    def _():
        jm = (lane1 * M).astype(jnp.float32)
        acc = jnp.zeros((1, 128), jnp.float32)
        for e in range(E):
            pe = jnp.sum(jnp.where(lane1 == e, pstart, 0.0), axis=1,
                         keepdims=True)
            acc = acc + (jm >= pe).astype(jnp.float32)
        te_ref[...] = (acc - 1.0).astype(jnp.int32)


def _plumb(cnt, topi_p, rk_p):
    bt = 2048
    return pl.pallas_call(
        _plumb_body,
        grid=(T // bt,),
        in_specs=[
            pl.BlockSpec((1, 128), lambda i: (0, 0)),
            pl.BlockSpec((bt, 128), lambda i: (i, 0)),
            pl.BlockSpec((bt, 128), lambda i: (i, 0)),
        ],
        out_specs=[
            pl.BlockSpec((bt, 128), lambda i: (i, 0)),
            pl.BlockSpec((1, 128), lambda i: (0, 0)),
        ],
        out_shape=[
            jax.ShapeDtypeStruct((T, 128), jnp.int32),
            jax.ShapeDtypeStruct((1, 128), jnp.int32),
        ],
    )(cnt, topi_p, rk_p)


_SC_MESH = plsc.VectorSubcoreMesh(core_axis_name="c", subcore_axis_name="s",
                                  num_cores=NC, num_subcores=NS)
_D_PW = T // NW
_D_CH = 32
_D_NCH = _D_PW // _D_CH


@functools.partial(
    pl.kernel, mesh=_SC_MESH,
    out_type=jax.ShapeDtypeStruct((PN, H // 2), jnp.float32),
    scratch_types=[
        pltpu.VMEM((_D_NCH, _D_CH), jnp.int32),
        pltpu.VMEM((_D_NCH, _D_CH), jnp.int32),
        pltpu.VMEM((_D_CH, H // 2), jnp.float32),
        pltpu.VMEM((_D_CH, H // 2), jnp.float32),
        pltpu.SemaphoreType.DMA,
        pltpu.SemaphoreType.DMA,
        pltpu.SemaphoreType.DMA,
        pltpu.SemaphoreType.DMA,
    ],
)
def _dispatch(xfb_hbm, de_hbm, do_hbm, xg_hbm, ie_v, io_v, rows0, rows1,
              lsem0, lsem1, ssem0, ssem1):
    wid = lax.axis_index("s") * NC + lax.axis_index("c")
    base = wid * _D_PW
    pltpu.sync_copy(de_hbm.at[wid], ie_v)
    pltpu.sync_copy(do_hbm.at[wid], io_v)
    bufs = (rows0, rows1)
    lsems = (lsem0, lsem1)
    ssems = (ssem0, ssem1)

    def load(c, b):
        return pltpu.async_copy(
            xfb_hbm.at[pl.ds(base + c * _D_CH, _D_CH)], bufs[b], lsems[b])

    stores = [None, None]
    ls = [load(0, 0), None]
    for c in range(_D_NCH):
        b = c & 1
        nb = 1 - b
        if c + 1 < _D_NCH:
            if stores[nb] is not None:
                stores[nb][0].wait()
                stores[nb][1].wait()
            ls[nb] = load(c + 1, nb)
        ls[b].wait()
        se = pltpu.async_copy(bufs[b], xg_hbm.at[ie_v.at[c]], ssems[b])
        so = pltpu.async_copy(bufs[b], xg_hbm.at[io_v.at[c]], ssems[b])
        stores[b] = (se, so)
    for st in stores:
        if st is not None:
            st[0].wait()
            st[1].wait()


_G_PW = N // NW
_G_CH = 32
_G_NCH = _G_PW // _G_CH


@functools.partial(
    pl.kernel, mesh=_SC_MESH,
    out_type=jax.ShapeDtypeStruct((N, H // 2), jnp.float32),
    scratch_types=[
        pltpu.VMEM((_G_PW,), jnp.int32),
        pltpu.VMEM((_G_CH, H // 2), jnp.float32),
        pltpu.VMEM((_G_CH, H // 2), jnp.float32),
        pltpu.SemaphoreType.DMA,
        pltpu.SemaphoreType.DMA,
        pltpu.SemaphoreType.DMA,
        pltpu.SemaphoreType.DMA,
    ],
)
def _combine_gather(yg_hbm, idx_hbm, out_hbm, idx_v, rows0, rows1,
                    gsem0, gsem1, ssem0, ssem1):
    wid = lax.axis_index("s") * NC + lax.axis_index("c")
    base = wid * _G_PW
    pltpu.sync_copy(idx_hbm.at[pl.ds(base, _G_PW)], idx_v)
    bufs = (rows0, rows1)
    gsems = (gsem0, gsem1)
    ssems = (ssem0, ssem1)

    def gather(c, b):
        return pltpu.async_copy(
            yg_hbm.at[idx_v.at[pl.ds(c * _G_CH, _G_CH)]], bufs[b], gsems[b])

    stores = [None, None]
    gs = [gather(0, 0), None]
    for c in range(_G_NCH):
        b = c & 1
        nb = 1 - b
        if c + 1 < _G_NCH:
            if stores[nb] is not None:
                stores[nb].wait()
            gs[nb] = gather(c + 1, nb)
        gs[b].wait()
        stores[b] = pltpu.async_copy(
            bufs[b], out_hbm.at[pl.ds(base + c * _G_CH, _G_CH)], ssems[b])
    for st in stores:
        if st is not None:
            st.wait()


def _ffn_body(te_ref, x_ref, w1_ref, w3_ref, w2_ref, o_ref):
    del te_ref
    x = _unpack_rows(x_ref[...])
    h1 = lax.dot_general(x, w1_ref[0], (((1,), (1,)), ((), ())),
                         preferred_element_type=jnp.float32)
    h3 = lax.dot_general(x, w3_ref[0], (((1,), (1,)), ((), ())),
                         preferred_element_type=jnp.float32)
    hh = h1 * lax.logistic(h1) * h3
    y = lax.dot_general(hh, w2_ref[0], (((1,), (1,)), ((), ())),
                        preferred_element_type=jnp.float32)
    o_ref[...] = _pack_rows(y)


def _ffn(tile_expert, xg, w1b, w3b, w2b):
    grid_spec = pltpu.PrefetchScalarGridSpec(
        num_scalar_prefetch=1,
        grid=(NT,),
        in_specs=[
            pl.BlockSpec((M, H // 2), lambda i, te: (i, 0)),
            pl.BlockSpec((1, FE, H), lambda i, te: (te[i], 0, 0)),
            pl.BlockSpec((1, FE, H), lambda i, te: (te[i], 0, 0)),
            pl.BlockSpec((1, H, FE), lambda i, te: (te[i], 0, 0)),
        ],
        out_specs=pl.BlockSpec((M, H // 2), lambda i, te: (i, 0)),
    )
    return pl.pallas_call(
        _ffn_body,
        grid_spec=grid_spec,
        out_shape=jax.ShapeDtypeStruct((PN, H // 2), jnp.float32),
    )(tile_expert, xg, w1b, w3b, w2b)


def _shared_body(x_ref, w1_ref, w3_ref, w2_ref, o_ref):
    x = x_ref[...]
    h1 = lax.dot_general(x, w1_ref[...], (((1,), (1,)), ((), ())),
                         preferred_element_type=jnp.float32)
    h3 = lax.dot_general(x, w3_ref[...], (((1,), (1,)), ((), ())),
                         preferred_element_type=jnp.float32)
    hh = h1 * lax.logistic(h1) * h3
    o_ref[...] = lax.dot_general(hh, w2_ref[...], (((1,), (1,)), ((), ())),
                                 preferred_element_type=jnp.float32)


def _shared(xf, ws1b, ws3b, ws2b):
    bt = 512
    return pl.pallas_call(
        _shared_body,
        grid=(T // bt,),
        in_specs=[
            pl.BlockSpec((bt, H), lambda i: (i, 0)),
            pl.BlockSpec((FS, H), lambda i: (0, 0)),
            pl.BlockSpec((FS, H), lambda i: (0, 0)),
            pl.BlockSpec((H, FS), lambda i: (0, 0)),
        ],
        out_specs=pl.BlockSpec((bt, H), lambda i: (i, 0)),
        out_shape=jax.ShapeDtypeStruct((T, H), jnp.float32),
    )(xf, ws1b, ws3b, ws2b)


def _add_body(s_ref, w_ref, y0_ref, y1_ref, o_ref):
    w0 = w_ref[:, 0:1]
    w1 = w_ref[:, 1:2]
    y0 = _unpack_rows(y0_ref[0])
    y1 = _unpack_rows(y1_ref[0])
    o_ref[...] = s_ref[...] + w0 * y0 + w1 * y1


def _final_add(shared, topw_p, yt2):
    bt = 512
    return pl.pallas_call(
        _add_body,
        grid=(T // bt,),
        in_specs=[
            pl.BlockSpec((bt, H), lambda i: (i, 0)),
            pl.BlockSpec((bt, 128), lambda i: (i, 0)),
            pl.BlockSpec((1, bt, H // 2), lambda i: (0, i, 0)),
            pl.BlockSpec((1, bt, H // 2), lambda i: (1, i, 0)),
        ],
        out_specs=pl.BlockSpec((bt, H), lambda i: (i, 0)),
        out_shape=jax.ShapeDtypeStruct((T, H), jnp.float32),
    )(shared, topw_p, yt2, yt2)


def kernel(x, Wg, W1, W2, W3, Ws1, Ws2, Ws3):
    xf = x.reshape(T, H)
    wgp = jnp.zeros((H, 128), jnp.float32).at[:, :E].set(Wg.T)
    topi_p, topw_p, xfp, rk_p, cnt = _router(xf, wgp)
    dest_p, te_p = _plumb(cnt, topi_p, rk_p)
    tile_expert = te_p[0, :NT]
    d0 = dest_p[:, 0]
    d1 = dest_p[:, 1]
    de3 = d0.reshape(NW, _D_NCH, _D_CH)
    do3 = d1.reshape(NW, _D_NCH, _D_CH)
    cidx = jnp.concatenate([d0, d1])

    xg = _dispatch(xfp, de3, do3)
    yg = _ffn(tile_expert, xg, W1, W3, W2)
    shared = _shared(xf, Ws1, Ws3, Ws2)
    yt2 = _combine_gather(yg, cidx).reshape(2, T, H // 2)
    out = _final_add(shared, topw_p, yt2)
    return out.reshape(B, S, H)

# --- scband reference (transcript-rebuilt; emitter-appended) ---
"""Pipeline reference for scband-mo-efeed-forward-17248588661299 (READ-ONLY COPY).

The authoritative reference and input builder live on the scoring server;
editing this copy changes nothing except your own understanding.
"""

import jax, jax.numpy as jnp
import numpy as np

B, S, H = 2, 2048, 1024
E, K = 16, 2
FE, FS = 512, 1408

def setup_inputs(seed: int = 0) -> dict:
    key = jax.random.key(seed)
    ks = jax.random.split(key, 8)
    x = jax.random.normal(ks[0], (B, S, H), dtype=jnp.float32)
    Wg = 0.02 * jax.random.normal(ks[1], (E, H), dtype=jnp.float32)
    W1 = 0.02 * jax.random.normal(ks[2], (E, FE, H), dtype=jnp.float32)
    W2 = 0.02 * jax.random.normal(ks[3], (E, H, FE), dtype=jnp.float32)
    W3 = 0.02 * jax.random.normal(ks[4], (E, FE, H), dtype=jnp.float32)
    Ws1 = 0.02 * jax.random.normal(ks[5], (FS, H), dtype=jnp.float32)
    Ws2 = 0.02 * jax.random.normal(ks[6], (H, FS), dtype=jnp.float32)
    Ws3 = 0.02 * jax.random.normal(ks[7], (FS, H), dtype=jnp.float32)
    return {"x": x, "Wg": Wg, "W1": W1, "W2": W2, "W3": W3, "Ws1": Ws1, "Ws2": Ws2, "Ws3": Ws3}

def reference(x, Wg, W1, W2, W3, Ws1, Ws2, Ws3):
    b, s, h = x.shape
    xf = x.reshape(-1, h)
    T = xf.shape[0]
    # MoEGate: top-k routing with softmax over selected logits
    logits = xf @ Wg.T                      # (T, E)
    topw, topi = jax.lax.top_k(logits, K)   # (T, K)
    topw = jax.nn.softmax(topw, axis=-1)
    # combine weights: dense (T, E) matrix, zero for unselected experts
    combine = jnp.zeros((T, E), dtype=x.dtype).at[jnp.arange(T)[:, None], topi].add(topw)
    # routed experts: SwiGLU FFN per expert, weighted combine (mathematically
    # identical to the torch loop with index_add_)
    h1 = jnp.einsum('td,efd->tef', xf, W1)   # (T, E, FE)
    h3 = jnp.einsum('td,efd->tef', xf, W3)   # (T, E, FE)
    hh = jax.nn.silu(h1) * h3 * combine[:, :, None]
    routed = jnp.einsum('tef,edf->td', hh, W2)  # (T, H)
    # shared expert (all tokens)
    shared = (jax.nn.silu(xf @ Ws1.T) * (xf @ Ws3.T)) @ Ws2.T
    out = routed + shared
    return out.reshape(b, s, h)

if __name__ == "__main__":
    import jax
    _d = setup_inputs()
    print(jax.jit(kernel)(*tuple(_d.values())))

</pallas_src>

<mosaic_0001>
#map = affine_map<(d0, d1) -> (0, 0)>
#map1 = affine_map<(d0, d1) -> (0)>
module attributes {stable_mosaic.version = 14 : i64} {
  func.func @_combine_gather(%arg0: i32, %arg1: i32, %arg2: memref<10240x512xf32, #tpu.memory_space<hbm>>, %arg3: memref<8192xi32, #tpu.memory_space<hbm>>, %arg4: memref<8192x512xf32, #tpu.memory_space<hbm>>, %arg5: memref<256xi32, #tpu.memory_space<vmem>>, %arg6: memref<32x512xf32, #tpu.memory_space<vmem>>, %arg7: memref<32x512xf32, #tpu.memory_space<vmem>>, %arg8: memref<!tpu.dma_semaphore, #tpu.memory_space<semaphore_mem>>, %arg9: memref<!tpu.dma_semaphore, #tpu.memory_space<semaphore_mem>>, %arg10: memref<!tpu.dma_semaphore, #tpu.memory_space<semaphore_mem>>, %arg11: memref<!tpu.dma_semaphore, #tpu.memory_space<semaphore_mem>>) attributes {dimension_semantics = [#tpu.dimension_semantics<core_parallel>, #tpu.dimension_semantics<subcore_parallel>], iteration_bounds = array<i64: 2, 16>, scalar_prefetch = 0 : i64, scratch_operands = 7 : i64, tpu.core_type = #tpu.core_type<sc_vector_subcore>, window_params = [{transform_indices = #map}, {transform_indices = #map1}, {transform_indices = #map}]} {
    %mul3A = arith.constant 2 : i32
    %mul3A_0 = arith.muli %arg1, %mul3A : i32
    %add3A = arith.addi %mul3A_0, %arg0 : i32
    %mul3A_1 = arith.constant 256 : i32
    %mul3A_2 = arith.muli %add3A, %mul3A_1 : i32
    "tpu.region"() ({
      %run_scoped3A = tpu.sem_alloc : memref<!tpu.dma_semaphore, #tpu.memory_space<semaphore_mem>>
      %dma_start3A_161 = tpu.memref_slice %arg3[%mul3A_2] : memref<8192xi32, #tpu.memory_space<hbm>> -> memref<256xi32, #tpu.memory_space<hbm>>
      %dma_start3A_162 = tpu.memref_slice %arg3[%mul3A_2] : memref<8192xi32, #tpu.memory_space<hbm>> -> memref<256xi32, #tpu.memory_space<hbm>>
      tpu.enqueue_dma source(%dma_start3A_162 : memref<256xi32, #tpu.memory_space<hbm>>) target(%arg5 : memref<256xi32, #tpu.memory_space<vmem>>) target_semaphore(%run_scoped3A : memref<!tpu.dma_semaphore, #tpu.memory_space<semaphore_mem>>)
      %dma_wait3A_163 = tpu.memref_slice %arg3[%mul3A_2] : memref<8192xi32, #tpu.memory_space<hbm>> -> memref<256xi32, #tpu.memory_space<hbm>>
      %dma_wait3A_164 = tpu.memref_slice %arg3[%mul3A_2] : memref<8192xi32, #tpu.memory_space<hbm>> -> memref<256xi32, #tpu.memory_space<hbm>>
      tpu.wait_dma2 semaphore(%run_scoped3A : memref<!tpu.dma_semaphore, #tpu.memory_space<semaphore_mem>>) src(%dma_wait3A_164 : memref<256xi32, #tpu.memory_space<hbm>>) dst(%arg5 : memref<256xi32, #tpu.memory_space<vmem>>)
      tpu.yield
    }) : () -> ()
    %dma_start3A = arith.constant 0 : i32
    %dma_start3A_3 = tpu.memref_slice %arg5[%dma_start3A] : memref<256xi32, #tpu.memory_space<vmem>> -> memref<32xi32, #tpu.memory_space<vmem>>
    %dma_start3A_4 = arith.constant 0 : i32
    %dma_start3A_5 = arith.constant 0 : i32
    %dma_start3A_6 = tpu.memref_slice %arg2[%dma_start3A_4, %dma_start3A_5] : memref<10240x512xf32, #tpu.memory_space<hbm>> -> memref<10240x512xf32, #tpu.memory_space<hbm>>
    tpu.enqueue_indirect_dma source(%dma_start3A_6 : memref<10240x512xf32, #tpu.memory_space<hbm>>) target(%arg6 : memref<32x512xf32, #tpu.memory_space<vmem>>) offsets(%dma_start3A_3 : memref<32xi32, #tpu.memory_space<vmem>>) semaphore(%arg8 : memref<!tpu.dma_semaphore, #tpu.memory_space<semaphore_mem>>)
    %dma_start3A_7 = arith.constant 32 : i32
    %dma_start3A_8 = tpu.memref_slice %arg5[%dma_start3A_7] : memref<256xi32, #tpu.memory_space<vmem>> -> memref<32xi32, #tpu.memory_space<vmem>>
    %dma_start3A_9 = arith.constant 0 : i32
    %dma_start3A_10 = arith.constant 0 : i32
    %dma_start3A_11 = tpu.memref_slice %arg2[%dma_start3A_9, %dma_start3A_10] : memref<10240x512xf32, #tpu.memory_space<hbm>> -> memref<10240x512xf32, #tpu.memory_space<hbm>>
    tpu.enqueue_indirect_dma source(%dma_start3A_11 : memref<10240x512xf32, #tpu.memory_space<hbm>>) target(%arg7 : memref<32x512xf32, #tpu.memory_space<vmem>>) offsets(%dma_start3A_8 : memref<32xi32, #tpu.memory_space<vmem>>) semaphore(%arg9 : memref<!tpu.dma_semaphore, #tpu.memory_space<semaphore_mem>>)
    %dma_wait3A = arith.constant 0 : i32
    %dma_wait3A_12 = tpu.memref_slice %arg5[%dma_wait3A] : memref<256xi32, #tpu.memory_space<vmem>> -> memref<32xi32, #tpu.memory_space<vmem>>
    %dma_wait3A_13 = arith.constant 0 : i32
    %dma_wait3A_14 = arith.constant 0 : i32
    %dma_wait3A_15 = tpu.memref_slice %arg2[%dma_wait3A_13, %dma_wait3A_14] : memref<10240x512xf32, #tpu.memory_space<hbm>> -> memref<10240x512xf32, #tpu.memory_space<hbm>>
    tpu.wait_indirect_dma semaphore(%arg8 : memref<!tpu.dma_semaphore, #tpu.memory_space<semaphore_mem>>) src(%dma_wait3A_15 : memref<10240x512xf32, #tpu.memory_space<hbm>>) dst(%arg6 : memref<32x512xf32, #tpu.memory_space<vmem>>)
    %add3A_16 = arith.constant 0 : i32
    %add3A_17 = arith.addi %mul3A_2, %add3A_16 : i32
    %dma_start3A_18 = arith.constant 0 : i32
    %dma_start3A_19 = tpu.memref_slice %arg4[%add3A_17, %dma_start3A_18] : memref<8192x512xf32, #tpu.memory_space<hbm>> -> memref<32x512xf32, #tpu.memory_space<hbm>>
    %dma_start3A_20 = arith.constant 0 : i32
    %dma_start3A_21 = tpu.memref_slice %arg4[%add3A_17, %dma_start3A_20] : memref<8192x512xf32, #tpu.memory_space<hbm>> -> memref<32x512xf32, #tpu.memory_space<hbm>>
    tpu.enqueue_dma source(%arg6 : memref<32x512xf32, #tpu.memory_space<vmem>>) target(%dma_start3A_21 : memref<32x512xf32, #tpu.memory_space<hbm>>) target_semaphore(%arg10 : memref<!tpu.dma_semaphore, #tpu.memory_space<semaphore_mem>>)
    %dma_wait3A_22 = arith.constant 0 : i32
    %dma_wait3A_23 = tpu.memref_slice %arg4[%add3A_17, %dma_wait3A_22] : memref<8192x512xf32, #tpu.memory_space<hbm>> -> memref<32x512xf32, #tpu.memory_space<hbm>>
    %dma_wait3A_24 = arith.constant 0 : i32
    %dma_wait3A_25 = tpu.memref_slice %arg4[%add3A_17, %dma_wait3A_24] : memref<8192x512xf32, #tpu.memory_space<hbm>> -> memref<32x512xf32, #tpu.memory_space<hbm>>
    tpu.wait_dma2 semaphore(%arg10 : memref<!tpu.dma_semaphore, #tpu.memory_space<semaphore_mem>>) src(%arg6 : memref<32x512xf32, #tpu.memory_space<vmem>>) dst(%dma_wait3A_25 : memref<32x512xf32, #tpu.memory_space<hbm>>)
    %dma_start3A_26 = arith.constant 64 : i32
    %dma_start3A_27 = tpu.memref_slice %arg5[%dma_start3A_26] : memref<256xi32, #tpu.memory_space<vmem>> -> memref<32xi32, #tpu.memory_space<vmem>>
    %dma_start3A_28 = arith.constant 0 : i32
    %dma_start3A_29 = arith.constant 0 : i32
    %dma_start3A_30 = tpu.memref_slice %arg2[%dma_start3A_28, %dma_start3A_29] : memref<10240x512xf32, #tpu.memory_space<hbm>> -> memref<10240x512xf32, #tpu.memory_space<hbm>>
    tpu.enqueue_indirect_dma source(%dma_start3A_30 : memref<10240x512xf32, #tpu.memory_space<hbm>>) target(%arg6 : memref<32x512xf32, #tpu.memory_space<vmem>>) offsets(%dma_start3A_27 : memref<32xi32, #tpu.memory_space<vmem>>) semaphore(%arg8 : memref<!tpu.dma_semaphore, #tpu.memory_space<semaphore_mem>>)
    %dma_wait3A_31 = arith.constant 32 : i32
    %dma_wait3A_32 = tpu.memref_slice %arg5[%dma_wait3A_31] : memref<256xi32, #tpu.memory_space<vmem>> -> memref<32xi32, #tpu.memory_space<vmem>>
    %dma_wait3A_33 = arith.constant 0 : i32
    %dma_wait3A_34 = arith.constant 0 : i32
    %dma_wait3A_35 = tpu.memref_slice %arg2[%dma_wait3A_33, %dma_wait3A_34] : memref<10240x512xf32, #tpu.memory_space<hbm>> -> memref<10240x512xf32, #tpu.memory_space<hbm>>
    tpu.wait_indirect_dma semaphore(%arg9 : memref<!tpu.dma_semaphore, #tpu.memory_space<semaphore_mem>>) src(%dma_wait3A_35 : memref<10240x512xf32, #tpu.memory_space<hbm>>) dst(%arg7 : memref<32x512xf32, #tpu.memory_space<vmem>>)
    %add3A_36 = arith.constant 32 : i32
    %add3A_37 = arith.addi %mul3A_2, %add3A_36 : i32
    %dma_start3A_38 = arith.constant 0 : i32
    %dma_start3A_39 = tpu.memref_slice %arg4[%add3A_37, %dma_start3A_38] : memref<8192x512xf32, #tpu.memory_space<hbm>> -> memref<32x512xf32, #tpu.memory_space<hbm>>
    %dma_start3A_40 = arith.constant 0 : i32
    %dma_start3A_41 = tpu.memref_slice %arg4[%add3A_37, %dma_start3A_40] : memref<8192x512xf32, #tpu.memory_space<hbm>> -> memref<32x512xf32, #tpu.memory_space<hbm>>
    tpu.enqueue_dma source(%arg7 : memref<32x512xf32, #tpu.memory_space<vmem>>) target(%dma_start3A_41 : memref<32x512xf32, #tpu.memory_space<hbm>>) target_semaphore(%arg11 : memref<!tpu.dma_semaphore, #tpu.memory_space<semaphore_mem>>)
    %dma_wait3A_42 = arith.constant 0 : i32
    %dma_wait3A_43 = tpu.memref_slice %arg4[%add3A_37, %dma_wait3A_42] : memref<8192x512xf32, #tpu.memory_space<hbm>> -> memref<32x512xf32, #tpu.memory_space<hbm>>
    %dma_wait3A_44 = arith.constant 0 : i32
    %dma_wait3A_45 = tpu.memref_slice %arg4[%add3A_37, %dma_wait3A_44] : memref<8192x512xf32, #tpu.memory_space<hbm>> -> memref<32x512xf32, #tpu.memory_space<hbm>>
    tpu.wait_dma2 semaphore(%arg11 : memref<!tpu.dma_semaphore, #tpu.memory_space<semaphore_mem>>) src(%arg7 : memref<32x512xf32, #tpu.memory_space<vmem>>) dst(%dma_wait3A_45 : memref<32x512xf32, #tpu.memory_space<hbm>>)
    %dma_start3A_46 = arith.constant 96 : i32
    %dma_start3A_47 = tpu.memref_slice %arg5[%dma_start3A_46] : memref<256xi32, #tpu.memory_space<vmem>> -> memref<32xi32, #tpu.memory_space<vmem>>
    %dma_start3A_48 = arith.constant 0 : i32
    %dma_start3A_49 = arith.constant 0 : i32
    %dma_start3A_50 = tpu.memref_slice %arg2[%dma_start3A_48, %dma_start3A_49] : memref<10240x512xf32, #tpu.memory_space<hbm>> -> memref<10240x512xf32, #tpu.memory_space<hbm>>
    tpu.enqueue_indirect_dma source(%dma_start3A_50 : memref<10240x512xf32, #tpu.memory_space<hbm>>) target(%arg7 : memref<32x512xf32, #tpu.memory_space<vmem>>) offsets(%dma_start3A_47 : memref<32xi32, #tpu.memory_space<vmem>>) semaphore(%arg9 : memref<!tpu.dma_semaphore, #tpu.memory_space<semaphore_mem>>)
    %dma_wait3A_51 = arith.constant 64 : i32
    %dma_wait3A_52 = tpu.memref_slice %arg5[%dma_wait3A_51] : memref<256xi32, #tpu.memory_space<vmem>> -> memref<32xi32, #tpu.memory_space<vmem>>
    %dma_wait3A_53 = arith.constant 0 : i32
    %dma_wait3A_54 = arith.constant 0 : i32
    %dma_wait3A_55 = tpu.memref_slice %arg2[%dma_wait3A_53, %dma_wait3A_54] : memref<10240x512xf32, #tpu.memory_space<hbm>> -> memref<10240x512xf32, #tpu.memory_space<hbm>>
    tpu.wait_indirect_dma semaphore(%arg8 : memref<!tpu.dma_semaphore, #tpu.memory_space<semaphore_mem>>) src(%dma_wait3A_55 : memref<10240x512xf32, #tpu.memory_space<hbm>>) dst(%arg6 : memref<32x512xf32, #tpu.memory_space<vmem>>)
    %add3A_56 = arith.constant 64 : i32
    %add3A_57 = arith.addi %mul3A_2, %add3A_56 : i32
    %dma_start3A_58 = arith.constant 0 : i32
    %dma_start3A_59 = tpu.memref_slice %arg4[%add3A_57, %dma_start3A_58] : memref<8192x512xf32, #tpu.memory_space<hbm>> -> memref<32x512xf32, #tpu.memory_space<hbm>>
    %dma_start3A_60 = arith.constant 0 : i32
    %dma_start3A_61 = tpu.memref_slice %arg4[%add3A_57, %dma_start3A_60] : memref<8192x512xf32, #tpu.memory_space<hbm>> -> memref<32x512xf32, #tpu.memory_space<hbm>>
    tpu.enqueue_dma source(%arg6 : memref<32x512xf32, #tpu.memory_space<vmem>>) target(%dma_start3A_61 : memref<32x512xf32, #tpu.memory_space<hbm>>) target_semaphore(%arg10 : memref<!tpu.dma_semaphore, #tpu.memory_space<semaphore_mem>>)
    %dma_wait3A_62 = arith.constant 0 : i32
    %dma_wait3A_63 = tpu.memref_slice %arg4[%add3A_57, %dma_wait3A_62] : memref<8192x512xf32, #tpu.memory_space<hbm>> -> memref<32x512xf32, #tpu.memory_space<hbm>>
    %dma_wait3A_64 = arith.constant 0 : i32
    %dma_wait3A_65 = tpu.memref_slice %arg4[%add3A_57, %dma_wait3A_64] : memref<8192x512xf32, #tpu.memory_space<hbm>> -> memref<32x512xf32, #tpu.memory_space<hbm>>
    tpu.wait_dma2 semaphore(%arg10 : memref<!tpu.dma_semaphore, #tpu.memory_space<semaphore_mem>>) src(%arg6 : memref<32x512xf32, #tpu.memory_space<vmem>>) dst(%dma_wait3A_65 : memref<32x512xf32, #tpu.memory_space<hbm>>)
    %dma_start3A_66 = arith.constant 128 : i32
    %dma_start3A_67 = tpu.memref_slice %arg5[%dma_start3A_66] : memref<256xi32, #tpu.memory_space<vmem>> -> memref<32xi32, #tpu.memory_space<vmem>>
    %dma_start3A_68 = arith.constant 0 : i32
    %dma_start3A_69 = arith.constant 0 : i32
    %dma_start3A_70 = tpu.memref_slice %arg2[%dma_start3A_68, %dma_start3A_69] : memref<10240x512xf32, #tpu.memory_space<hbm>> -> memref<10240x512xf32, #tpu.memory_space<hbm>>
    tpu.enqueue_indirect_dma source(%dma_start3A_70 : memref<10240x512xf32, #tpu.memory_space<hbm>>) target(%arg6 : memref<32x512xf32, #tpu.memory_space<vmem>>) offsets(%dma_start3A_67 : memref<32xi32, #tpu.memory_space<vmem>>) semaphore(%arg8 : memref<!tpu.dma_semaphore, #tpu.memory_space<semaphore_mem>>)
    %dma_wait3A_71 = arith.constant 96 : i32
    %dma_wait3A_72 = tpu.memref_slice %arg5[%dma_wait3A_71] : memref<256xi32, #tpu.memory_space<vmem>> -> memref<32xi32, #tpu.memory_space<vmem>>
    %dma_wait3A_73 = arith.constant 0 : i32
    %dma_wait3A_74 = arith.constant 0 : i32
    %dma_wait3A_75 = tpu.memref_slice %arg2[%dma_wait3A_73, %dma_wait3A_74] : memref<10240x512xf32, #tpu.memory_space<hbm>> -> memref<10240x512xf32, #tpu.memory_space<hbm>>
    tpu.wait_indirect_dma semaphore(%arg9 : memref<!tpu.dma_semaphore, #tpu.memory_space<semaphore_mem>>) src(%dma_wait3A_75 : memref<10240x512xf32, #tpu.memory_space<hbm>>) dst(%arg7 : memref<32x512xf32, #tpu.memory_space<vmem>>)
    %add3A_76 = arith.constant 96 : i32
    %add3A_77 = arith.addi %mul3A_2, %add3A_76 : i32
    %dma_start3A_78 = arith.constant 0 : i32
    %dma_start3A_79 = tpu.memref_slice %arg4[%add3A_77, %dma_start3A_78] : memref<8192x512xf32, #tpu.memory_space<hbm>> -> memref<32x512xf32, #tpu.memory_space<hbm>>
    %dma_start3A_80 = arith.constant 0 : i32
    %dma_start3A_81 = tpu.memref_slice %arg4[%add3A_77, %dma_start3A_80] : memref<8192x512xf32, #tpu.memory_space<hbm>> -> memref<32x512xf32, #tpu.memory_space<hbm>>
    tpu.enqueue_dma source(%arg7 : memref<32x512xf32, #tpu.memory_space<vmem>>) target(%dma_start3A_81 : memref<32x512xf32, #tpu.memory_space<hbm>>) target_semaphore(%arg11 : memref<!tpu.dma_semaphore, #tpu.memory_space<semaphore_mem>>)
    %dma_wait3A_82 = arith.constant 0 : i32
    %dma_wait3A_83 = tpu.memref_slice %arg4[%add3A_77, %dma_wait3A_82] : memref<8192x512xf32, #tpu.memory_space<hbm>> -> memref<32x512xf32, #tpu.memory_space<hbm>>
    %dma_wait3A_84 = arith.constant 0 : i32
    %dma_wait3A_85 = tpu.memref_slice %arg4[%add3A_77, %dma_wait3A_84] : memref<8192x512xf32, #tpu.memory_space<hbm>> -> memref<32x512xf32, #tpu.memory_space<hbm>>
    tpu.wait_dma2 semaphore(%arg11 : memref<!tpu.dma_semaphore, #tpu.memory_space<semaphore_mem>>) src(%arg7 : memref<32x512xf32, #tpu.memory_space<vmem>>) dst(%dma_wait3A_85 : memref<32x512xf32, #tpu.memory_space<hbm>>)
    %dma_start3A_86 = arith.constant 160 : i32
    %dma_start3A_87 = tpu.memref_slice %arg5[%dma_start3A_86] : memref<256xi32, #tpu.memory_space<vmem>> -> memref<32xi32, #tpu.memory_space<vmem>>
    %dma_start3A_88 = arith.constant 0 : i32
    %dma_start3A_89 = arith.constant 0 : i32
    %dma_start3A_90 = tpu.memref_slice %arg2[%dma_start3A_88, %dma_start3A_89] : memref<10240x512xf32, #tpu.memory_space<hbm>> -> memref<10240x512xf32, #tpu.memory_space<hbm>>
    tpu.enqueue_indirect_dma source(%dma_start3A_90 : memref<10240x512xf32, #tpu.memory_space<hbm>>) target(%arg7 : memref<32x512xf32, #tpu.memory_space<vmem>>) offsets(%dma_start3A_87 : memref<32xi32, #tpu.memory_space<vmem>>) semaphore(%arg9 : memref<!tpu.dma_semaphore, #tpu.memory_space<semaphore_mem>>)
    %dma_wait3A_91 = arith.constant 128 : i32
    %dma_wait3A_92 = tpu.memref_slice %arg5[%dma_wait3A_91] : memref<256xi32, #tpu.memory_space<vmem>> -> memref<32xi32, #tpu.memory_space<vmem>>
    %dma_wait3A_93 = arith.constant 0 : i32
    %dma_wait3A_94 = arith.constant 0 : i32
    %dma_wait3A_95 = tpu.memref_slice %arg2[%dma_wait3A_93, %dma_wait3A_94] : memref<10240x512xf32, #tpu.memory_space<hbm>> -> memref<10240x512xf32, #tpu.memory_space<hbm>>
    tpu.wait_indirect_dma semaphore(%arg8 : memref<!tpu.dma_semaphore, #tpu.memory_space<semaphore_mem>>) src(%dma_wait3A_95 : memref<10240x512xf32, #tpu.memory_space<hbm>>) dst(%arg6 : memref<32x512xf32, #tpu.memory_space<vmem>>)
    %add3A_96 = arith.constant 128 : i32
    %add3A_97 = arith.addi %mul3A_2, %add3A_96 : i32
    %dma_start3A_98 = arith.constant 0 : i32
    %dma_start3A_99 = tpu.memref_slice %arg4[%add3A_97, %dma_start3A_98] : memref<8192x512xf32, #tpu.memory_space<hbm>> -> memref<32x512xf32, #tpu.memory_space<hbm>>
    %dma_start3A_100 = arith.constant 0 : i32
    %dma_start3A_101 = tpu.memref_slice %arg4[%add3A_97, %dma_start3A_100] : memref<8192x512xf32, #tpu.memory_space<hbm>> -> memref<32x512xf32, #tpu.memory_space<hbm>>
    tpu.enqueue_dma source(%arg6 : memref<32x512xf32, #tpu.memory_space<vmem>>) target(%dma_start3A_101 : memref<32x512xf32, #tpu.memory_space<hbm>>) target_semaphore(%arg10 : memref<!tpu.dma_semaphore, #tpu.memory_space<semaphore_mem>>)
    %dma_wait3A_102 = arith.constant 0 : i32
    %dma_wait3A_103 = tpu.memref_slice %arg4[%add3A_97, %dma_wait3A_102] : memref<8192x512xf32, #tpu.memory_space<hbm>> -> memref<32x512xf32, #tpu.memory_space<hbm>>
    %dma_wait3A_104 = arith.constant 0 : i32
    %dma_wait3A_105 = tpu.memref_slice %arg4[%add3A_97, %dma_wait3A_104] : memref<8192x512xf32, #tpu.memory_space<hbm>> -> memref<32x512xf32, #tpu.memory_space<hbm>>
    tpu.wait_dma2 semaphore(%arg10 : memref<!tpu.dma_semaphore, #tpu.memory_space<semaphore_mem>>) src(%arg6 : memref<32x512xf32, #tpu.memory_space<vmem>>) dst(%dma_wait3A_105 : memref<32x512xf32, #tpu.memory_space<hbm>>)
    %dma_start3A_106 = arith.constant 192 : i32
    %dma_start3A_107 = tpu.memref_slice %arg5[%dma_start3A_106] : memref<256xi32, #tpu.memory_space<vmem>> -> memref<32xi32, #tpu.memory_space<vmem>>
    %dma_start3A_108 = arith.constant 0 : i32
    %dma_start3A_109 = arith.constant 0 : i32
    %dma_start3A_110 = tpu.memref_slice %arg2[%dma_start3A_108, %dma_start3A_109] : memref<10240x512xf32, #tpu.memory_space<hbm>> -> memref<10240x512xf32, #tpu.memory_space<hbm>>
    tpu.enqueue_indirect_dma source(%dma_start3A_110 : memref<10240x512xf32, #tpu.memory_space<hbm>>) target(%arg6 : memref<32x512xf32, #tpu.memory_space<vmem>>) offsets(%dma_start3A_107 : memref<32xi32, #tpu.memory_space<vmem>>) semaphore(%arg8 : memref<!tpu.dma_semaphore, #tpu.memory_space<semaphore_mem>>)
    %dma_wait3A_111 = arith.constant 160 : i32
    %dma_wait3A_112 = tpu.memref_slice %arg5[%dma_wait3A_111] : memref<256xi32, #tpu.memory_space<vmem>> -> memref<32xi32, #tpu.memory_space<vmem>>
    %dma_wait3A_113 = arith.constant 0 : i32
    %dma_wait3A_114 = arith.constant 0 : i32
    %dma_wait3A_115 = tpu.memref_slice %arg2[%dma_wait3A_113, %dma_wait3A_114] : memref<10240x512xf32, #tpu.memory_space<hbm>> -> memref<10240x512xf32, #tpu.memory_space<hbm>>
    tpu.wait_indirect_dma semaphore(%arg9 : memref<!tpu.dma_semaphore, #tpu.memory_space<semaphore_mem>>) src(%dma_wait3A_115 : memref<10240x512xf32, #tpu.memory_space<hbm>>) dst(%arg7 : memref<32x512xf32, #tpu.memory_space<vmem>>)
    %add3A_116 = arith.constant 160 : i32
    %add3A_117 = arith.addi %mul3A_2, %add3A_116 : i32
    %dma_start3A_118 = arith.constant 0 : i32
    %dma_start3A_119 = tpu.memref_slice %arg4[%add3A_117, %dma_start3A_118] : memref<8192x512xf32, #tpu.memory_space<hbm>> -> memref<32x512xf32, #tpu.memory_space<hbm>>
    %dma_start3A_120 = arith.constant 0 : i32
    %dma_start3A_121 = tpu.memref_slice %arg4[%add3A_117, %dma_start3A_120] : memref<8192x512xf32, #tpu.memory_space<hbm>> -> memref<32x512xf32, #tpu.memory_space<hbm>>
    tpu.enqueue_dma source(%arg7 : memref<32x512xf32, #tpu.memory_space<vmem>>) target(%dma_start3A_121 : memref<32x512xf32, #tpu.memory_space<hbm>>) target_semaphore(%arg11 : memref<!tpu.dma_semaphore, #tpu.memory_space<semaphore_mem>>)
    %dma_wait3A_122 = arith.constant 0 : i32
    %dma_wait3A_123 = tpu.memref_slice %arg4[%add3A_117, %dma_wait3A_122] : memref<8192x512xf32, #tpu.memory_space<hbm>> -> memref<32x512xf32, #tpu.memory_space<hbm>>
    %dma_wait3A_124 = arith.constant 0 : i32
    %dma_wait3A_125 = tpu.memref_slice %arg4[%add3A_117, %dma_wait3A_124] : memref<8192x512xf32, #tpu.memory_space<hbm>> -> memref<32x512xf32, #tpu.memory_space<hbm>>
    tpu.wait_dma2 semaphore(%arg11 : memref<!tpu.dma_semaphore, #tpu.memory_space<semaphore_mem>>) src(%arg7 : memref<32x512xf32, #tpu.memory_space<vmem>>) dst(%dma_wait3A_125 : memref<32x512xf32, #tpu.memory_space<hbm>>)
    %dma_start3A_126 = arith.constant 224 : i32
    %dma_start3A_127 = tpu.memref_slice %arg5[%dma_start3A_126] : memref<256xi32, #tpu.memory_space<vmem>> -> memref<32xi32, #tpu.memory_space<vmem>>
    %dma_start3A_128 = arith.constant 0 : i32
    %dma_start3A_129 = arith.constant 0 : i32
    %dma_start3A_130 = tpu.memref_slice %arg2[%dma_start3A_128, %dma_start3A_129] : memref<10240x512xf32, #tpu.memory_space<hbm>> -> memref<10240x512xf32, #tpu.memory_space<hbm>>
    tpu.enqueue_indirect_dma source(%dma_start3A_130 : memref<10240x512xf32, #tpu.memory_space<hbm>>) target(%arg7 : memref<32x512xf32, #tpu.memory_space<vmem>>) offsets(%dma_start3A_127 : memref<32xi32, #tpu.memory_space<vmem>>) semaphore(%arg9 : memref<!tpu.dma_semaphore, #tpu.memory_space<semaphore_mem>>)
    %dma_wait3A_131 = arith.constant 192 : i32
    %dma_wait3A_132 = tpu.memref_slice %arg5[%dma_wait3A_131] : memref<256xi32, #tpu.memory_space<vmem>> -> memref<32xi32, #tpu.memory_space<vmem>>
    %dma_wait3A_133 = arith.constant 0 : i32
    %dma_wait3A_134 = arith.constant 0 : i32
    %dma_wait3A_135 = tpu.memref_slice %arg2[%dma_wait3A_133, %dma_wait3A_134] : memref<10240x512xf32, #tpu.memory_space<hbm>> -> memref<10240x512xf32, #tpu.memory_space<hbm>>
    tpu.wait_indirect_dma semaphore(%arg8 : memref<!tpu.dma_semaphore, #tpu.memory_space<semaphore_mem>>) src(%dma_wait3A_135 : memref<10240x512xf32, #tpu.memory_space<hbm>>) dst(%arg6 : memref<32x512xf32, #tpu.memory_space<vmem>>)
    %add3A_136 = arith.constant 192 : i32
    %add3A_137 = arith.addi %mul3A_2, %add3A_136 : i32
    %dma_start3A_138 = arith.constant 0 : i32
    %dma_start3A_139 = tpu.memref_slice %arg4[%add3A_137, %dma_start3A_138] : memref<8192x512xf32, #tpu.memory_space<hbm>> -> memref<32x512xf32, #tpu.memory_space<hbm>>
    %dma_start3A_140 = arith.constant 0 : i32
    %dma_start3A_141 = tpu.memref_slice %arg4[%add3A_137, %dma_start3A_140] : memref<8192x512xf32, #tpu.memory_space<hbm>> -> memref<32x512xf32, #tpu.memory_space<hbm>>
    tpu.enqueue_dma source(%arg6 : memref<32x512xf32, #tpu.memory_space<vmem>>) target(%dma_start3A_141 : memref<32x512xf32, #tpu.memory_space<hbm>>) target_semaphore(%arg10 : memref<!tpu.dma_semaphore, #tpu.memory_space<semaphore_mem>>)
    %dma_wait3A_142 = arith.constant 224 : i32
    %dma_wait3A_143 = tpu.memref_slice %arg5[%dma_wait3A_142] : memref<256xi32, #tpu.memory_space<vmem>> -> memref<32xi32, #tpu.memory_space<vmem>>
    %dma_wait3A_144 = arith.constant 0 : i32
    %dma_wait3A_145 = arith.constant 0 : i32
    %dma_wait3A_146 = tpu.memref_slice %arg2[%dma_wait3A_144, %dma_wait3A_145] : memref<10240x512xf32, #tpu.memory_space<hbm>> -> memref<10240x512xf32, #tpu.memory_space<hbm>>
    tpu.wait_indirect_dma semaphore(%arg9 : memref<!tpu.dma_semaphore, #tpu.memory_space<semaphore_mem>>) src(%dma_wait3A_146 : memref<10240x512xf32, #tpu.memory_space<hbm>>) dst(%arg7 : memref<32x512xf32, #tpu.memory_space<vmem>>)
    %add3A_147 = arith.constant 224 : i32
    %add3A_148 = arith.addi %mul3A_2, %add3A_147 : i32
    %dma_start3A_149 = arith.constant 0 : i32
    %dma_start3A_150 = tpu.memref_slice %arg4[%add3A_148, %dma_start3A_149] : memref<8192x512xf32, #tpu.memory_space<hbm>> -> memref<32x512xf32, #tpu.memory_space<hbm>>
    %dma_start3A_151 = arith.constant 0 : i32
    %dma_start3A_152 = tpu.memref_slice %arg4[%add3A_148, %dma_start3A_151] : memref<8192x512xf32, #tpu.memory_space<hbm>> -> memref<32x512xf32, #tpu.memory_space<hbm>>
    tpu.enqueue_dma source(%arg7 : memref<32x512xf32, #tpu.memory_space<vmem>>) target(%dma_start3A_152 : memref<32x512xf32, #tpu.memory_space<hbm>>) target_semaphore(%arg11 : memref<!tpu.dma_semaphore, #tpu.memory_space<semaphore_mem>>)
    %dma_wait3A_153 = arith.constant 0 : i32
    %dma_wait3A_154 = tpu.memref_slice %arg4[%add3A_137, %dma_wait3A_153] : memref<8192x512xf32, #tpu.memory_space<hbm>> -> memref<32x512xf32, #tpu.memory_space<hbm>>
    %dma_wait3A_155 = arith.constant 0 : i32
    %dma_wait3A_156 = tpu.memref_slice %arg4[%add3A_137, %dma_wait3A_155] : memref<8192x512xf32, #tpu.memory_space<hbm>> -> memref<32x512xf32, #tpu.memory_space<hbm>>
    tpu.wait_dma2 semaphore(%arg10 : memref<!tpu.dma_semaphore, #tpu.memory_space<semaphore_mem>>) src(%arg6 : memref<32x512xf32, #tpu.memory_space<vmem>>) dst(%dma_wait3A_156 : memref<32x512xf32, #tpu.memory_space<hbm>>)
    %dma_wait3A_157 = arith.constant 0 : i32
    %dma_wait3A_158 = tpu.memref_slice %arg4[%add3A_148, %dma_wait3A_157] : memref<8192x512xf32, #tpu.memory_space<hbm>> -> memref<32x512xf32, #tpu.memory_space<hbm>>
    %dma_wait3A_159 = arith.constant 0 : i32
    %dma_wait3A_160 = tpu.memref_slice %arg4[%add3A_148, %dma_wait3A_159] : memref<8192x512xf32, #tpu.memory_space<hbm>> -> memref<32x512xf32, #tpu.memory_space<hbm>>
    tpu.wait_dma2 semaphore(%arg11 : memref<!tpu.dma_semaphore, #tpu.memory_space<semaphore_mem>>) src(%arg7 : memref<32x512xf32, #tpu.memory_space<vmem>>) dst(%dma_wait3A_160 : memref<32x512xf32, #tpu.memory_space<hbm>>)
    return
  }
}

#map = affine_map<(d0, d1) -> (0, 0)>
#map1 = affine_map<(d0, d1) -> (0, 0, 0)>
module attributes {stable_mosaic.version = 14 : i64} {
  func.func @_dispatch(%arg0: i32, %arg1: i32, %arg2: memref<4096x512xf32, #tpu.memory_space<hbm>>, %arg3: memref<32x4x32xi32, #tpu.memory_space<hbm>>, %arg4: memref<32x4x32xi32, #tpu.memory_space<hbm>>, %arg5: memref<10240x512xf32, #tpu.memory_space<hbm>>, %arg6: memref<4x32xi32, #tpu.memory_space<vmem>>, %arg7: memref<4x32xi32, #tpu.memory_space<vmem>>, %arg8: memref<32x512xf32, #tpu.memory_space<vmem>>, %arg9: memref<32x512xf32, #tpu.memory_space<vmem>>, %arg10: memref<!tpu.dma_semaphore, #tpu.memory_space<semaphore_mem>>, %arg11: memref<!tpu.dma_semaphore, #tpu.memory_space<semaphore_mem>>, %arg12: memref<!tpu.dma_semaphore, #tpu.memory_space<semaphore_mem>>, %arg13: memref<!tpu.dma_semaphore, #tpu.memory_space<semaphore_mem>>) attributes {dimension_semantics = [#tpu.dimension_semantics<core_parallel>, #tpu.dimension_semantics<subcore_parallel>], iteration_bounds = array<i64: 2, 16>, scalar_prefetch = 0 : i64, scratch_operands = 8 : i64, tpu.core_type = #tpu.core_type<sc_vector_subcore>, window_params = [{transform_indices = #map}, {transform_indices = #map1}, {transform_indices = #map1}, {transform_indices = #map}]} {
    %mul3A = arith.constant 2 : i32
    %mul3A_0 = arith.muli %arg1, %mul3A : i32
    %add3A = arith.addi %mul3A_0, %arg0 : i32
    %mul3A_1 = arith.constant 128 : i32
    %mul3A_2 = arith.muli %add3A, %mul3A_1 : i32
    "tpu.region"() ({
      %run_scoped3A = tpu.sem_alloc : memref<!tpu.dma_semaphore, #tpu.memory_space<semaphore_mem>>
      %dma_start3A_153 = arith.constant 0 : i32
      %dma_start3A_154 = arith.constant 0 : i32
      %dma_start3A_155 = tpu.memref_slice %arg3[%add3A, %dma_start3A_153, %dma_start3A_154] : memref<32x4x32xi32, #tpu.memory_space<hbm>> -> memref<1x4x32xi32, #tpu.memory_space<hbm>>
      %dma_start3A_156 = tpu.memref_squeeze %dma_start3A_155 : memref<1x4x32xi32, #tpu.memory_space<hbm>> -> memref<4x32xi32, #tpu.memory_space<hbm>>
      %dma_start3A_157 = arith.constant 0 : i32
      %dma_start3A_158 = arith.constant 0 : i32
      %dma_start3A_159 = tpu.memref_slice %arg3[%add3A, %dma_start3A_157, %dma_start3A_158] : memref<32x4x32xi32, #tpu.memory_space<hbm>> -> memref<1x4x32xi32, #tpu.memory_space<hbm>>
      %dma_start3A_160 = tpu.memref_squeeze %dma_start3A_159 : memref<1x4x32xi32, #tpu.memory_space<hbm>> -> memref<4x32xi32, #tpu.memory_space<hbm>>
      tpu.enqueue_dma source(%dma_start3A_160 : memref<4x32xi32, #tpu.memory_space<hbm>>) target(%arg6 : memref<4x32xi32, #tpu.memory_space<vmem>>) target_semaphore(%run_scoped3A : memref<!tpu.dma_semaphore, #tpu.memory_space<semaphore_mem>>)
      %dma_wait3A_161 = arith.constant 0 : i32
      %dma_wait3A_162 = arith.constant 0 : i32
      %dma_wait3A_163 = tpu.memref_slice %arg3[%add3A, %dma_wait3A_161, %dma_wait3A_162] : memref<32x4x32xi32, #tpu.memory_space<hbm>> -> memref<1x4x32xi32, #tpu.memory_space<hbm>>
      %dma_wait3A_164 = tpu.memref_squeeze %dma_wait3A_163 : memref<1x4x32xi32, #tpu.memory_space<hbm>> -> memref<4x32xi32, #tpu.memory_space<hbm>>
      %dma_wait3A_165 = arith.constant 0 : i32
      %dma_wait3A_166 = arith.constant 0 : i32
      %dma_wait3A_167 = tpu.memref_slice %arg3[%add3A, %dma_wait3A_165, %dma_wait3A_166] : memref<32x4x32xi32, #tpu.memory_space<hbm>> -> memref<1x4x32xi32, #tpu.memory_space<hbm>>
      %dma_wait3A_168 = tpu.memref_squeeze %dma_wait3A_167 : memref<1x4x32xi32, #tpu.memory_space<hbm>> -> memref<4x32xi32, #tpu.memory_space<hbm>>
      tpu.wait_dma2 semaphore(%run_scoped3A : memref<!tpu.dma_semaphore, #tpu.memory_space<semaphore_mem>>) src(%dma_wait3A_168 : memref<4x32xi32, #tpu.memory_space<hbm>>) dst(%arg6 : memref<4x32xi32, #tpu.memory_space<vmem>>)
      tpu.yield
    }) : () -> ()
    "tpu.region"() ({
      %run_scoped3A = tpu.sem_alloc : memref<!tpu.dma_semaphore, #tpu.memory_space<semaphore_mem>>
      %dma_start3A_153 = arith.constant 0 : i32
      %dma_start3A_154 = arith.constant 0 : i32
      %dma_start3A_155 = tpu.memref_slice %arg4[%add3A, %dma_start3A_153, %dma_start3A_154] : memref<32x4x32xi32, #tpu.memory_space<hbm>> -> memref<1x4x32xi32, #tpu.memory_space<hbm>>
      %dma_start3A_156 = tpu.memref_squeeze %dma_start3A_155 : memref<1x4x32xi32, #tpu.memory_space<hbm>> -> memref<4x32xi32, #tpu.memory_space<hbm>>
      %dma_start3A_157 = arith.constant 0 : i32
      %dma_start3A_158 = arith.constant 0 : i32
      %dma_start3A_159 = tpu.memref_slice %arg4[%add3A, %dma_start3A_157, %dma_start3A_158] : memref<32x4x32xi32, #tpu.memory_space<hbm>> -> memref<1x4x32xi32, #tpu.memory_space<hbm>>
      %dma_start3A_160 = tpu.memref_squeeze %dma_start3A_159 : memref<1x4x32xi32, #tpu.memory_space<hbm>> -> memref<4x32xi32, #tpu.memory_space<hbm>>
      tpu.enqueue_dma source(%dma_start3A_160 : memref<4x32xi32, #tpu.memory_space<hbm>>) target(%arg7 : memref<4x32xi32, #tpu.memory_space<vmem>>) target_semaphore(%run_scoped3A : memref<!tpu.dma_semaphore, #tpu.memory_space<semaphore_mem>>)
      %dma_wait3A_161 = arith.constant 0 : i32
      %dma_wait3A_162 = arith.constant 0 : i32
      %dma_wait3A_163 = tpu.memref_slice %arg4[%add3A, %dma_wait3A_161, %dma_wait3A_162] : memref<32x4x32xi32, #tpu.memory_space<hbm>> -> memref<1x4x32xi32, #tpu.memory_space<hbm>>
      %dma_wait3A_164 = tpu.memref_squeeze %dma_wait3A_163 : memref<1x4x32xi32, #tpu.memory_space<hbm>> -> memref<4x32xi32, #tpu.memory_space<hbm>>
      %dma_wait3A_165 = arith.constant 0 : i32
      %dma_wait3A_166 = arith.constant 0 : i32
      %dma_wait3A_167 = tpu.memref_slice %arg4[%add3A, %dma_wait3A_165, %dma_wait3A_166] : memref<32x4x32xi32, #tpu.memory_space<hbm>> -> memref<1x4x32xi32, #tpu.memory_space<hbm>>
      %dma_wait3A_168 = tpu.memref_squeeze %dma_wait3A_167 : memref<1x4x32xi32, #tpu.memory_space<hbm>> -> memref<4x32xi32, #tpu.memory_space<hbm>>
      tpu.wait_dma2 semaphore(%run_scoped3A : memref<!tpu.dma_semaphore, #tpu.memory_space<semaphore_mem>>) src(%dma_wait3A_168 : memref<4x32xi32, #tpu.memory_space<hbm>>) dst(%arg7 : memref<4x32xi32, #tpu.memory_space<vmem>>)
      tpu.yield
    }) : () -> ()
    %add3A_3 = arith.constant 0 : i32
    %add3A_4 = arith.addi %mul3A_2, %add3A_3 : i32
    %dma_start3A = arith.constant 0 : i32
    %dma_start3A_5 = tpu.memref_slice %arg2[%add3A_4, %dma_start3A] : memref<4096x512xf32, #tpu.memory_space<hbm>> -> memref<32x512xf32, #tpu.memory_space<hbm>>
    %dma_start3A_6 = arith.constant 0 : i32
    %dma_start3A_7 = tpu.memref_slice %arg2[%add3A_4, %dma_start3A_6] : memref<4096x512xf32, #tpu.memory_space<hbm>> -> memref<32x512xf32, #tpu.memory_space<hbm>>
    tpu.enqueue_dma source(%dma_start3A_7 : memref<32x512xf32, #tpu.memory_space<hbm>>) target(%arg8 : memref<32x512xf32, #tpu.memory_space<vmem>>) target_semaphore(%arg10 : memref<!tpu.dma_semaphore, #tpu.memory_space<semaphore_mem>>)
    %add3A_8 = arith.constant 32 : i32
    %add3A_9 = arith.addi %mul3A_2, %add3A_8 : i32
    %dma_start3A_10 = arith.constant 0 : i32
    %dma_start3A_11 = tpu.memref_slice %arg2[%add3A_9, %dma_start3A_10] : memref<4096x512xf32, #tpu.memory_space<hbm>> -> memref<32x512xf32, #tpu.memory_space<hbm>>
    %dma_start3A_12 = arith.constant 0 : i32
    %dma_start3A_13 = tpu.memref_slice %arg2[%add3A_9, %dma_start3A_12] : memref<4096x512xf32, #tpu.memory_space<hbm>> -> memref<32x512xf32, #tpu.memory_space<hbm>>
    tpu.enqueue_dma source(%dma_start3A_13 : memref<32x512xf32, #tpu.memory_space<hbm>>) target(%arg9 : memref<32x512xf32, #tpu.memory_space<vmem>>) target_semaphore(%arg11 : memref<!tpu.dma_semaphore, #tpu.memory_space<semaphore_mem>>)
    %dma_wait3A = arith.constant 0 : i32
    %dma_wait3A_14 = tpu.memref_slice %arg2[%add3A_4, %dma_wait3A] : memref<4096x512xf32, #tpu.memory_space<hbm>> -> memref<32x512xf32, #tpu.memory_space<hbm>>
    %dma_wait3A_15 = arith.constant 0 : i32
    %dma_wait3A_16 = tpu.memref_slice %arg2[%add3A_4, %dma_wait3A_15] : memref<4096x512xf32, #tpu.memory_space<hbm>> -> memref<32x512xf32, #tpu.memory_space<hbm>>
    tpu.wait_dma2 semaphore(%arg10 : memref<!tpu.dma_semaphore, #tpu.memory_space<semaphore_mem>>) src(%dma_wait3A_16 : memref<32x512xf32, #tpu.memory_space<hbm>>) dst(%arg8 : memref<32x512xf32, #tpu.memory_space<vmem>>)
    %dma_start3A_17 = arith.constant 0 : i32
    %dma_start3A_18 = arith.constant 0 : i32
    %dma_start3A_19 = tpu.memref_slice %arg6[%dma_start3A_17, %dma_start3A_18] : memref<4x32xi32, #tpu.memory_space<vmem>> -> memref<1x32xi32, #tpu.memory_space<vmem>>
    %dma_start3A_20 = tpu.memref_squeeze %dma_start3A_19 : memref<1x32xi32, #tpu.memory_space<vmem>> -> memref<32xi32, #tpu.memory_space<vmem>>
    %dma_start3A_21 = arith.constant 0 : i32
    %dma_start3A_22 = arith.constant 0 : i32
    %dma_start3A_23 = tpu.memref_slice %arg5[%dma_start3A_21, %dma_start3A_22] : memref<10240x512xf32, #tpu.memory_space<hbm>> -> memref<10240x512xf32, #tpu.memory_space<hbm>>
    tpu.enqueue_indirect_dma source(%arg8 : memref<32x512xf32, #tpu.memory_space<vmem>>) target(%dma_start3A_23 : memref<10240x512xf32, #tpu.memory_space<hbm>>) offsets(%dma_start3A_20 : memref<32xi32, #tpu.memory_space<vmem>>) semaphore(%arg12 : memref<!tpu.dma_semaphore, #tpu.memory_space<semaphore_mem>>)
    %dma_start3A_24 = arith.constant 0 : i32
    %dma_start3A_25 = arith.constant 0 : i32
    %dma_start3A_26 = tpu.memref_slice %arg7[%dma_start3A_24, %dma_start3A_25] : memref<4x32xi32, #tpu.memory_space<vmem>> -> memref<1x32xi32, #tpu.memory_space<vmem>>
    %dma_start3A_27 = tpu.memref_squeeze %dma_start3A_26 : memref<1x32xi32, #tpu.memory_space<vmem>> -> memref<32xi32, #tpu.memory_space<vmem>>
    %dma_start3A_28 = arith.constant 0 : i32
    %dma_start3A_29 = arith.constant 0 : i32
    %dma_start3A_30 = tpu.memref_slice %arg5[%dma_start3A_28, %dma_start3A_29] : memref<10240x512xf32, #tpu.memory_space<hbm>> -> memref<10240x512xf32, #tpu.memory_space<hbm>>
    tpu.enqueue_indirect_dma source(%arg8 : memref<32x512xf32, #tpu.memory_space<vmem>>) target(%dma_start3A_30 : memref<10240x512xf32, #tpu.memory_space<hbm>>) offsets(%dma_start3A_27 : memref<32xi32, #tpu.memory_space<vmem>>) semaphore(%arg12 : memref<!tpu.dma_semaphore, #tpu.memory_space<semaphore_mem>>)
    %dma_wait3A_31 = arith.constant 0 : i32
    %dma_wait3A_32 = arith.constant 0 : i32
    %dma_wait3A_33 = tpu.memref_slice %arg6[%dma_wait3A_31, %dma_wait3A_32] : memref<4x32xi32, #tpu.memory_space<vmem>> -> memref<1x32xi32, #tpu.memory_space<vmem>>
    %dma_wait3A_34 = tpu.memref_squeeze %dma_wait3A_33 : memref<1x32xi32, #tpu.memory_space<vmem>> -> memref<32xi32, #tpu.memory_space<vmem>>
    %dma_wait3A_35 = arith.constant 0 : i32
    %dma_wait3A_36 = arith.constant 0 : i32
    %dma_wait3A_37 = tpu.memref_slice %arg5[%dma_wait3A_35, %dma_wait3A_36] : memref<10240x512xf32, #tpu.memory_space<hbm>> -> memref<10240x512xf32, #tpu.memory_space<hbm>>
    tpu.wait_indirect_dma semaphore(%arg12 : memref<!tpu.dma_semaphore, #tpu.memory_space<semaphore_mem>>) src(%arg8 : memref<32x512xf32, #tpu.memory_space<vmem>>) dst(%dma_wait3A_37 : memref<10240x512xf32, #tpu.memory_space<hbm>>)
    %dma_wait3A_38 = arith.constant 0 : i32
    %dma_wait3A_39 = arith.constant 0 : i32
    %dma_wait3A_40 = tpu.memref_slice %arg7[%dma_wait3A_38, %dma_wait3A_39] : memref<4x32xi32, #tpu.memory_space<vmem>> -> memref<1x32xi32, #tpu.memory_space<vmem>>
    %dma_wait3A_41 = tpu.memref_squeeze %dma_wait3A_40 : memref<1x32xi32, #tpu.memory_space<vmem>> -> memref<32xi32, #tpu.memory_space<vmem>>
    %dma_wait3A_42 = arith.constant 0 : i32
    %dma_wait3A_43 = arith.constant 0 : i32
    %dma_wait3A_44 = tpu.memref_slice %arg5[%dma_wait3A_42, %dma_wait3A_43] : memref<10240x512xf32, #tpu.memory_space<hbm>> -> memref<10240x512xf32, #tpu.memory_space<hbm>>
    tpu.wait_indirect_dma semaphore(%arg12 : memref<!tpu.dma_semaphore, #tpu.memory_space<semaphore_mem>>) src(%arg8 : memref<32x512xf32, #tpu.memory_space<vmem>>) dst(%dma_wait3A_44 : memref<10240x512xf32, #tpu.memory_space<hbm>>)
    %add3A_45 = arith.constant 64 : i32
    %add3A_46 = arith.addi %mul3A_2, %add3A_45 : i32
    %dma_start3A_47 = arith.constant 0 : i32
    %dma_start3A_48 = tpu.memref_slice %arg2[%add3A_46, %dma_start3A_47] : memref<4096x512xf32, #tpu.memory_space<hbm>> -> memref<32x512xf32, #tpu.memory_space<hbm>>
    %dma_start3A_49 = arith.constant 0 : i32
    %dma_start3A_50 = tpu.memref_slice %arg2[%add3A_46, %dma_start3A_49] : memref<4096x512xf32, #tpu.memory_space<hbm>> -> memref<32x512xf32, #tpu.memory_space<hbm>>
    tpu.enqueue_dma source(%dma_start3A_50 : memref<32x512xf32, #tpu.memory_space<hbm>>) target(%arg8 : memref<32x512xf32, #tpu.memory_space<vmem>>) target_semaphore(%arg10 : memref<!tpu.dma_semaphore, #tpu.memory_space<semaphore_mem>>)
    %dma_wait3A_51 = arith.constant 0 : i32
    %dma_wait3A_52 = tpu.memref_slice %arg2[%add3A_9, %dma_wait3A_51] : memref<4096x512xf32, #tpu.memory_space<hbm>> -> memref<32x512xf32, #tpu.memory_space<hbm>>
    %dma_wait3A_53 = arith.constant 0 : i32
    %dma_wait3A_54 = tpu.memref_slice %arg2[%add3A_9, %dma_wait3A_53] : memref<4096x512xf32, #tpu.memory_space<hbm>> -> memref<32x512xf32, #tpu.memory_space<hbm>>
    tpu.wait_dma2 semaphore(%arg11 : memref<!tpu.dma_semaphore, #tpu.memory_space<semaphore_mem>>) src(%dma_wait3A_54 : memref<32x512xf32, #tpu.memory_space<hbm>>) dst(%arg9 : memref<32x512xf32, #tpu.memory_space<vmem>>)
    %dma_start3A_55 = arith.constant 1 : i32
    %dma_start3A_56 = arith.constant 0 : i32
    %dma_start3A_57 = tpu.memref_slice %arg6[%dma_start3A_55, %dma_start3A_56] : memref<4x32xi32, #tpu.memory_space<vmem>> -> memref<1x32xi32, #tpu.memory_space<vmem>>
    %dma_start3A_58 = tpu.memref_squeeze %dma_start3A_57 : memref<1x32xi32, #tpu.memory_space<vmem>> -> memref<32xi32, #tpu.memory_space<vmem>>
    %dma_start3A_59 = arith.constant 0 : i32
    %dma_start3A_60 = arith.constant 0 : i32
    %dma_start3A_61 = tpu.memref_slice %arg5[%dma_start3A_59, %dma_start3A_60] : memref<10240x512xf32, #tpu.memory_space<hbm>> -> memref<10240x512xf32, #tpu.memory_space<hbm>>
    tpu.enqueue_indirect_dma source(%arg9 : memref<32x512xf32, #tpu.memory_space<vmem>>) target(%dma_start3A_61 : memref<10240x512xf32, #tpu.memory_space<hbm>>) offsets(%dma_start3A_58 : memref<32xi32, #tpu.memory_space<vmem>>) semaphore(%arg13 : memref<!tpu.dma_semaphore, #tpu.memory_space<semaphore_mem>>)
    %dma_start3A_62 = arith.constant 1 : i32
    %dma_start3A_63 = arith.constant 0 : i32
    %dma_start3A_64 = tpu.memref_slice %arg7[%dma_start3A_62, %dma_start3A_63] : memref<4x32xi32, #tpu.memory_space<vmem>> -> memref<1x32xi32, #tpu.memory_space<vmem>>
    %dma_start3A_65 = tpu.memref_squeeze %dma_start3A_64 : memref<1x32xi32, #tpu.memory_space<vmem>> -> memref<32xi32, #tpu.memory_space<vmem>>
    %dma_start3A_66 = arith.constant 0 : i32
    %dma_start3A_67 = arith.constant 0 : i32
    %dma_start3A_68 = tpu.memref_slice %arg5[%dma_start3A_66, %dma_start3A_67] : memref<10240x512xf32, #tpu.memory_space<hbm>> -> memref<10240x512xf32, #tpu.memory_space<hbm>>
    tpu.enqueue_indirect_dma source(%arg9 : memref<32x512xf32, #tpu.memory_space<vmem>>) target(%dma_start3A_68 : memref<10240x512xf32, #tpu.memory_space<hbm>>) offsets(%dma_start3A_65 : memref<32xi32, #tpu.memory_space<vmem>>) semaphore(%arg13 : memref<!tpu.dma_semaphore, #tpu.memory_space<semaphore_mem>>)
    %dma_wait3A_69 = arith.constant 1 : i32
    %dma_wait3A_70 = arith.constant 0 : i32
    %dma_wait3A_71 = tpu.memref_slice %arg6[%dma_wait3A_69, %dma_wait3A_70] : memref<4x32xi32, #tpu.memory_space<vmem>> -> memref<1x32xi32, #tpu.memory_space<vmem>>
    %dma_wait3A_72 = tpu.memref_squeeze %dma_wait3A_71 : memref<1x32xi32, #tpu.memory_space<vmem>> -> memref<32xi32, #tpu.memory_space<vmem>>
    %dma_wait3A_73 = arith.constant 0 : i32
    %dma_wait3A_74 = arith.constant 0 : i32
    %dma_wait3A_75 = tpu.memref_slice %arg5[%dma_wait3A_73, %dma_wait3A_74] : memref<10240x512xf32, #tpu.memory_space<hbm>> -> memref<10240x512xf32, #tpu.memory_space<hbm>>
    tpu.wait_indirect_dma semaphore(%arg13 : memref<!tpu.dma_semaphore, #tpu.memory_space<semaphore_mem>>) src(%arg9 : memref<32x512xf32, #tpu.memory_space<vmem>>) dst(%dma_wait3A_75 : memref<10240x512xf32, #tpu.memory_space<hbm>>)
    %dma_wait3A_76 = arith.constant 1 : i32
    %dma_wait3A_77 = arith.constant 0 : i32
    %dma_wait3A_78 = tpu.memref_slice %arg7[%dma_wait3A_76, %dma_wait3A_77] : memref<4x32xi32, #tpu.memory_space<vmem>> -> memref<1x32xi32, #tpu.memory_space<vmem>>
    %dma_wait3A_79 = tpu.memref_squeeze %dma_wait3A_78 : memref<1x32xi32, #tpu.memory_space<vmem>> -> memref<32xi32, #tpu.memory_space<vmem>>
    %dma_wait3A_80 = arith.constant 0 : i32
    %dma_wait3A_81 = arith.constant 0 : i32
    %dma_wait3A_82 = tpu.memref_slice %arg5[%dma_wait3A_80, %dma_wait3A_81] : memref<10240x512xf32, #tpu.memory_space<hbm>> -> memref<10240x512xf32, #tpu.memory_space<hbm>>
    tpu.wait_indirect_dma semaphore(%arg13 : memref<!tpu.dma_semaphore, #tpu.memory_space<semaphore_mem>>) src(%arg9 : memref<32x512xf32, #tpu.memory_space<vmem>>) dst(%dma_wait3A_82 : memref<10240x512xf32, #tpu.memory_space<hbm>>)
    %add3A_83 = arith.constant 96 : i32
    %add3A_84 = arith.addi %mul3A_2, %add3A_83 : i32
    %dma_start3A_85 = arith.constant 0 : i32
    %dma_start3A_86 = tpu.memref_slice %arg2[%add3A_84, %dma_start3A_85] : memref<4096x512xf32, #tpu.memory_space<hbm>> -> memref<32x512xf32, #tpu.memory_space<hbm>>
    %dma_start3A_87 = arith.constant 0 : i32
    %dma_start3A_88 = tpu.memref_slice %arg2[%add3A_84, %dma_start3A_87] : memref<4096x512xf32, #tpu.memory_space<hbm>> -> memref<32x512xf32, #tpu.memory_space<hbm>>
    tpu.enqueue_dma source(%dma_start3A_88 : memref<32x512xf32, #tpu.memory_space<hbm>>) target(%arg9 : memref<32x512xf32, #tpu.memory_space<vmem>>) target_semaphore(%arg11 : memref<!tpu.dma_semaphore, #tpu.memory_space<semaphore_mem>>)
    %dma_wait3A_89 = arith.constant 0 : i32
    %dma_wait3A_90 = tpu.memref_slice %arg2[%add3A_46, %dma_wait3A_89] : memref<4096x512xf32, #tpu.memory_space<hbm>> -> memref<32x512xf32, #tpu.memory_space<hbm>>
    %dma_wait3A_91 = arith.constant 0 : i32
    %dma_wait3A_92 = tpu.memref_slice %arg2[%add3A_46, %dma_wait3A_91] : memref<4096x512xf32, #tpu.memory_space<hbm>> -> memref<32x512xf32, #tpu.memory_space<hbm>>
    tpu.wait_dma2 semaphore(%arg10 : memref<!tpu.dma_semaphore, #tpu.memory_space<semaphore_mem>>) src(%dma_wait3A_92 : memref<32x512xf32, #tpu.memory_space<hbm>>) dst(%arg8 : memref<32x512xf32, #tpu.memory_space<vmem>>)
    %dma_start3A_93 = arith.constant 2 : i32
    %dma_start3A_94 = arith.constant 0 : i32
    %dma_start3A_95 = tpu.memref_slice %arg6[%dma_start3A_93, %dma_start3A_94] : memref<4x32xi32, #tpu.memory_space<vmem>> -> memref<1x32xi32, #tpu.memory_space<vmem>>
    %dma_start3A_96 = tpu.memref_squeeze %dma_start3A_95 : memref<1x32xi32, #tpu.memory_space<vmem>> -> memref<32xi32, #tpu.memory_space<vmem>>
    %dma_start3A_97 = arith.constant 0 : i32
    %dma_start3A_98 = arith.constant 0 : i32
    %dma_start3A_99 = tpu.memref_slice %arg5[%dma_start3A_97, %dma_start3A_98] : memref<10240x512xf32, #tpu.memory_space<hbm>> -> memref<10240x512xf32, #tpu.memory_space<hbm>>
    tpu.enqueue_indirect_dma source(%arg8 : memref<32x512xf32, #tpu.memory_space<vmem>>) target(%dma_start3A_99 : memref<10240x512xf32, #tpu.memory_space<hbm>>) offsets(%dma_start3A_96 : memref<32xi32, #tpu.memory_space<vmem>>) semaphore(%arg12 : memref<!tpu.dma_semaphore, #tpu.memory_space<semaphore_mem>>)
    %dma_start3A_100 = arith.constant 2 : i32
    %dma_start3A_101 = arith.constant 0 : i32
    %dma_start3A_102 = tpu.memref_slice %arg7[%dma_start3A_100, %dma_start3A_101] : memref<4x32xi32, #tpu.memory_space<vmem>> -> memref<1x32xi32, #tpu.memory_space<vmem>>
    %dma_start3A_103 = tpu.memref_squeeze %dma_start3A_102 : memref<1x32xi32, #tpu.memory_space<vmem>> -> memref<32xi32, #tpu.memory_space<vmem>>
    %dma_start3A_104 = arith.constant 0 : i32
    %dma_start3A_105 = arith.constant 0 : i32
    %dma_start3A_106 = tpu.memref_slice %arg5[%dma_start3A_104, %dma_start3A_105] : memref<10240x512xf32, #tpu.memory_space<hbm>> -> memref<10240x512xf32, #tpu.memory_space<hbm>>
    tpu.enqueue_indirect_dma source(%arg8 : memref<32x512xf32, #tpu.memory_space<vmem>>) target(%dma_start3A_106 : memref<10240x512xf32, #tpu.memory_space<hbm>>) offsets(%dma_start3A_103 : memref<32xi32, #tpu.memory_space<vmem>>) semaphore(%arg12 : memref<!tpu.dma_semaphore, #tpu.memory_space<semaphore_mem>>)
    %dma_wait3A_107 = arith.constant 0 : i32
    %dma_wait3A_108 = tpu.memref_slice %arg2[%add3A_84, %dma_wait3A_107] : memref<4096x512xf32, #tpu.memory_space<hbm>> -> memref<32x512xf32, #tpu.memory_space<hbm>>
    %dma_wait3A_109 = arith.constant 0 : i32
    %dma_wait3A_110 = tpu.memref_slice %arg2[%add3A_84, %dma_wait3A_109] : memref<4096x512xf32, #tpu.memory_space<hbm>> -> memref<32x512xf32, #tpu.memory_space<hbm>>
    tpu.wait_dma2 semaphore(%arg11 : memref<!tpu.dma_semaphore, #tpu.memory_space<semaphore_mem>>) src(%dma_wait3A_110 : memref<32x512xf32, #tpu.memory_space<hbm>>) dst(%arg9 : memref<32x512xf32, #tpu.memory_space<vmem>>)
    %dma_start3A_111 = arith.constant 3 : i32
    %dma_start3A_112 = arith.constant 0 : i32
    %dma_start3A_113 = tpu.memref_slice %arg6[%dma_start3A_111, %dma_start3A_112] : memref<4x32xi32, #tpu.memory_space<vmem>> -> memref<1x32xi32, #tpu.memory_space<vmem>>
    %dma_start3A_114 = tpu.memref_squeeze %dma_start3A_113 : memref<1x32xi32, #tpu.memory_space<vmem>> -> memref<32xi32, #tpu.memory_space<vmem>>
    %dma_start3A_115 = arith.constant 0 : i32
    %dma_start3A_116 = arith.constant 0 : i32
    %dma_start3A_117 = tpu.memref_slice %arg5[%dma_start3A_115, %dma_start3A_116] : memref<10240x512xf32, #tpu.memory_space<hbm>> -> memref<10240x512xf32, #tpu.memory_space<hbm>>
    tpu.enqueue_indirect_dma source(%arg9 : memref<32x512xf32, #tpu.memory_space<vmem>>) target(%dma_start3A_117 : memref<10240x512xf32, #tpu.memory_space<hbm>>) offsets(%dma_start3A_114 : memref<32xi32, #tpu.memory_space<vmem>>) semaphore(%arg13 : memref<!tpu.dma_semaphore, #tpu.memory_space<semaphore_mem>>)
    %dma_start3A_118 = arith.constant 3 : i32
    %dma_start3A_119 = arith.constant 0 : i32
    %dma_start3A_120 = tpu.memref_slice %arg7[%dma_start3A_118, %dma_start3A_119] : memref<4x32xi32, #tpu.memory_space<vmem>> -> memref<1x32xi32, #tpu.memory_space<vmem>>
    %dma_start3A_121 = tpu.memref_squeeze %dma_start3A_120 : memref<1x32xi32, #tpu.memory_space<vmem>> -> memref<32xi32, #tpu.memory_space<vmem>>
    %dma_start3A_122 = arith.constant 0 : i32
    %dma_start3A_123 = arith.constant 0 : i32
    %dma_start3A_124 = tpu.memref_slice %arg5[%dma_start3A_122, %dma_start3A_123] : memref<10240x512xf32, #tpu.memory_space<hbm>> -> memref<10240x512xf32, #tpu.memory_space<hbm>>
    tpu.enqueue_indirect_dma source(%arg9 : memref<32x512xf32, #tpu.memory_space<vmem>>) target(%dma_start3A_124 : memref<10240x512xf32, #tpu.memory_space<hbm>>) offsets(%dma_start3A_121 : memref<32xi32, #tpu.memory_space<vmem>>) semaphore(%arg13 : memref<!tpu.dma_semaphore, #tpu.memory_space<semaphore_mem>>)
    %dma_wait3A_125 = arith.constant 2 : i32
    %dma_wait3A_126 = arith.constant 0 : i32
    %dma_wait3A_127 = tpu.memref_slice %arg6[%dma_wait3A_125, %dma_wait3A_126] : memref<4x32xi32, #tpu.memory_space<vmem>> -> memref<1x32xi32, #tpu.memory_space<vmem>>
    %dma_wait3A_128 = tpu.memref_squeeze %dma_wait3A_127 : memref<1x32xi32, #tpu.memory_space<vmem>> -> memref<32xi32, #tpu.memory_space<vmem>>
    %dma_wait3A_129 = arith.constant 0 : i32
    %dma_wait3A_130 = arith.constant 0 : i32
    %dma_wait3A_131 = tpu.memref_slice %arg5[%dma_wait3A_129, %dma_wait3A_130] : memref<10240x512xf32, #tpu.memory_space<hbm>> -> memref<10240x512xf32, #tpu.memory_space<hbm>>
    tpu.wait_indirect_dma semaphore(%arg12 : memref<!tpu.dma_semaphore, #tpu.memory_space<semaphore_mem>>) src(%arg8 : memref<32x512xf32, #tpu.memory_space<vmem>>) dst(%dma_wait3A_131 : memref<10240x512xf32, #tpu.memory_space<hbm>>)
    %dma_wait3A_132 = arith.constant 2 : i32
    %dma_wait3A_133 = arith.constant 0 : i32
    %dma_wait3A_134 = tpu.memref_slice %arg7[%dma_wait3A_132, %dma_wait3A_133] : memref<4x32xi32, #tpu.memory_space<vmem>> -> memref<1x32xi32, #tpu.memory_space<vmem>>
    %dma_wait3A_135 = tpu.memref_squeeze %dma_wait3A_134 : memref<1x32xi32, #tpu.memory_space<vmem>> -> memref<32xi32, #tpu.memory_space<vmem>>
    %dma_wait3A_136 = arith.constant 0 : i32
    %dma_wait3A_137 = arith.constant 0 : i32
    %dma_wait3A_138 = tpu.memref_slice %arg5[%dma_wait3A_136, %dma_wait3A_137] : memref<10240x512xf32, #tpu.memory_space<hbm>> -> memref<10240x512xf32, #tpu.memory_space<hbm>>
    tpu.wait_indirect_dma semaphore(%arg12 : memref<!tpu.dma_semaphore, #tpu.memory_space<semaphore_mem>>) src(%arg8 : memref<32x512xf32, #tpu.memory_space<vmem>>) dst(%dma_wait3A_138 : memref<10240x512xf32, #tpu.memory_space<hbm>>)
    %dma_wait3A_139 = arith.constant 3 : i32
    %dma_wait3A_140 = arith.constant 0 : i32
    %dma_wait3A_141 = tpu.memref_slice %arg6[%dma_wait3A_139, %dma_wait3A_140] : memref<4x32xi32, #tpu.memory_space<vmem>> -> memref<1x32xi32, #tpu.memory_space<vmem>>
    %dma_wait3A_142 = tpu.memref_squeeze %dma_wait3A_141 : memref<1x32xi32, #tpu.memory_space<vmem>> -> memref<32xi32, #tpu.memory_space<vmem>>
    %dma_wait3A_143 = arith.constant 0 : i32
    %dma_wait3A_144 = arith.constant 0 : i32
    %dma_wait3A_145 = tpu.memref_slice %arg5[%dma_wait3A_143, %dma_wait3A_144] : memref<10240x512xf32, #tpu.memory_space<hbm>> -> memref<10240x512xf32, #tpu.memory_space<hbm>>
    tpu.wait_indirect_dma semaphore(%arg13 : memref<!tpu.dma_semaphore, #tpu.memory_space<semaphore_mem>>) src(%arg9 : memref<32x512xf32, #tpu.memory_space<vmem>>) dst(%dma_wait3A_145 : memref<10240x512xf32, #tpu.memory_space<hbm>>)
    %dma_wait3A_146 = arith.constant 3 : i32
    %dma_wait3A_147 = arith.constant 0 : i32
    %dma_wait3A_148 = tpu.memref_slice %arg7[%dma_wait3A_146, %dma_wait3A_147] : memref<4x32xi32, #tpu.memory_space<vmem>> -> memref<1x32xi32, #tpu.memory_space<vmem>>
    %dma_wait3A_149 = tpu.memref_squeeze %dma_wait3A_148 : memref<1x32xi32, #tpu.memory_space<vmem>> -> memref<32xi32, #tpu.memory_space<vmem>>
    %dma_wait3A_150 = arith.constant 0 : i32
    %dma_wait3A_151 = arith.constant 0 : i32
    %dma_wait3A_152 = tpu.memref_slice %arg5[%dma_wait3A_150, %dma_wait3A_151] : memref<10240x512xf32, #tpu.memory_space<hbm>> -> memref<10240x512xf32, #tpu.memory_space<hbm>>
    tpu.wait_indirect_dma semaphore(%arg13 : memref<!tpu.dma_semaphore, #tpu.memory_space<semaphore_mem>>) src(%arg9 : memref<32x512xf32, #tpu.memory_space<vmem>>) dst(%dma_wait3A_152 : memref<10240x512xf32, #tpu.memory_space<hbm>>)
    return
  }
}

module attributes {stable_mosaic.version = 14 : i64} {
  func.func @_router_body(%arg0: i32, %arg1: memref<512x1024xf32, #tpu.memory_space<vmem>>, %arg2: memref<1024x128xf32, #tpu.memory_space<vmem>>, %arg3: memref<512x128xi32, #tpu.memory_space<vmem>>, %arg4: memref<512x128xf32, #tpu.memory_space<vmem>>, %arg5: memref<512x512xf32, #tpu.memory_space<vmem>>, %arg6: memref<512x128xi32, #tpu.memory_space<vmem>>, %arg7: memref<1x128xf32, #tpu.memory_space<vmem>>, %arg8: memref<1x128xf32, #tpu.memory_space<vmem>>) attributes {dimension_semantics = [#tpu.dimension_semantics<arbitrary>], iteration_bounds = array<i64: 8>, scalar_prefetch = 0 : i64, scratch_operands = 1 : i64, tpu.core_type = #tpu.core_type<tc>, window_params = [{transform_indices = @transform_0, window_bounds = array<i64: 512, 1024>}, {pipeline_mode = #tpu.pipeline_mode<synchronous>, transform_indices = @transform_1, window_bounds = array<i64: 1024, 128>}, {transform_indices = @transform_2, window_bounds = array<i64: 512, 128>}, {transform_indices = @transform_3, window_bounds = array<i64: 512, 128>}, {transform_indices = @transform_4, window_bounds = array<i64: 512, 512>}, {transform_indices = @transform_5, window_bounds = array<i64: 512, 128>}, {pipeline_mode = #tpu.pipeline_mode<synchronous>, transform_indices = @transform_6, window_bounds = array<i64: 1, 128>}]} {
    %get3A = arith.constant 0 : index
    %get3A_0 = arith.constant 0 : index
    %get3A_1 = vector.load %arg1[%get3A, %get3A_0] : memref<512x1024xf32, #tpu.memory_space<vmem>>, vector<512x1024xf32>
    %get3A_2 = arith.constant 0 : index
    %get3A_3 = arith.constant 0 : index
    %get3A_4 = vector.load %arg2[%get3A_2, %get3A_3] : memref<1024x128xf32, #tpu.memory_space<vmem>>, vector<1024x128xf32>
    %dot_general3A = arith.constant dense<0.000000e+00> : vector<512x128xf32>
    %dot_general3A_5 = tpu.matmul %get3A_1, %get3A_4, %dot_general3A {dimension_numbers = #tpu.dot_dimension_numbers<[1], [0], [0], [1], [0, 0, 1, 1], [], []>, transpose_lhs_hint = false} : vector<512x1024xf32>, vector<1024x128xf32>, vector<512x128xf32> -> vector<512x128xf32>
    %iota3A = tpu.iota {dimensions = array<i32: 1>} : vector<512x128xi32>
    %lt3A = arith.constant 16 : i32
    %lt3A_6 = vector.broadcast %lt3A : i32 to vector<512x128xi32>
    %lt3A_7 = arith.cmpi slt, %iota3A, %lt3A_6 : vector<512x128xi32>
    %jit3A = arith.constant -1.000000e+30 : f32
    %broadcast_in_dim3A = vector.broadcast %jit3A : f32 to vector<512x128xf32>
    %select_n3A = arith.select %lt3A_7, %dot_general3A_5, %broadcast_in_dim3A : vector<512x128xi1>, vector<512x128xf32>
    %reduce_max3A = arith.constant dense<0xFF800000> : vector<512xf32>
    %reduce_max3A_8 = vector.multi_reduction <maximumf>, %select_n3A, %reduce_max3A [1] : vector<512x128xf32> to vector<512xf32>
    %broadcast_in_dim3A_9 = vector.shape_cast %reduce_max3A_8 : vector<512xf32> to vector<512x1xf32>
    %eq3A = vector.broadcast %broadcast_in_dim3A_9 : vector<512x1xf32> to vector<512x128xf32>
    %eq3A_10 = arith.cmpf oeq, %select_n3A, %eq3A : vector<512x128xf32>
    %jit3A_11 = arith.constant 127 : i32
    %broadcast_in_dim3A_12 = vector.broadcast %jit3A_11 : i32 to vector<512x128xi32>
    %select_n3A_13 = arith.select %eq3A_10, %iota3A, %broadcast_in_dim3A_12 : vector<512x128xi1>, vector<512x128xi32>
    %reduce_min3A = arith.constant dense<2147483647> : vector<512xi32>
    %reduce_min3A_14 = vector.multi_reduction <minsi>, %select_n3A_13, %reduce_min3A [1] : vector<512x128xi32> to vector<512xi32>
    %broadcast_in_dim3A_15 = vector.shape_cast %reduce_min3A_14 : vector<512xi32> to vector<512x1xi32>
    %eq3A_16 = vector.broadcast %broadcast_in_dim3A_15 : vector<512x1xi32> to vector<512x128xi32>
    %eq3A_17 = arith.cmpi eq, %iota3A, %eq3A_16 : vector<512x128xi32>
    %jit3A_18 = arith.constant -1.000000e+30 : f32
    %broadcast_in_dim3A_19 = vector.broadcast %jit3A_18 : f32 to vector<512x128xf32>
    %select_n3A_20 = arith.select %eq3A_17, %broadcast_in_dim3A_19, %select_n3A : vector<512x128xi1>, vector<512x128xf32>
    %reduce_max3A_21 = arith.constant dense<0xFF800000> : vector<512xf32>
    %reduce_max3A_22 = vector.multi_reduction <maximumf>, %select_n3A_20, %reduce_max3A_21 [1] : vector<512x128xf32> to vector<512xf32>
    %broadcast_in_dim3A_23 = vector.shape_cast %reduce_max3A_22 : vector<512xf32> to vector<512x1xf32>
    %eq3A_24 = vector.broadcast %broadcast_in_dim3A_23 : vector<512x1xf32> to vector<512x128xf32>
    %eq3A_25 = arith.cmpf oeq, %select_n3A_20, %eq3A_24 : vector<512x128xf32>
    %jit3A_26 = arith.constant 127 : i32
    %broadcast_in_dim3A_27 = vector.broadcast %jit3A_26 : i32 to vector<512x128xi32>
    %select_n3A_28 = arith.select %eq3A_25, %iota3A, %broadcast_in_dim3A_27 : vector<512x128xi1>, vector<512x128xi32>
    %reduce_min3A_29 = arith.constant dense<2147483647> : vector<512xi32>
    %reduce_min3A_30 = vector.multi_reduction <minsi>, %select_n3A_28, %reduce_min3A_29 [1] : vector<512x128xi32> to vector<512xi32>
    %broadcast_in_dim3A_31 = vector.shape_cast %reduce_min3A_30 : vector<512xi32> to vector<512x1xi32>
    %sub3A = arith.subf %broadcast_in_dim3A_23, %broadcast_in_dim3A_9 : vector<512x1xf32>
    %exp3A = math.exp %sub3A : vector<512x1xf32>
    %add3A = arith.constant 1.000000e+00 : f32
    %add3A_32 = vector.broadcast %add3A : f32 to vector<512x1xf32>
    %add3A_33 = arith.addf %add3A_32, %exp3A : vector<512x1xf32>
    %div3A = arith.constant 1.000000e+00 : f32
    %div3A_34 = vector.broadcast %div3A : f32 to vector<512x1xf32>
    %div3A_35 = arith.divf %div3A_34, %add3A_33 : vector<512x1xf32>
    %sub3A_36 = arith.constant 1.000000e+00 : f32
    %sub3A_37 = vector.broadcast %sub3A_36 : f32 to vector<512x1xf32>
    %sub3A_38 = arith.subf %sub3A_37, %div3A_35 : vector<512x1xf32>
    %eq3A_39 = arith.constant 0 : i32
    %eq3A_40 = vector.broadcast %eq3A_39 : i32 to vector<512x128xi32>
    %eq3A_41 = arith.cmpi eq, %iota3A, %eq3A_40 : vector<512x128xi32>
    %eq3A_42 = arith.constant 1 : i32
    %eq3A_43 = vector.broadcast %eq3A_42 : i32 to vector<512x128xi32>
    %eq3A_44 = arith.cmpi eq, %iota3A, %eq3A_43 : vector<512x128xi32>
    %jit3A_45 = arith.constant 0 : i32
    %broadcast_in_dim3A_46 = vector.shape_cast %broadcast_in_dim3A_31 : vector<512x1xi32> to vector<512x1xi32>
    %broadcast_in_dim3A_47 = vector.broadcast %broadcast_in_dim3A_46 : vector<512x1xi32> to vector<512x128xi32>
    %broadcast_in_dim3A_48 = vector.broadcast %jit3A_45 : i32 to vector<512x128xi32>
    %select_n3A_49 = arith.select %eq3A_44, %broadcast_in_dim3A_47, %broadcast_in_dim3A_48 : vector<512x128xi1>, vector<512x128xi32>
    %broadcast_in_dim3A_50 = vector.shape_cast %broadcast_in_dim3A_15 : vector<512x1xi32> to vector<512x1xi32>
    %broadcast_in_dim3A_51 = vector.broadcast %broadcast_in_dim3A_50 : vector<512x1xi32> to vector<512x128xi32>
    %select_n3A_52 = arith.select %eq3A_41, %broadcast_in_dim3A_51, %select_n3A_49 : vector<512x128xi1>, vector<512x128xi32>
    %swap3A = arith.constant 0 : index
    %swap3A_53 = arith.constant 0 : index
    %swap3A_54 = vector.load %arg3[%swap3A, %swap3A_53] : memref<512x128xi32, #tpu.memory_space<vmem>>, vector<512x128xi32>
    tpu.vector_store %arg3[%swap3A, %swap3A_53], %select_n3A_52 {strides = array<i32>} : memref<512x128xi32, #tpu.memory_space<vmem>>, vector<512x128xi32>,
    %eq3A_55 = arith.constant 0 : i32
    %eq3A_56 = vector.broadcast %eq3A_55 : i32 to vector<512x128xi32>
    %eq3A_57 = arith.cmpi eq, %iota3A, %eq3A_56 : vector<512x128xi32>
    %eq3A_58 = arith.constant 1 : i32
    %eq3A_59 = vector.broadcast %eq3A_58 : i32 to vector<512x128xi32>
    %eq3A_60 = arith.cmpi eq, %iota3A, %eq3A_59 : vector<512x128xi32>
    %jit3A_61 = arith.constant 0.000000e+00 : f32
    %broadcast_in_dim3A_62 = vector.shape_cast %sub3A_38 : vector<512x1xf32> to vector<512x1xf32>
    %broadcast_in_dim3A_63 = vector.broadcast %broadcast_in_dim3A_62 : vector<512x1xf32> to vector<512x128xf32>
    %broadcast_in_dim3A_64 = vector.broadcast %jit3A_61 : f32 to vector<512x128xf32>
    %select_n3A_65 = arith.select %eq3A_60, %broadcast_in_dim3A_63, %broadcast_in_dim3A_64 : vector<512x128xi1>, vector<512x128xf32>
    %broadcast_in_dim3A_66 = vector.shape_cast %div3A_35 : vector<512x1xf32> to vector<512x1xf32>
    %broadcast_in_dim3A_67 = vector.broadcast %broadcast_in_dim3A_66 : vector<512x1xf32> to vector<512x128xf32>
    %select_n3A_68 = arith.select %eq3A_57, %broadcast_in_dim3A_67, %select_n3A_65 : vector<512x128xi1>, vector<512x128xf32>
    %swap3A_69 = arith.constant 0 : index
    %swap3A_70 = arith.constant 0 : index
    %swap3A_71 = vector.load %arg4[%swap3A_69, %swap3A_70] : memref<512x128xf32, #tpu.memory_space<vmem>>, vector<512x128xf32>
    tpu.vector_store %arg4[%swap3A_69, %swap3A_70], %select_n3A_68 {strides = array<i32>} : memref<512x128xf32, #tpu.memory_space<vmem>>, vector<512x128xf32>,
    %get3A_72 = arith.constant 0 : index
    %get3A_73 = arith.constant 0 : index
    %get3A_74 = vector.load %arg1[%get3A_72, %get3A_73] : memref<512x1024xf32, #tpu.memory_space<vmem>>, vector<512x1024xf32>
    %convert_element_type3A = arith.truncf %get3A_74 : vector<512x1024xf32> to vector<512x1024xbf16>
    %convert_element_type3A_75 = arith.extf %convert_element_type3A : vector<512x1024xbf16> to vector<512x1024xf32>
    %slice3A = vector.extract_strided_slice %convert_element_type3A_75 {offsets = [0, 0], sizes = [512, 512], strides = [1, 1]} : vector<512x1024xf32> to vector<512x512xf32>
    %bitcast_convert_type3A = tpu.bitcast %slice3A : vector<512x512xf32> -> vector<512x512xi32>
    %slice3A_76 = vector.extract_strided_slice %convert_element_type3A_75 {offsets = [0, 512], sizes = [512, 512], strides = [1, 1]} : vector<512x1024xf32> to vector<512x512xf32>
    %bitcast_convert_type3A_77 = tpu.bitcast %slice3A_76 : vector<512x512xf32> -> vector<512x512xi32>
    %shift_right_logical3A = arith.constant 16 : i32
    %shift_right_logical3A_78 = vector.broadcast %shift_right_logical3A : i32 to vector<512x512xi32>
    %shift_right_logical3A_79 = arith.shrui %bitcast_convert_type3A, %shift_right_logical3A_78 : vector<512x512xi32>
    %or3A = arith.ori %bitcast_convert_type3A_77, %shift_right_logical3A_79 : vector<512x512xi32>
    %bitcast_convert_type3A_80 = tpu.bitcast %or3A : vector<512x512xi32> -> vector<512x512xf32>
    %swap3A_81 = arith.constant 0 : index
    %swap3A_82 = arith.constant 0 : index
    %swap3A_83 = vector.load %arg5[%swap3A_81, %swap3A_82] : memref<512x512xf32, #tpu.memory_space<vmem>>, vector<512x512xf32>
    tpu.vector_store %arg5[%swap3A_81, %swap3A_82], %bitcast_convert_type3A_80 {strides = array<i32>} : memref<512x512xf32, #tpu.memory_space<vmem>>, vector<512x512xf32>,
    %eq3A_84 = arith.constant 0 : i32
    %eq3A_85 = arith.cmpi eq, %arg0, %eq3A_84 : i32
    %convert_element_type3A_86 = arith.extui %eq3A_85 : i1 to i32
    %cond3A = arith.constant 0 : i32
    %cond3A_87 = arith.cmpi ne, %convert_element_type3A_86, %cond3A : i32
    scf.if %cond3A_87 {
      %broadcast_in_dim3A_162 = arith.constant 0.000000e+00 : f32
      %broadcast_in_dim3A_163 = vector.broadcast %broadcast_in_dim3A_162 : f32 to vector<1x128xf32>
      %swap3A_164 = arith.constant 0 : index
      %swap3A_165 = arith.constant 0 : index
      %swap3A_166 = vector.load %arg8[%swap3A_164, %swap3A_165] : memref<1x128xf32, #tpu.memory_space<vmem>>, vector<1x128xf32>
      tpu.vector_store %arg8[%swap3A_164, %swap3A_165], %broadcast_in_dim3A_163 {strides = array<i32>} : memref<1x128xf32, #tpu.memory_space<vmem>>, vector<1x128xf32>,
    } else {
    }
    %eq3A_88 = vector.broadcast %broadcast_in_dim3A_15 : vector<512x1xi32> to vector<512x128xi32>
    %eq3A_89 = arith.cmpi eq, %iota3A, %eq3A_88 : vector<512x128xi32>
    %convert_element_type3A_90 = arith.extui %eq3A_89 : vector<512x128xi1> to vector<512x128xi32>
    %convert_element_type3A_91 = arith.sitofp %convert_element_type3A_90 : vector<512x128xi32> to vector<512x128xf32>
    %eq3A_92 = vector.broadcast %broadcast_in_dim3A_31 : vector<512x1xi32> to vector<512x128xi32>
    %eq3A_93 = arith.cmpi eq, %iota3A, %eq3A_92 : vector<512x128xi32>
    %convert_element_type3A_94 = arith.extui %eq3A_93 : vector<512x128xi1> to vector<512x128xi32>
    %convert_element_type3A_95 = arith.sitofp %convert_element_type3A_94 : vector<512x128xi32> to vector<512x128xf32>
    %iota3A_96 = tpu.iota {dimensions = array<i32: 0>} : vector<512x512xi32>
    %iota3A_97 = tpu.iota {dimensions = array<i32: 1>} : vector<512x512xi32>
    %lt3A_98 = arith.cmpi slt, %iota3A_97, %iota3A_96 : vector<512x512xi32>
    %convert_element_type3A_99 = arith.extui %lt3A_98 : vector<512x512xi1> to vector<512x512xi32>
    %convert_element_type3A_100 = arith.sitofp %convert_element_type3A_99 : vector<512x512xi32> to vector<512x512xf32>
    %dot_general3A_101 = arith.constant dense<0.000000e+00> : vector<512x128xf32>
    %dot_general3A_102 = tpu.matmul %convert_element_type3A_100, %convert_element_type3A_91, %dot_general3A_101 {dimension_numbers = #tpu.dot_dimension_numbers<[1], [0], [0], [1], [0, 0, 1, 1], [], []>, transpose_lhs_hint = false} : vector<512x512xf32>, vector<512x128xf32>, vector<512x128xf32> -> vector<512x128xf32>
    %dot_general3A_103 = arith.constant dense<0.000000e+00> : vector<512x128xf32>
    %dot_general3A_104 = tpu.matmul %convert_element_type3A_100, %convert_element_type3A_95, %dot_general3A_103 {dimension_numbers = #tpu.dot_dimension_numbers<[1], [0], [0], [1], [0, 0, 1, 1], [], []>, transpose_lhs_hint = false} : vector<512x512xf32>, vector<512x128xf32>, vector<512x128xf32> -> vector<512x128xf32>
    %add3A_105 = arith.addf %dot_general3A_102, %dot_general3A_104 : vector<512x128xf32>
    %get3A_106 = arith.constant 0 : index
    %get3A_107 = arith.constant 0 : index
    %get3A_108 = vector.load %arg8[%get3A_106, %get3A_107] : memref<1x128xf32, #tpu.memory_space<vmem>>, vector<1x128xf32>
    %add3A_109 = vector.broadcast %get3A_108 : vector<1x128xf32> to vector<512x128xf32>
    %add3A_110 = arith.addf %add3A_105, %add3A_109 : vector<512x128xf32>
    %eq3A_111 = vector.broadcast %broadcast_in_dim3A_15 : vector<512x1xi32> to vector<512x128xi32>
    %eq3A_112 = arith.cmpi eq, %iota3A, %eq3A_111 : vector<512x128xi32>
    %jit3A_113 = arith.constant 0.000000e+00 : f32
    %broadcast_in_dim3A_114 = vector.broadcast %jit3A_113 : f32 to vector<512x128xf32>
    %select_n3A_115 = arith.select %eq3A_112, %add3A_110, %broadcast_in_dim3A_114 : vector<512x128xi1>, vector<512x128xf32>
    %reduce_sum3A = arith.constant dense<0.000000e+00> : vector<512xf32>
    %reduce_sum3A_116 = vector.multi_reduction <add>, %select_n3A_115, %reduce_sum3A [1] : vector<512x128xf32> to vector<512xf32>
    %broadcast_in_dim3A_117 = vector.shape_cast %reduce_sum3A_116 : vector<512xf32> to vector<512x1xf32>
    %eq3A_118 = vector.broadcast %broadcast_in_dim3A_31 : vector<512x1xi32> to vector<512x128xi32>
    %eq3A_119 = arith.cmpi eq, %iota3A, %eq3A_118 : vector<512x128xi32>
    %add3A_120 = arith.addf %add3A_110, %convert_element_type3A_91 : vector<512x128xf32>
    %jit3A_121 = arith.constant 0.000000e+00 : f32
    %broadcast_in_dim3A_122 = vector.broadcast %jit3A_121 : f32 to vector<512x128xf32>
    %select_n3A_123 = arith.select %eq3A_119, %add3A_120, %broadcast_in_dim3A_122 : vector<512x128xi1>, vector<512x128xf32>
    %reduce_sum3A_124 = arith.constant dense<0.000000e+00> : vector<512xf32>
    %reduce_sum3A_125 = vector.multi_reduction <add>, %select_n3A_123, %reduce_sum3A_124 [1] : vector<512x128xf32> to vector<512xf32>
    %broadcast_in_dim3A_126 = vector.shape_cast %reduce_sum3A_125 : vector<512xf32> to vector<512x1xf32>
    %eq3A_127 = arith.constant 0 : i32
    %eq3A_128 = vector.broadcast %eq3A_127 : i32 to vector<512x128xi32>
    %eq3A_129 = arith.cmpi eq, %iota3A, %eq3A_128 : vector<512x128xi32>
    %eq3A_130 = arith.constant 1 : i32
    %eq3A_131 = vector.broadcast %eq3A_130 : i32 to vector<512x128xi32>
    %eq3A_132 = arith.cmpi eq, %iota3A, %eq3A_131 : vector<512x128xi32>
    %jit3A_133 = arith.constant 0.000000e+00 : f32
    %broadcast_in_dim3A_134 = vector.shape_cast %broadcast_in_dim3A_126 : vector<512x1xf32> to vector<512x1xf32>
    %broadcast_in_dim3A_135 = vector.broadcast %broadcast_in_dim3A_134 : vector<512x1xf32> to vector<512x128xf32>
    %broadcast_in_dim3A_136 = vector.broadcast %jit3A_133 : f32 to vector<512x128xf32>
    %select_n3A_137 = arith.select %eq3A_132, %broadcast_in_dim3A_135, %broadcast_in_dim3A_136 : vector<512x128xi1>, vector<512x128xf32>
    %broadcast_in_dim3A_138 = vector.shape_cast %broadcast_in_dim3A_117 : vector<512x1xf32> to vector<512x1xf32>
    %broadcast_in_dim3A_139 = vector.broadcast %broadcast_in_dim3A_138 : vector<512x1xf32> to vector<512x128xf32>
    %select_n3A_140 = arith.select %eq3A_129, %broadcast_in_dim3A_139, %select_n3A_137 : vector<512x128xi1>, vector<512x128xf32>
    %convert_element_type3A_141 = arith.fptosi %select_n3A_140 : vector<512x128xf32> to vector<512x128xi32>
    %swap3A_142 = arith.constant 0 : index
    %swap3A_143 = arith.constant 0 : index
    %swap3A_144 = vector.load %arg6[%swap3A_142, %swap3A_143] : memref<512x128xi32, #tpu.memory_space<vmem>>, vector<512x128xi32>
    tpu.vector_store %arg6[%swap3A_142, %swap3A_143], %convert_element_type3A_141 {strides = array<i32>} : memref<512x128xi32, #tpu.memory_space<vmem>>, vector<512x128xi32>,
    %get3A_145 = arith.constant 0 : index
    %get3A_146 = arith.constant 0 : index
    %get3A_147 = vector.load %arg8[%get3A_145, %get3A_146] : memref<1x128xf32, #tpu.memory_space<vmem>>, vector<1x128xf32>
    %add3A_148 = arith.addf %convert_element_type3A_91, %convert_element_type3A_95 : vector<512x128xf32>
    %reduce_sum3A_149 = arith.constant dense<0.000000e+00> : vector<128xf32>
    %reduce_sum3A_150 = vector.multi_reduction <add>, %add3A_148, %reduce_sum3A_149 [0] : vector<512x128xf32> to vector<128xf32>
    %broadcast_in_dim3A_151 = vector.shape_cast %reduce_sum3A_150 : vector<128xf32> to vector<1x128xf32>
    %add3A_152 = arith.addf %get3A_147, %broadcast_in_dim3A_151 : vector<1x128xf32>
    %swap3A_153 = arith.constant 0 : index
    %swap3A_154 = arith.constant 0 : index
    %swap3A_155 = vector.load %arg8[%swap3A_153, %swap3A_154] : memref<1x128xf32, #tpu.memory_space<vmem>>, vector<1x128xf32>
    tpu.vector_store %arg8[%swap3A_153, %swap3A_154], %add3A_152 {strides = array<i32>} : memref<1x128xf32, #tpu.memory_space<vmem>>, vector<1x128xf32>,
    %get3A_156 = arith.constant 0 : index
    %get3A_157 = arith.constant 0 : index
    %get3A_158 = vector.load %arg8[%get3A_156, %get3A_157] : memref<1x128xf32, #tpu.memory_space<vmem>>, vector<1x128xf32>
    %swap3A_159 = arith.constant 0 : index
    %swap3A_160 = arith.constant 0 : index
    %swap3A_161 = vector.load %arg7[%swap3A_159, %swap3A_160] : memref<1x128xf32, #tpu.memory_space<vmem>>, vector<1x128xf32>
    tpu.vector_store %arg7[%swap3A_159, %swap3A_160], %get3A_158 {strides = array<i32>} : memref<1x128xf32, #tpu.memory_space<vmem>>, vector<1x128xf32>,
    return
  }
  func.func @transform_0(%arg0: i32) -> (i32, i32) {
    %c0_i32 = arith.constant 0 : i32
    %c0_i32_0 = arith.constant 0 : i32
    return %arg0, %c0_i32 : i32, i32
  }
  func.func @transform_1(%arg0: i32) -> (i32, i32) {
    %c0_i32 = arith.constant 0 : i32
    %c0_i32_0 = arith.constant 0 : i32
    %c0_i32_1 = arith.constant 0 : i32
    return %c0_i32, %c0_i32_0 : i32, i32
  }
  func.func @transform_2(%arg0: i32) -> (i32, i32) {
    %c0_i32 = arith.constant 0 : i32
    %c0_i32_0 = arith.constant 0 : i32
    return %arg0, %c0_i32 : i32, i32
  }
  func.func @transform_3(%arg0: i32) -> (i32, i32) {
    %c0_i32 = arith.constant 0 : i32
    %c0_i32_0 = arith.constant 0 : i32
    return %arg0, %c0_i32 : i32, i32
  }
  func.func @transform_4(%arg0: i32) -> (i32, i32) {
    %c0_i32 = arith.constant 0 : i32
    %c0_i32_0 = arith.constant 0 : i32
    return %arg0, %c0_i32 : i32, i32
  }
  func.func @transform_5(%arg0: i32) -> (i32, i32) {
    %c0_i32 = arith.constant 0 : i32
    %c0_i32_0 = arith.constant 0 : i32
    return %arg0, %c0_i32 : i32, i32
  }
  func.func @transform_6(%arg0: i32) -> (i32, i32) {
    %c0_i32 = arith.constant 0 : i32
    %c0_i32_0 = arith.constant 0 : i32
    %c0_i32_1 = arith.constant 0 : i32
    return %c0_i32, %c0_i32_0 : i32, i32
  }
}

module attributes {stable_mosaic.version = 14 : i64} {
  func.func @_plumb_body(%arg0: i32, %arg1: memref<1x128xf32, #tpu.memory_space<vmem>>, %arg2: memref<2048x128xi32, #tpu.memory_space<vmem>>, %arg3: memref<2048x128xi32, #tpu.memory_space<vmem>>, %arg4: memref<2048x128xi32, #tpu.memory_space<vmem>>, %arg5: memref<1x128xi32, #tpu.memory_space<vmem>>) attributes {dimension_semantics = [#tpu.dimension_semantics<arbitrary>], iteration_bounds = array<i64: 2>, scalar_prefetch = 0 : i64, scratch_operands = 0 : i64, tpu.core_type = #tpu.core_type<tc>, window_params = [{pipeline_mode = #tpu.pipeline_mode<synchronous>, transform_indices = @transform_0, window_bounds = array<i64: 1, 128>}, {transform_indices = @transform_1, window_bounds = array<i64: 2048, 128>}, {transform_indices = @transform_2, window_bounds = array<i64: 2048, 128>}, {transform_indices = @transform_3, window_bounds = array<i64: 2048, 128>}, {pipeline_mode = #tpu.pipeline_mode<synchronous>, transform_indices = @transform_4, window_bounds = array<i64: 1, 128>}]} {
    %iota3A = tpu.iota {dimensions = array<i32: 1>} : vector<1x128xi32>
    %get3A = arith.constant 0 : index
    %get3A_0 = arith.constant 0 : index
    %get3A_1 = vector.load %arg1[%get3A, %get3A_0] : memref<1x128xf32, #tpu.memory_space<vmem>>, vector<1x128xf32>
    %lt3A = arith.constant 16 : i32
    %lt3A_2 = vector.broadcast %lt3A : i32 to vector<1x128xi32>
    %lt3A_3 = arith.cmpi slt, %iota3A, %lt3A_2 : vector<1x128xi32>
    %add3A = arith.constant 1.270000e+02 : f32
    %add3A_4 = vector.broadcast %add3A : f32 to vector<1x128xf32>
    %add3A_5 = arith.addf %get3A_1, %add3A_4 : vector<1x128xf32>
    %div3A = arith.constant 1.280000e+02 : f32
    %div3A_6 = vector.broadcast %div3A : f32 to vector<1x128xf32>
    %div3A_7 = arith.divf %add3A_5, %div3A_6 : vector<1x128xf32>
    %floor3A = math.floor %div3A_7 : vector<1x128xf32>
    %mul3A = arith.constant 1.280000e+02 : f32
    %mul3A_8 = vector.broadcast %mul3A : f32 to vector<1x128xf32>
    %mul3A_9 = arith.mulf %floor3A, %mul3A_8 : vector<1x128xf32>
    %jit3A = arith.constant 0.000000e+00 : f32
    %broadcast_in_dim3A = vector.broadcast %jit3A : f32 to vector<1x128xf32>
    %select_n3A = arith.select %lt3A_3, %mul3A_9, %broadcast_in_dim3A : vector<1x128xi1>, vector<1x128xf32>
    %iota3A_10 = tpu.iota {dimensions = array<i32: 0>} : vector<128x128xi32>
    %iota3A_11 = tpu.iota {dimensions = array<i32: 1>} : vector<128x128xi32>
    %lt3A_12 = arith.cmpi slt, %iota3A_10, %iota3A_11 : vector<128x128xi32>
    %convert_element_type3A = arith.extui %lt3A_12 : vector<128x128xi1> to vector<128x128xi32>
    %convert_element_type3A_13 = arith.sitofp %convert_element_type3A : vector<128x128xi32> to vector<128x128xf32>
    %dot_general3A = arith.constant dense<0.000000e+00> : vector<1x128xf32>
    %dot_general3A_14 = tpu.matmul %select_n3A, %convert_element_type3A_13, %dot_general3A {dimension_numbers = #tpu.dot_dimension_numbers<[1], [0], [0], [1], [0, 0, 1, 1], [], []>, transpose_lhs_hint = false} : vector<1x128xf32>, vector<128x128xf32>, vector<1x128xf32> -> vector<1x128xf32>
    %iota3A_15 = tpu.iota {dimensions = array<i32: 1>} : vector<2048x128xi32>
    %get3A_16 = arith.constant 0 : index
    %get3A_17 = arith.constant 0 : index
    %get3A_18 = vector.load %arg2[%get3A_16, %get3A_17] : memref<2048x128xi32, #tpu.memory_space<vmem>>, vector<2048x1xi32>
    %get3A_19 = arith.constant 0 : index
    %get3A_20 = arith.constant 1 : index
    %get3A_21 = vector.load %arg2[%get3A_19, %get3A_20] : memref<2048x128xi32, #tpu.memory_space<vmem>>, vector<2048x1xi32>
    %eq3A = vector.broadcast %get3A_18 : vector<2048x1xi32> to vector<2048x128xi32>
    %eq3A_22 = arith.cmpi eq, %iota3A_15, %eq3A : vector<2048x128xi32>
    %jit3A_23 = arith.constant 0.000000e+00 : f32
    %broadcast_in_dim3A_24 = vector.shape_cast %dot_general3A_14 : vector<1x128xf32> to vector<1x128xf32>
    %broadcast_in_dim3A_25 = vector.broadcast %broadcast_in_dim3A_24 : vector<1x128xf32> to vector<2048x128xf32>
    %broadcast_in_dim3A_26 = vector.broadcast %jit3A_23 : f32 to vector<2048x128xf32>
    %select_n3A_27 = arith.select %eq3A_22, %broadcast_in_dim3A_25, %broadcast_in_dim3A_26 : vector<2048x128xi1>, vector<2048x128xf32>
    %reduce_sum3A = arith.constant dense<0.000000e+00> : vector<2048xf32>
    %reduce_sum3A_28 = vector.multi_reduction <add>, %select_n3A_27, %reduce_sum3A [1] : vector<2048x128xf32> to vector<2048xf32>
    %broadcast_in_dim3A_29 = vector.shape_cast %reduce_sum3A_28 : vector<2048xf32> to vector<2048x1xf32>
    %eq3A_30 = vector.broadcast %get3A_21 : vector<2048x1xi32> to vector<2048x128xi32>
    %eq3A_31 = arith.cmpi eq, %iota3A_15, %eq3A_30 : vector<2048x128xi32>
    %jit3A_32 = arith.constant 0.000000e+00 : f32
    %broadcast_in_dim3A_33 = vector.shape_cast %dot_general3A_14 : vector<1x128xf32> to vector<1x128xf32>
    %broadcast_in_dim3A_34 = vector.broadcast %broadcast_in_dim3A_33 : vector<1x128xf32> to vector<2048x128xf32>
    %broadcast_in_dim3A_35 = vector.broadcast %jit3A_32 : f32 to vector<2048x128xf32>
    %select_n3A_36 = arith.select %eq3A_31, %broadcast_in_dim3A_34, %broadcast_in_dim3A_35 : vector<2048x128xi1>, vector<2048x128xf32>
    %reduce_sum3A_37 = arith.constant dense<0.000000e+00> : vector<2048xf32>
    %reduce_sum3A_38 = vector.multi_reduction <add>, %select_n3A_36, %reduce_sum3A_37 [1] : vector<2048x128xf32> to vector<2048xf32>
    %broadcast_in_dim3A_39 = vector.shape_cast %reduce_sum3A_38 : vector<2048xf32> to vector<2048x1xf32>
    %get3A_40 = arith.constant 0 : index
    %get3A_41 = arith.constant 0 : index
    %get3A_42 = vector.load %arg3[%get3A_40, %get3A_41] : memref<2048x128xi32, #tpu.memory_space<vmem>>, vector<2048x1xi32>
    %convert_element_type3A_43 = arith.fptosi %broadcast_in_dim3A_29 : vector<2048x1xf32> to vector<2048x1xi32>
    %add3A_44 = arith.addi %get3A_42, %convert_element_type3A_43 : vector<2048x1xi32>
    %get3A_45 = arith.constant 0 : index
    %get3A_46 = arith.constant 1 : index
    %get3A_47 = vector.load %arg3[%get3A_45, %get3A_46] : memref<2048x128xi32, #tpu.memory_space<vmem>>, vector<2048x1xi32>
    %convert_element_type3A_48 = arith.fptosi %broadcast_in_dim3A_39 : vector<2048x1xf32> to vector<2048x1xi32>
    %add3A_49 = arith.addi %get3A_47, %convert_element_type3A_48 : vector<2048x1xi32>
    %eq3A_50 = arith.constant 0 : i32
    %eq3A_51 = vector.broadcast %eq3A_50 : i32 to vector<2048x128xi32>
    %eq3A_52 = arith.cmpi eq, %iota3A_15, %eq3A_51 : vector<2048x128xi32>
    %eq3A_53 = arith.constant 1 : i32
    %eq3A_54 = vector.broadcast %eq3A_53 : i32 to vector<2048x128xi32>
    %eq3A_55 = arith.cmpi eq, %iota3A_15, %eq3A_54 : vector<2048x128xi32>
    %jit3A_56 = arith.constant 0 : i32
    %broadcast_in_dim3A_57 = vector.shape_cast %add3A_49 : vector<2048x1xi32> to vector<2048x1xi32>
    %broadcast_in_dim3A_58 = vector.broadcast %broadcast_in_dim3A_57 : vector<2048x1xi32> to vector<2048x128xi32>
    %broadcast_in_dim3A_59 = vector.broadcast %jit3A_56 : i32 to vector<2048x128xi32>
    %select_n3A_60 = arith.select %eq3A_55, %broadcast_in_dim3A_58, %broadcast_in_dim3A_59 : vector<2048x128xi1>, vector<2048x128xi32>
    %broadcast_in_dim3A_61 = vector.shape_cast %add3A_44 : vector<2048x1xi32> to vector<2048x1xi32>
    %broadcast_in_dim3A_62 = vector.broadcast %broadcast_in_dim3A_61 : vector<2048x1xi32> to vector<2048x128xi32>
    %select_n3A_63 = arith.select %eq3A_52, %broadcast_in_dim3A_62, %select_n3A_60 : vector<2048x128xi1>, vector<2048x128xi32>
    %swap3A = arith.constant 0 : index
    %swap3A_64 = arith.constant 0 : index
    %swap3A_65 = vector.load %arg4[%swap3A, %swap3A_64] : memref<2048x128xi32, #tpu.memory_space<vmem>>, vector<2048x128xi32>
    tpu.vector_store %arg4[%swap3A, %swap3A_64], %select_n3A_63 {strides = array<i32>} : memref<2048x128xi32, #tpu.memory_space<vmem>>, vector<2048x128xi32>,
    %eq3A_66 = arith.constant 0 : i32
    %eq3A_67 = arith.cmpi eq, %arg0, %eq3A_66 : i32
    %convert_element_type3A_68 = arith.extui %eq3A_67 : i1 to i32
    %cond3A = arith.constant 0 : i32
    %cond3A_69 = arith.cmpi ne, %convert_element_type3A_68, %cond3A : i32
    scf.if %cond3A_69 {
      %mul3A_70 = arith.constant 128 : i32
      %mul3A_71 = vector.broadcast %mul3A_70 : i32 to vector<1x128xi32>
      %mul3A_72 = arith.muli %iota3A, %mul3A_71 : vector<1x128xi32>
      %convert_element_type3A_73 = arith.sitofp %mul3A_72 : vector<1x128xi32> to vector<1x128xf32>
      %broadcast_in_dim3A_74 = arith.constant 0.000000e+00 : f32
      %broadcast_in_dim3A_75 = vector.broadcast %broadcast_in_dim3A_74 : f32 to vector<1x128xf32>
      %eq3A_76 = arith.constant 0 : i32
      %eq3A_77 = vector.broadcast %eq3A_76 : i32 to vector<1x128xi32>
      %eq3A_78 = arith.cmpi eq, %iota3A, %eq3A_77 : vector<1x128xi32>
      %jit3A_79 = arith.constant 0.000000e+00 : f32
      %broadcast_in_dim3A_80 = vector.broadcast %jit3A_79 : f32 to vector<1x128xf32>
      %select_n3A_81 = arith.select %eq3A_78, %dot_general3A_14, %broadcast_in_dim3A_80 : vector<1x128xi1>, vector<1x128xf32>
      %reduce_sum3A_82 = arith.constant dense<0.000000e+00> : vector<1xf32>
      %reduce_sum3A_83 = vector.multi_reduction <add>, %select_n3A_81, %reduce_sum3A_82 [1] : vector<1x128xf32> to vector<1xf32>
      %broadcast_in_dim3A_84 = vector.shape_cast %reduce_sum3A_83 : vector<1xf32> to vector<1x1xf32>
      %ge3A = vector.broadcast %broadcast_in_dim3A_84 : vector<1x1xf32> to vector<1x128xf32>
      %ge3A_85 = arith.cmpf oge, %convert_element_type3A_73, %ge3A : vector<1x128xf32>
      %convert_element_type3A_86 = arith.extui %ge3A_85 : vector<1x128xi1> to vector<1x128xi32>
      %convert_element_type3A_87 = arith.sitofp %convert_element_type3A_86 : vector<1x128xi32> to vector<1x128xf32>
      %add3A_88 = arith.addf %broadcast_in_dim3A_75, %convert_element_type3A_87 : vector<1x128xf32>
      %eq3A_89 = arith.constant 1 : i32
      %eq3A_90 = vector.broadcast %eq3A_89 : i32 to vector<1x128xi32>
      %eq3A_91 = arith.cmpi eq, %iota3A, %eq3A_90 : vector<1x128xi32>
      %jit3A_92 = arith.constant 0.000000e+00 : f32
      %broadcast_in_dim3A_93 = vector.broadcast %jit3A_92 : f32 to vector<1x128xf32>
      %select_n3A_94 = arith.select %eq3A_91, %dot_general3A_14, %broadcast_in_dim3A_93 : vector<1x128xi1>, vector<1x128xf32>
      %reduce_sum3A_95 = arith.constant dense<0.000000e+00> : vector<1xf32>
      %reduce_sum3A_96 = vector.multi_reduction <add>, %select_n3A_94, %reduce_sum3A_95 [1] : vector<1x128xf32> to vector<1xf32>
      %broadcast_in_dim3A_97 = vector.shape_cast %reduce_sum3A_96 : vector<1xf32> to vector<1x1xf32>
      %ge3A_98 = vector.broadcast %broadcast_in_dim3A_97 : vector<1x1xf32> to vector<1x128xf32>
      %ge3A_99 = arith.cmpf oge, %convert_element_type3A_73, %ge3A_98 : vector<1x128xf32>
      %convert_element_type3A_100 = arith.extui %ge3A_99 : vector<1x128xi1> to vector<1x128xi32>
      %convert_element_type3A_101 = arith.sitofp %convert_element_type3A_100 : vector<1x128xi32> to vector<1x128xf32>
      %add3A_102 = arith.addf %add3A_88, %convert_element_type3A_101 : vector<1x128xf32>
      %eq3A_103 = arith.constant 2 : i32
      %eq3A_104 = vector.broadcast %eq3A_103 : i32 to vector<1x128xi32>
      %eq3A_105 = arith.cmpi eq, %iota3A, %eq3A_104 : vector<1x128xi32>
      %jit3A_106 = arith.constant 0.000000e+00 : f32
      %broadcast_in_dim3A_107 = vector.broadcast %jit3A_106 : f32 to vector<1x128xf32>
      %select_n3A_108 = arith.select %eq3A_105, %dot_general3A_14, %broadcast_in_dim3A_107 : vector<1x128xi1>, vector<1x128xf32>
      %reduce_sum3A_109 = arith.constant dense<0.000000e+00> : vector<1xf32>
      %reduce_sum3A_110 = vector.multi_reduction <add>, %select_n3A_108, %reduce_sum3A_109 [1] : vector<1x128xf32> to vector<1xf32>
      %broadcast_in_dim3A_111 = vector.shape_cast %reduce_sum3A_110 : vector<1xf32> to vector<1x1xf32>
      %ge3A_112 = vector.broadcast %broadcast_in_dim3A_111 : vector<1x1xf32> to vector<1x128xf32>
      %ge3A_113 = arith.cmpf oge, %convert_element_type3A_73, %ge3A_112 : vector<1x128xf32>
      %convert_element_type3A_114 = arith.extui %ge3A_113 : vector<1x128xi1> to vector<1x128xi32>
      %convert_element_type3A_115 = arith.sitofp %convert_element_type3A_114 : vector<1x128xi32> to vector<1x128xf32>
      %add3A_116 = arith.addf %add3A_102, %convert_element_type3A_115 : vector<1x128xf32>
      %eq3A_117 = arith.constant 3 : i32
      %eq3A_118 = vector.broadcast %eq3A_117 : i32 to vector<1x128xi32>
      %eq3A_119 = arith.cmpi eq, %iota3A, %eq3A_118 : vector<1x128xi32>
      %jit3A_120 = arith.constant 0.000000e+00 : f32
      %broadcast_in_dim3A_121 = vector.broadcast %jit3A_120 : f32 to vector<1x128xf32>
      %select_n3A_122 = arith.select %eq3A_119, %dot_general3A_14, %broadcast_in_dim3A_121 : vector<1x128xi1>, vector<1x128xf32>
      %reduce_sum3A_123 = arith.constant dense<0.000000e+00> : vector<1xf32>
      %reduce_sum3A_124 = vector.multi_reduction <add>, %select_n3A_122, %reduce_sum3A_123 [1] : vector<1x128xf32> to vector<1xf32>
      %broadcast_in_dim3A_125 = vector.shape_cast %reduce_sum3A_124 : vector<1xf32> to vector<1x1xf32>
      %ge3A_126 = vector.broadcast %broadcast_in_dim3A_125 : vector<1x1xf32> to vector<1x128xf32>
      %ge3A_127 = arith.cmpf oge, %convert_element_type3A_73, %ge3A_126 : vector<1x128xf32>
      %convert_element_type3A_128 = arith.extui %ge3A_127 : vector<1x128xi1> to vector<1x128xi32>
      %convert_element_type3A_129 = arith.sitofp %convert_element_type3A_128 : vector<1x128xi32> to vector<1x128xf32>
      %add3A_130 = arith.addf %add3A_116, %convert_element_type3A_129 : vector<1x128xf32>
      %eq3A_131 = arith.constant 4 : i32
      %eq3A_132 = vector.broadcast %eq3A_131 : i32 to vector<1x128xi32>
      %eq3A_133 = arith.cmpi eq, %iota3A, %eq3A_132 : vector<1x128xi32>
      %jit3A_134 = arith.constant 0.000000e+00 : f32
      %broadcast_in_dim3A_135 = vector.broadcast %jit3A_134 : f32 to vector<1x128xf32>
      %select_n3A_136 = arith.select %eq3A_133, %dot_general3A_14, %broadcast_in_dim3A_135 : vector<1x128xi1>, vector<1x128xf32>
      %reduce_sum3A_137 = arith.constant dense<0.000000e+00> : vector<1xf32>
      %reduce_sum3A_138 = vector.multi_reduction <add>, %select_n3A_136, %reduce_sum3A_137 [1] : vector<1x128xf32> to vector<1xf32>
      %broadcast_in_dim3A_139 = vector.shape_cast %reduce_sum3A_138 : vector<1xf32> to vector<1x1xf32>
      %ge3A_140 = vector.broadcast %broadcast_in_dim3A_139 : vector<1x1xf32> to vector<1x128xf32>
      %ge3A_141 = arith.cmpf oge, %convert_element_type3A_73, %ge3A_140 : vector<1x128xf32>
      %convert_element_type3A_142 = arith.extui %ge3A_141 : vector<1x128xi1> to vector<1x128xi32>
      %convert_element_type3A_143 = arith.sitofp %convert_element_type3A_142 : vector<1x128xi32> to vector<1x128xf32>
      %add3A_144 = arith.addf %add3A_130, %convert_element_type3A_143 : vector<1x128xf32>
      %eq3A_145 = arith.constant 5 : i32
      %eq3A_146 = vector.broadcast %eq3A_145 : i32 to vector<1x128xi32>
      %eq3A_147 = arith.cmpi eq, %iota3A, %eq3A_146 : vector<1x128xi32>
      %jit3A_148 = arith.constant 0.000000e+00 : f32
      %broadcast_in_dim3A_149 = vector.broadcast %jit3A_148 : f32 to vector<1x128xf32>
      %select_n3A_150 = arith.select %eq3A_147, %dot_general3A_14, %broadcast_in_dim3A_149 : vector<1x128xi1>, vector<1x128xf32>
      %reduce_sum3A_151 = arith.constant dense<0.000000e+00> : vector<1xf32>
      %reduce_sum3A_152 = vector.multi_reduction <add>, %select_n3A_150, %reduce_sum3A_151 [1] : vector<1x128xf32> to vector<1xf32>
      %broadcast_in_dim3A_153 = vector.shape_cast %reduce_sum3A_152 : vector<1xf32> to vector<1x1xf32>
      %ge3A_154 = vector.broadcast %broadcast_in_dim3A_153 : vector<1x1xf32> to vector<1x128xf32>
      %ge3A_155 = arith.cmpf oge, %convert_element_type3A_73, %ge3A_154 : vector<1x128xf32>
      %convert_element_type3A_156 = arith.extui %ge3A_155 : vector<1x128xi1> to vector<1x128xi32>
      %convert_element_type3A_157 = arith.sitofp %convert_element_type3A_156 : vector<1x128xi32> to vector<1x128xf32>
      %add3A_158 = arith.addf %add3A_144, %convert_element_type3A_157 : vector<1x128xf32>
      %eq3A_159 = arith.constant 6 : i32
      %eq3A_160 = vector.broadcast %eq3A_159 : i32 to vector<1x128xi32>
      %eq3A_161 = arith.cmpi eq, %iota3A, %eq3A_160 : vector<1x128xi32>
      %jit3A_162 = arith.constant 0.000000e+00 : f32
      %broadcast_in_dim3A_163 = vector.broadcast %jit3A_162 : f32 to vector<1x128xf32>
      %select_n3A_164 = arith.select %eq3A_161, %dot_general3A_14, %broadcast_in_dim3A_163 : vector<1x128xi1>, vector<1x128xf32>
      %reduce_sum3A_165 = arith.constant dense<0.000000e+00> : vector<1xf32>
      %reduce_sum3A_166 = vector.multi_reduction <add>, %select_n3A_164, %reduce_sum3A_165 [1] : vector<1x128xf32> to vector<1xf32>
      %broadcast_in_dim3A_167 = vector.shape_cast %reduce_sum3A_166 : vector<1xf32> to vector<1x1xf32>
      %ge3A_168 = vector.broadcast %broadcast_in_dim3A_167 : vector<1x1xf32> to vector<1x128xf32>
      %ge3A_169 = arith.cmpf oge, %convert_element_type3A_73, %ge3A_168 : vector<1x128xf32>
      %convert_element_type3A_170 = arith.extui %ge3A_169 : vector<1x128xi1> to vector<1x128xi32>
      %convert_element_type3A_171 = arith.sitofp %convert_element_type3A_170 : vector<1x128xi32> to vector<1x128xf32>
      %add3A_172 = arith.addf %add3A_158, %convert_element_type3A_171 : vector<1x128xf32>
      %eq3A_173 = arith.constant 7 : i32
      %eq3A_174 = vector.broadcast %eq3A_173 : i32 to vector<1x128xi32>
      %eq3A_175 = arith.cmpi eq, %iota3A, %eq3A_174 : vector<1x128xi32>
      %jit3A_176 = arith.constant 0.000000e+00 : f32
      %broadcast_in_dim3A_177 = vector.broadcast %jit3A_176 : f32 to vector<1x128xf32>
      %select_n3A_178 = arith.select %eq3A_175, %dot_general3A_14, %broadcast_in_dim3A_177 : vector<1x128xi1>, vector<1x128xf32>
      %reduce_sum3A_179 = arith.constant dense<0.000000e+00> : vector<1xf32>
      %reduce_sum3A_180 = vector.multi_reduction <add>, %select_n3A_178, %reduce_sum3A_179 [1] : vector<1x128xf32> to vector<1xf32>
      %broadcast_in_dim3A_181 = vector.shape_cast %reduce_sum3A_180 : vector<1xf32> to vector<1x1xf32>
      %ge3A_182 = vector.broadcast %broadcast_in_dim3A_181 : vector<1x1xf32> to vector<1x128xf32>
      %ge3A_183 = arith.cmpf oge, %convert_element_type3A_73, %ge3A_182 : vector<1x128xf32>
      %convert_element_type3A_184 = arith.extui %ge3A_183 : vector<1x128xi1> to vector<1x128xi32>
      %convert_element_type3A_185 = arith.sitofp %convert_element_type3A_184 : vector<1x128xi32> to vector<1x128xf32>
      %add3A_186 = arith.addf %add3A_172, %convert_element_type3A_185 : vector<1x128xf32>
      %eq3A_187 = arith.constant 8 : i32
      %eq3A_188 = vector.broadcast %eq3A_187 : i32 to vector<1x128xi32>
      %eq3A_189 = arith.cmpi eq, %iota3A, %eq3A_188 : vector<1x128xi32>
      %jit3A_190 = arith.constant 0.000000e+00 : f32
      %broadcast_in_dim3A_191 = vector.broadcast %jit3A_190 : f32 to vector<1x128xf32>
      %select_n3A_192 = arith.select %eq3A_189, %dot_general3A_14, %broadcast_in_dim3A_191 : vector<1x128xi1>, vector<1x128xf32>
      %reduce_sum3A_193 = arith.constant dense<0.000000e+00> : vector<1xf32>
      %reduce_sum3A_194 = vector.multi_reduction <add>, %select_n3A_192, %reduce_sum3A_193 [1] : vector<1x128xf32> to vector<1xf32>
      %broadcast_in_dim3A_195 = vector.shape_cast %reduce_sum3A_194 : vector<1xf32> to vector<1x1xf32>
      %ge3A_196 = vector.broadcast %broadcast_in_dim3A_195 : vector<1x1xf32> to vector<1x128xf32>
      %ge3A_197 = arith.cmpf oge, %convert_element_type3A_73, %ge3A_196 : vector<1x128xf32>
      %convert_element_type3A_198 = arith.extui %ge3A_197 : vector<1x128xi1> to vector<1x128xi32>
      %convert_element_type3A_199 = arith.sitofp %convert_element_type3A_198 : vector<1x128xi32> to vector<1x128xf32>
      %add3A_200 = arith.addf %add3A_186, %convert_element_type3A_199 : vector<1x128xf32>
      %eq3A_201 = arith.constant 9 : i32
      %eq3A_202 = vector.broadcast %eq3A_201 : i32 to vector<1x128xi32>
      %eq3A_203 = arith.cmpi eq, %iota3A, %eq3A_202 : vector<1x128xi32>
      %jit3A_204 = arith.constant 0.000000e+00 : f32
      %broadcast_in_dim3A_205 = vector.broadcast %jit3A_204 : f32 to vector<1x128xf32>
      %select_n3A_206 = arith.select %eq3A_203, %dot_general3A_14, %broadcast_in_dim3A_205 : vector<1x128xi1>, vector<1x128xf32>
      %reduce_sum3A_207 = arith.constant dense<0.000000e+00> : vector<1xf32>
      %reduce_sum3A_208 = vector.multi_reduction <add>, %select_n3A_206, %reduce_sum3A_207 [1] : vector<1x128xf32> to vector<1xf32>
      %broadcast_in_dim3A_209 = vector.shape_cast %reduce_sum3A_208 : vector<1xf32> to vector<1x1xf32>
      %ge3A_210 = vector.broadcast %broadcast_in_dim3A_209 : vector<1x1xf32> to vector<1x128xf32>
      %ge3A_211 = arith.cmpf oge, %convert_element_type3A_73, %ge3A_210 : vector<1x128xf32>
      %convert_element_type3A_212 = arith.extui %ge3A_211 : vector<1x128xi1> to vector<1x128xi32>
      %convert_element_type3A_213 = arith.sitofp %convert_element_type3A_212 : vector<1x128xi32> to vector<1x128xf32>
      %add3A_214 = arith.addf %add3A_200, %convert_element_type3A_213 : vector<1x128xf32>
      %eq3A_215 = arith.constant 10 : i32
      %eq3A_216 = vector.broadcast %eq3A_215 : i32 to vector<1x128xi32>
      %eq3A_217 = arith.cmpi eq, %iota3A, %eq3A_216 : vector<1x128xi32>
      %jit3A_218 = arith.constant 0.000000e+00 : f32
      %broadcast_in_dim3A_219 = vector.broadcast %jit3A_218 : f32 to vector<1x128xf32>
      %select_n3A_220 = arith.select %eq3A_217, %dot_general3A_14, %broadcast_in_dim3A_219 : vector<1x128xi1>, vector<1x128xf32>
      %reduce_sum3A_221 = arith.constant dense<0.000000e+00> : vector<1xf32>
      %reduce_sum3A_222 = vector.multi_reduction <add>, %select_n3A_220, %reduce_sum3A_221 [1] : vector<1x128xf32> to vector<1xf32>
      %broadcast_in_dim3A_223 = vector.shape_cast %reduce_sum3A_222 : vector<1xf32> to vector<1x1xf32>
      %ge3A_224 = vector.broadcast %broadcast_in_dim3A_223 : vector<1x1xf32> to vector<1x128xf32>
      %ge3A_225 = arith.cmpf oge, %convert_element_type3A_73, %ge3A_224 : vector<1x128xf32>
      %convert_element_type3A_226 = arith.extui %ge3A_225 : vector<1x128xi1> to vector<1x128xi32>
      %convert_element_type3A_227 = arith.sitofp %convert_element_type3A_226 : vector<1x128xi32> to vector<1x128xf32>
      %add3A_228 = arith.addf %add3A_214, %convert_element_type3A_227 : vector<1x128xf32>
      %eq3A_229 = arith.constant 11 : i32
      %eq3A_230 = vector.broadcast %eq3A_229 : i32 to vector<1x128xi32>
      %eq3A_231 = arith.cmpi eq, %iota3A, %eq3A_230 : vector<1x128xi32>
      %jit3A_232 = arith.constant 0.000000e+00 : f32
      %broadcast_in_dim3A_233 = vector.broadcast %jit3A_232 : f32 to vector<1x128xf32>
      %select_n3A_234 = arith.select %eq3A_231, %dot_general3A_14, %broadcast_in_dim3A_233 : vector<1x128xi1>, vector<1x128xf32>
      %reduce_sum3A_235 = arith.constant dense<0.000000e+00> : vector<1xf32>
      %reduce_sum3A_236 = vector.multi_reduction <add>, %select_n3A_234, %reduce_sum3A_235 [1] : vector<1x128xf32> to vector<1xf32>
      %broadcast_in_dim3A_237 = vector.shape_cast %reduce_sum3A_236 : vector<1xf32> to vector<1x1xf32>
      %ge3A_238 = vector.broadcast %broadcast_in_dim3A_237 : vector<1x1xf32> to vector<1x128xf32>
      %ge3A_239 = arith.cmpf oge, %convert_element_type3A_73, %ge3A_238 : vector<1x128xf32>
      %convert_element_type3A_240 = arith.extui %ge3A_239 : vector<1x128xi1> to vector<1x128xi32>
      %convert_element_type3A_241 = arith.sitofp %convert_element_type3A_240 : vector<1x128xi32> to vector<1x128xf32>
      %add3A_242 = arith.addf %add3A_228, %convert_element_type3A_241 : vector<1x128xf32>
      %eq3A_243 = arith.constant 12 : i32
      %eq3A_244 = vector.broadcast %eq3A_243 : i32 to vector<1x128xi32>
      %eq3A_245 = arith.cmpi eq, %iota3A, %eq3A_244 : vector<1x128xi32>
      %jit3A_246 = arith.constant 0.000000e+00 : f32
      %broadcast_in_dim3A_247 = vector.broadcast %jit3A_246 : f32 to vector<1x128xf32>
      %select_n3A_248 = arith.select %eq3A_245, %dot_general3A_14, %broadcast_in_dim3A_247 : vector<1x128xi1>, vector<1x128xf32>
      %reduce_sum3A_249 = arith.constant dense<0.000000e+00> : vector<1xf32>
      %reduce_sum3A_250 = vector.multi_reduction <add>, %select_n3A_248, %reduce_sum3A_249 [1] : vector<1x128xf32> to vector<1xf32>
      %broadcast_in_dim3A_251 = vector.shape_cast %reduce_sum3A_250 : vector<1xf32> to vector<1x1xf32>
      %ge3A_252 = vector.broadcast %broadcast_in_dim3A_251 : vector<1x1xf32> to vector<1x128xf32>
      %ge3A_253 = arith.cmpf oge, %convert_element_type3A_73, %ge3A_252 : vector<1x128xf32>
      %convert_element_type3A_254 = arith.extui %ge3A_253 : vector<1x128xi1> to vector<1x128xi32>
      %convert_element_type3A_255 = arith.sitofp %convert_element_type3A_254 : vector<1x128xi32> to vector<1x128xf32>
      %add3A_256 = arith.addf %add3A_242, %convert_element_type3A_255 : vector<1x128xf32>
      %eq3A_257 = arith.constant 13 : i32
      %eq3A_258 = vector.broadcast %eq3A_257 : i32 to vector<1x128xi32>
      %eq3A_259 = arith.cmpi eq, %iota3A, %eq3A_258 : vector<1x128xi32>
      %jit3A_260 = arith.constant 0.000000e+00 : f32
      %broadcast_in_dim3A_261 = vector.broadcast %jit3A_260 : f32 to vector<1x128xf32>
      %select_n3A_262 = arith.select %eq3A_259, %dot_general3A_14, %broadcast_in_dim3A_261 : vector<1x128xi1>, vector<1x128xf32>
      %reduce_sum3A_263 = arith.constant dense<0.000000e+00> : vector<1xf32>
      %reduce_sum3A_264 = vector.multi_reduction <add>, %select_n3A_262, %reduce_sum3A_263 [1] : vector<1x128xf32> to vector<1xf32>
      %broadcast_in_dim3A_265 = vector.shape_cast %reduce_sum3A_264 : vector<1xf32> to vector<1x1xf32>
      %ge3A_266 = vector.broadcast %broadcast_in_dim3A_265 : vector<1x1xf32> to vector<1x128xf32>
      %ge3A_267 = arith.cmpf oge, %convert_element_type3A_73, %ge3A_266 : vector<1x128xf32>
      %convert_element_type3A_268 = arith.extui %ge3A_267 : vector<1x128xi1> to vector<1x128xi32>
      %convert_element_type3A_269 = arith.sitofp %convert_element_type3A_268 : vector<1x128xi32> to vector<1x128xf32>
      %add3A_270 = arith.addf %add3A_256, %convert_element_type3A_269 : vector<1x128xf32>
      %eq3A_271 = arith.constant 14 : i32
      %eq3A_272 = vector.broadcast %eq3A_271 : i32 to vector<1x128xi32>
      %eq3A_273 = arith.cmpi eq, %iota3A, %eq3A_272 : vector<1x128xi32>
      %jit3A_274 = arith.constant 0.000000e+00 : f32
      %broadcast_in_dim3A_275 = vector.broadcast %jit3A_274 : f32 to vector<1x128xf32>
      %select_n3A_276 = arith.select %eq3A_273, %dot_general3A_14, %broadcast_in_dim3A_275 : vector<1x128xi1>, vector<1x128xf32>
      %reduce_sum3A_277 = arith.constant dense<0.000000e+00> : vector<1xf32>
      %reduce_sum3A_278 = vector.multi_reduction <add>, %select_n3A_276, %reduce_sum3A_277 [1] : vector<1x128xf32> to vector<1xf32>
      %broadcast_in_dim3A_279 = vector.shape_cast %reduce_sum3A_278 : vector<1xf32> to vector<1x1xf32>
      %ge3A_280 = vector.broadcast %broadcast_in_dim3A_279 : vector<1x1xf32> to vector<1x128xf32>
      %ge3A_281 = arith.cmpf oge, %convert_element_type3A_73, %ge3A_280 : vector<1x128xf32>
      %convert_element_type3A_282 = arith.extui %ge3A_281 : vector<1x128xi1> to vector<1x128xi32>
      %convert_element_type3A_283 = arith.sitofp %convert_element_type3A_282 : vector<1x128xi32> to vector<1x128xf32>
      %add3A_284 = arith.addf %add3A_270, %convert_element_type3A_283 : vector<1x128xf32>
      %eq3A_285 = arith.constant 15 : i32
      %eq3A_286 = vector.broadcast %eq3A_285 : i32 to vector<1x128xi32>
      %eq3A_287 = arith.cmpi eq, %iota3A, %eq3A_286 : vector<1x128xi32>
      %jit3A_288 = arith.constant 0.000000e+00 : f32
      %broadcast_in_dim3A_289 = vector.broadcast %jit3A_288 : f32 to vector<1x128xf32>
      %select_n3A_290 = arith.select %eq3A_287, %dot_general3A_14, %broadcast_in_dim3A_289 : vector<1x128xi1>, vector<1x128xf32>
      %reduce_sum3A_291 = arith.constant dense<0.000000e+00> : vector<1xf32>
      %reduce_sum3A_292 = vector.multi_reduction <add>, %select_n3A_290, %reduce_sum3A_291 [1] : vector<1x128xf32> to vector<1xf32>
      %broadcast_in_dim3A_293 = vector.shape_cast %reduce_sum3A_292 : vector<1xf32> to vector<1x1xf32>
      %ge3A_294 = vector.broadcast %broadcast_in_dim3A_293 : vector<1x1xf32> to vector<1x128xf32>
      %ge3A_295 = arith.cmpf oge, %convert_element_type3A_73, %ge3A_294 : vector<1x128xf32>
      %convert_element_type3A_296 = arith.extui %ge3A_295 : vector<1x128xi1> to vector<1x128xi32>
      %convert_element_type3A_297 = arith.sitofp %convert_element_type3A_296 : vector<1x128xi32> to vector<1x128xf32>
      %add3A_298 = arith.addf %add3A_284, %convert_element_type3A_297 : vector<1x128xf32>
      %sub3A = arith.constant 1.000000e+00 : f32
      %sub3A_299 = vector.broadcast %sub3A : f32 to vector<1x128xf32>
      %sub3A_300 = arith.subf %add3A_298, %sub3A_299 : vector<1x128xf32>
      %convert_element_type3A_301 = arith.fptosi %sub3A_300 : vector<1x128xf32> to vector<1x128xi32>
      %swap3A_302 = arith.constant 0 : index
      %swap3A_303 = arith.constant 0 : index
      %swap3A_304 = vector.load %arg5[%swap3A_302, %swap3A_303] : memref<1x128xi32, #tpu.memory_space<vmem>>, vector<1x128xi32>
      tpu.vector_store %arg5[%swap3A_302, %swap3A_303], %convert_element_type3A_301 {strides = array<i32>} : memref<1x128xi32, #tpu.memory_space<vmem>>, vector<1x128xi32>,
    } else {
    }
    return
  }
  func.func @transform_0(%arg0: i32) -> (i32, i32) {
    %c0_i32 = arith.constant 0 : i32
    %c0_i32_0 = arith.constant 0 : i32
    %c0_i32_1 = arith.constant 0 : i32
    return %c0_i32, %c0_i32_0 : i32, i32
  }
  func.func @transform_1(%arg0: i32) -> (i32, i32) {
    %c0_i32 = arith.constant 0 : i32
    %c0_i32_0 = arith.constant 0 : i32
    return %arg0, %c0_i32 : i32, i32
  }
  func.func @transform_2(%arg0: i32) -> (i32, i32) {
    %c0_i32 = arith.constant 0 : i32
    %c0_i32_0 = arith.constant 0 : i32
    return %arg0, %c0_i32 : i32, i32
  }
  func.func @transform_3(%arg0: i32) -> (i32, i32) {
    %c0_i32 = arith.constant 0 : i32
    %c0_i32_0 = arith.constant 0 : i32
    return %arg0, %c0_i32 : i32, i32
  }
  func.func @transform_4(%arg0: i32) -> (i32, i32) {
    %c0_i32 = arith.constant 0 : i32
    %c0_i32_0 = arith.constant 0 : i32
    %c0_i32_1 = arith.constant 0 : i32
    return %c0_i32, %c0_i32_0 : i32, i32
  }
}

module attributes {stable_mosaic.version = 14 : i64} {
  func.func @_ffn_body(%arg0: i32, %arg1: memref<80xi32, #tpu.memory_space<smem>>, %arg2: memref<128x512xf32, #tpu.memory_space<vmem>>, %arg3: memref<1x512x1024xf32, #tpu.memory_space<vmem>>, %arg4: memref<1x512x1024xf32, #tpu.memory_space<vmem>>, %arg5: memref<1x1024x512xf32, #tpu.memory_space<vmem>>, %arg6: memref<128x512xf32, #tpu.memory_space<vmem>>) attributes {dimension_semantics = [#tpu.dimension_semantics<arbitrary>], iteration_bounds = array<i64: 80>, scalar_prefetch = 1 : i64, scratch_operands = 0 : i64, tpu.core_type = #tpu.core_type<tc>, window_params = [{transform_indices = @transform_0, window_bounds = array<i64: 128, 512>}, {transform_indices = @transform_1, window_bounds = array<i64: 1, 512, 1024>}, {transform_indices = @transform_2, window_bounds = array<i64: 1, 512, 1024>}, {transform_indices = @transform_3, window_bounds = array<i64: 1, 1024, 512>}, {transform_indices = @transform_4, window_bounds = array<i64: 128, 512>}]} {
    %get3A = arith.constant 0 : index
    %get3A_0 = arith.constant 0 : index
    %get3A_1 = vector.load %arg2[%get3A, %get3A_0] : memref<128x512xf32, #tpu.memory_space<vmem>>, vector<128x512xf32>
    %bitcast_convert_type3A = tpu.bitcast %get3A_1 : vector<128x512xf32> -> vector<128x512xi32>
    %shift_left3A = arith.constant 16 : i32
    %shift_left3A_2 = vector.broadcast %shift_left3A : i32 to vector<128x512xi32>
    %shift_left3A_3 = arith.shli %bitcast_convert_type3A, %shift_left3A_2 : vector<128x512xi32>
    %bitcast_convert_type3A_4 = tpu.bitcast %shift_left3A_3 : vector<128x512xi32> -> vector<128x512xf32>
    %and3A = arith.constant -65536 : i32
    %and3A_5 = vector.broadcast %and3A : i32 to vector<128x512xi32>
    %and3A_6 = arith.andi %bitcast_convert_type3A, %and3A_5 : vector<128x512xi32>
    %bitcast_convert_type3A_7 = tpu.bitcast %and3A_6 : vector<128x512xi32> -> vector<128x512xf32>
    %concatenate3A = tpu.concatenate %bitcast_convert_type3A_4, %bitcast_convert_type3A_7 in 1 : vector<128x512xf32>, vector<128x512xf32> -> vector<128x1024xf32>
    %get3A_8 = arith.constant 0 : index
    %get3A_9 = arith.constant 0 : index
    %get3A_10 = arith.constant 0 : index
    %get3A_11 = vector.load %arg3[%get3A_8, %get3A_9, %get3A_10] : memref<1x512x1024xf32, #tpu.memory_space<vmem>>, vector<1x512x1024xf32>
    %get3A_12 = vector.shape_cast %get3A_11 : vector<1x512x1024xf32> to vector<512x1024xf32>
    %dot_general3A = arith.constant dense<0.000000e+00> : vector<128x512xf32>
    %dot_general3A_13 = tpu.matmul %concatenate3A, %get3A_12, %dot_general3A {dimension_numbers = #tpu.dot_dimension_numbers<[1], [1], [0], [0], [0, 0, 1, 0], [], []>, transpose_lhs_hint = false} : vector<128x1024xf32>, vector<512x1024xf32>, vector<128x512xf32> -> vector<128x512xf32>
    %get3A_14 = arith.constant 0 : index
    %get3A_15 = arith.constant 0 : index
    %get3A_16 = arith.constant 0 : index
    %get3A_17 = vector.load %arg4[%get3A_14, %get3A_15, %get3A_16] : memref<1x512x1024xf32, #tpu.memory_space<vmem>>, vector<1x512x1024xf32>
    %get3A_18 = vector.shape_cast %get3A_17 : vector<1x512x1024xf32> to vector<512x1024xf32>
    %dot_general3A_19 = arith.constant dense<0.000000e+00> : vector<128x512xf32>
    %dot_general3A_20 = tpu.matmul %concatenate3A, %get3A_18, %dot_general3A_19 {dimension_numbers = #tpu.dot_dimension_numbers<[1], [1], [0], [0], [0, 0, 1, 0], [], []>, transpose_lhs_hint = false} : vector<128x1024xf32>, vector<512x1024xf32>, vector<128x512xf32> -> vector<128x512xf32>
    %logistic3A = arith.negf %dot_general3A_13 : vector<128x512xf32>
    %logistic3A_21 = math.exp %logistic3A : vector<128x512xf32>
    %logistic3A_22 = arith.constant 1.000000e+00 : f32
    %logistic3A_23 = vector.broadcast %logistic3A_22 : f32 to vector<128x512xf32>
    %logistic3A_24 = arith.addf %logistic3A_23, %logistic3A_21 : vector<128x512xf32>
    %logistic3A_25 = arith.divf %logistic3A_23, %logistic3A_24 : vector<128x512xf32>
    %mul3A = arith.mulf %dot_general3A_13, %logistic3A_25 : vector<128x512xf32>
    %mul3A_26 = arith.mulf %mul3A, %dot_general3A_20 : vector<128x512xf32>
    %get3A_27 = arith.constant 0 : index
    %get3A_28 = arith.constant 0 : index
    %get3A_29 = arith.constant 0 : index
    %get3A_30 = vector.load %arg5[%get3A_27, %get3A_28, %get3A_29] : memref<1x1024x512xf32, #tpu.memory_space<vmem>>, vector<1x1024x512xf32>
    %get3A_31 = vector.shape_cast %get3A_30 : vector<1x1024x512xf32> to vector<1024x512xf32>
    %dot_general3A_32 = arith.constant dense<0.000000e+00> : vector<128x1024xf32>
    %dot_general3A_33 = tpu.matmul %mul3A_26, %get3A_31, %dot_general3A_32 {dimension_numbers = #tpu.dot_dimension_numbers<[1], [1], [0], [0], [0, 0, 1, 0], [], []>, transpose_lhs_hint = false} : vector<128x512xf32>, vector<1024x512xf32>, vector<128x1024xf32> -> vector<128x1024xf32>
    %convert_element_type3A = arith.truncf %dot_general3A_33 : vector<128x1024xf32> to vector<128x1024xbf16>
    %convert_element_type3A_34 = arith.extf %convert_element_type3A : vector<128x1024xbf16> to vector<128x1024xf32>
    %slice3A = vector.extract_strided_slice %convert_element_type3A_34 {offsets = [0, 0], sizes = [128, 512], strides = [1, 1]} : vector<128x1024xf32> to vector<128x512xf32>
    %bitcast_convert_type3A_35 = tpu.bitcast %slice3A : vector<128x512xf32> -> vector<128x512xi32>
    %slice3A_36 = vector.extract_strided_slice %convert_element_type3A_34 {offsets = [0, 512], sizes = [128, 512], strides = [1, 1]} : vector<128x1024xf32> to vector<128x512xf32>
    %bitcast_convert_type3A_37 = tpu.bitcast %slice3A_36 : vector<128x512xf32> -> vector<128x512xi32>
    %shift_right_logical3A = arith.constant 16 : i32
    %shift_right_logical3A_38 = vector.broadcast %shift_right_logical3A : i32 to vector<128x512xi32>
    %shift_right_logical3A_39 = arith.shrui %bitcast_convert_type3A_35, %shift_right_logical3A_38 : vector<128x512xi32>
    %or3A = arith.ori %bitcast_convert_type3A_37, %shift_right_logical3A_39 : vector<128x512xi32>
    %bitcast_convert_type3A_40 = tpu.bitcast %or3A : vector<128x512xi32> -> vector<128x512xf32>
    %swap3A = arith.constant 0 : index
    %swap3A_41 = arith.constant 0 : index
    %swap3A_42 = vector.load %arg6[%swap3A, %swap3A_41] : memref<128x512xf32, #tpu.memory_space<vmem>>, vector<128x512xf32>
    tpu.vector_store %arg6[%swap3A, %swap3A_41], %bitcast_convert_type3A_40 {strides = array<i32>} : memref<128x512xf32, #tpu.memory_space<vmem>>, vector<128x512xf32>,
    return
  }
  func.func @transform_0(%arg0: i32, %arg1: memref<80xi32, #tpu.memory_space<smem>>) -> (i32, i32) {
    %c0_i32 = arith.constant 0 : i32
    %c0_i32_0 = arith.constant 0 : i32
    return %arg0, %c0_i32 : i32, i32
  }
  func.func @transform_1(%arg0: i32, %arg1: memref<80xi32, #tpu.memory_space<smem>>) -> (i32, i32, i32) {
    %get3A = arith.index_cast %arg0 : i32 to index
    %get3A_0 = memref.load %arg1[%get3A] : memref<80xi32, #tpu.memory_space<smem>>
    %c0_i32 = arith.constant 0 : i32
    %c0_i32_1 = arith.constant 0 : i32
    %c0_i32_2 = arith.constant 0 : i32
    return %get3A_0, %c0_i32, %c0_i32_1 : i32, i32, i32
  }
  func.func @transform_2(%arg0: i32, %arg1: memref<80xi32, #tpu.memory_space<smem>>) -> (i32, i32, i32) {
    %get3A = arith.index_cast %arg0 : i32 to index
    %get3A_0 = memref.load %arg1[%get3A] : memref<80xi32, #tpu.memory_space<smem>>
    %c0_i32 = arith.constant 0 : i32
    %c0_i32_1 = arith.constant 0 : i32
    %c0_i32_2 = arith.constant 0 : i32
    return %get3A_0, %c0_i32, %c0_i32_1 : i32, i32, i32
  }
  func.func @transform_3(%arg0: i32, %arg1: memref<80xi32, #tpu.memory_space<smem>>) -> (i32, i32, i32) {
    %get3A = arith.index_cast %arg0 : i32 to index
    %get3A_0 = memref.load %arg1[%get3A] : memref<80xi32, #tpu.memory_space<smem>>
    %c0_i32 = arith.constant 0 : i32
    %c0_i32_1 = arith.constant 0 : i32
    %c0_i32_2 = arith.constant 0 : i32
    return %get3A_0, %c0_i32, %c0_i32_1 : i32, i32, i32
  }
  func.func @transform_4(%arg0: i32, %arg1: memref<80xi32, #tpu.memory_space<smem>>) -> (i32, i32) {
    %c0_i32 = arith.constant 0 : i32
    %c0_i32_0 = arith.constant 0 : i32
    return %arg0, %c0_i32 : i32, i32
  }
}

module attributes {stable_mosaic.version = 14 : i64} {
  func.func @_shared_body(%arg0: i32, %arg1: memref<512x1024xf32, #tpu.memory_space<vmem>>, %arg2: memref<1408x1024xf32, #tpu.memory_space<vmem>>, %arg3: memref<1408x1024xf32, #tpu.memory_space<vmem>>, %arg4: memref<1024x1408xf32, #tpu.memory_space<vmem>>, %arg5: memref<512x1024xf32, #tpu.memory_space<vmem>>) attributes {dimension_semantics = [#tpu.dimension_semantics<arbitrary>], iteration_bounds = array<i64: 8>, scalar_prefetch = 0 : i64, scratch_operands = 0 : i64, tpu.core_type = #tpu.core_type<tc>, window_params = [{transform_indices = @transform_0, window_bounds = array<i64: 512, 1024>}, {pipeline_mode = #tpu.pipeline_mode<synchronous>, transform_indices = @transform_1, window_bounds = array<i64: 1408, 1024>}, {pipeline_mode = #tpu.pipeline_mode<synchronous>, transform_indices = @transform_2, window_bounds = array<i64: 1408, 1024>}, {pipeline_mode = #tpu.pipeline_mode<synchronous>, transform_indices = @transform_3, window_bounds = array<i64: 1024, 1408>}, {transform_indices = @transform_4, window_bounds = array<i64: 512, 1024>}]} {
    %get3A = arith.constant 0 : index
    %get3A_0 = arith.constant 0 : index
    %get3A_1 = vector.load %arg1[%get3A, %get3A_0] : memref<512x1024xf32, #tpu.memory_space<vmem>>, vector<512x1024xf32>
    %get3A_2 = arith.constant 0 : index
    %get3A_3 = arith.constant 0 : index
    %get3A_4 = vector.load %arg2[%get3A_2, %get3A_3] : memref<1408x1024xf32, #tpu.memory_space<vmem>>, vector<1408x1024xf32>
    %dot_general3A = arith.constant dense<0.000000e+00> : vector<512x1408xf32>
    %dot_general3A_5 = tpu.matmul %get3A_1, %get3A_4, %dot_general3A {dimension_numbers = #tpu.dot_dimension_numbers<[1], [1], [0], [0], [0, 0, 1, 0], [], []>, transpose_lhs_hint = false} : vector<512x1024xf32>, vector<1408x1024xf32>, vector<512x1408xf32> -> vector<512x1408xf32>
    %get3A_6 = arith.constant 0 : index
    %get3A_7 = arith.constant 0 : index
    %get3A_8 = vector.load %arg3[%get3A_6, %get3A_7] : memref<1408x1024xf32, #tpu.memory_space<vmem>>, vector<1408x1024xf32>
    %dot_general3A_9 = arith.constant dense<0.000000e+00> : vector<512x1408xf32>
    %dot_general3A_10 = tpu.matmul %get3A_1, %get3A_8, %dot_general3A_9 {dimension_numbers = #tpu.dot_dimension_numbers<[1], [1], [0], [0], [0, 0, 1, 0], [], []>, transpose_lhs_hint = false} : vector<512x1024xf32>, vector<1408x1024xf32>, vector<512x1408xf32> -> vector<512x1408xf32>
    %logistic3A = arith.negf %dot_general3A_5 : vector<512x1408xf32>
    %logistic3A_11 = math.exp %logistic3A : vector<512x1408xf32>
    %logistic3A_12 = arith.constant 1.000000e+00 : f32
    %logistic3A_13 = vector.broadcast %logistic3A_12 : f32 to vector<512x1408xf32>
    %logistic3A_14 = arith.addf %logistic3A_13, %logistic3A_11 : vector<512x1408xf32>
    %logistic3A_15 = arith.divf %logistic3A_13, %logistic3A_14 : vector<512x1408xf32>
    %mul3A = arith.mulf %dot_general3A_5, %logistic3A_15 : vector<512x1408xf32>
    %mul3A_16 = arith.mulf %mul3A, %dot_general3A_10 : vector<512x1408xf32>
    %get3A_17 = arith.constant 0 : index
    %get3A_18 = arith.constant 0 : index
    %get3A_19 = vector.load %arg4[%get3A_17, %get3A_18] : memref<1024x1408xf32, #tpu.memory_space<vmem>>, vector<1024x1408xf32>
    %dot_general3A_20 = arith.constant dense<0.000000e+00> : vector<512x1024xf32>
    %dot_general3A_21 = tpu.matmul %mul3A_16, %get3A_19, %dot_general3A_20 {dimension_numbers = #tpu.dot_dimension_numbers<[1], [1], [0], [0], [0, 0, 1, 0], [], []>, transpose_lhs_hint = false} : vector<512x1408xf32>, vector<1024x1408xf32>, vector<512x1024xf32> -> vector<512x1024xf32>
    %swap3A = arith.constant 0 : index
    %swap3A_22 = arith.constant 0 : index
    %swap3A_23 = vector.load %arg5[%swap3A, %swap3A_22] : memref<512x1024xf32, #tpu.memory_space<vmem>>, vector<512x1024xf32>
    tpu.vector_store %arg5[%swap3A, %swap3A_22], %dot_general3A_21 {strides = array<i32>} : memref<512x1024xf32, #tpu.memory_space<vmem>>, vector<512x1024xf32>,
    return
  }
  func.func @transform_0(%arg0: i32) -> (i32, i32) {
    %c0_i32 = arith.constant 0 : i32
    %c0_i32_0 = arith.constant 0 : i32
    return %arg0, %c0_i32 : i32, i32
  }
  func.func @transform_1(%arg0: i32) -> (i32, i32) {
    %c0_i32 = arith.constant 0 : i32
    %c0_i32_0 = arith.constant 0 : i32
    %c0_i32_1 = arith.constant 0 : i32
    return %c0_i32, %c0_i32_0 : i32, i32
  }
  func.func @transform_2(%arg0: i32) -> (i32, i32) {
    %c0_i32 = arith.constant 0 : i32
    %c0_i32_0 = arith.constant 0 : i32
    %c0_i32_1 = arith.constant 0 : i32
    return %c0_i32, %c0_i32_0 : i32, i32
  }
  func.func @transform_3(%arg0: i32) -> (i32, i32) {
    %c0_i32 = arith.constant 0 : i32
    %c0_i32_0 = arith.constant 0 : i32
    %c0_i32_1 = arith.constant 0 : i32
    return %c0_i32, %c0_i32_0 : i32, i32
  }
  func.func @transform_4(%arg0: i32) -> (i32, i32) {
    %c0_i32 = arith.constant 0 : i32
    %c0_i32_0 = arith.constant 0 : i32
    return %arg0, %c0_i32 : i32, i32
  }
}

module attributes {stable_mosaic.version = 14 : i64} {
  func.func @_add_body(%arg0: i32, %arg1: memref<512x1024xf32, #tpu.memory_space<vmem>>, %arg2: memref<512x128xf32, #tpu.memory_space<vmem>>, %arg3: memref<1x512x512xf32, #tpu.memory_space<vmem>>, %arg4: memref<1x512x512xf32, #tpu.memory_space<vmem>>, %arg5: memref<512x1024xf32, #tpu.memory_space<vmem>>) attributes {dimension_semantics = [#tpu.dimension_semantics<arbitrary>], iteration_bounds = array<i64: 8>, scalar_prefetch = 0 : i64, scratch_operands = 0 : i64, tpu.core_type = #tpu.core_type<tc>, window_params = [{transform_indices = @transform_0, window_bounds = array<i64: 512, 1024>}, {transform_indices = @transform_1, window_bounds = array<i64: 512, 128>}, {transform_indices = @transform_2, window_bounds = array<i64: 1, 512, 512>}, {transform_indices = @transform_3, window_bounds = array<i64: 1, 512, 512>}, {transform_indices = @transform_4, window_bounds = array<i64: 512, 1024>}]} {
    %get3A = arith.constant 0 : index
    %get3A_0 = arith.constant 0 : index
    %get3A_1 = vector.load %arg2[%get3A, %get3A_0] : memref<512x128xf32, #tpu.memory_space<vmem>>, vector<512x1xf32>
    %get3A_2 = arith.constant 0 : index
    %get3A_3 = arith.constant 1 : index
    %get3A_4 = vector.load %arg2[%get3A_2, %get3A_3] : memref<512x128xf32, #tpu.memory_space<vmem>>, vector<512x1xf32>
    %get3A_5 = arith.constant 0 : index
    %get3A_6 = arith.constant 0 : index
    %get3A_7 = arith.constant 0 : index
    %get3A_8 = vector.load %arg3[%get3A_5, %get3A_6, %get3A_7] : memref<1x512x512xf32, #tpu.memory_space<vmem>>, vector<1x512x512xf32>
    %get3A_9 = vector.shape_cast %get3A_8 : vector<1x512x512xf32> to vector<512x512xf32>
    %bitcast_convert_type3A = tpu.bitcast %get3A_9 : vector<512x512xf32> -> vector<512x512xi32>
    %shift_left3A = arith.constant 16 : i32
    %shift_left3A_10 = vector.broadcast %shift_left3A : i32 to vector<512x512xi32>
    %shift_left3A_11 = arith.shli %bitcast_convert_type3A, %shift_left3A_10 : vector<512x512xi32>
    %bitcast_convert_type3A_12 = tpu.bitcast %shift_left3A_11 : vector<512x512xi32> -> vector<512x512xf32>
    %and3A = arith.constant -65536 : i32
    %and3A_13 = vector.broadcast %and3A : i32 to vector<512x512xi32>
    %and3A_14 = arith.andi %bitcast_convert_type3A, %and3A_13 : vector<512x512xi32>
    %bitcast_convert_type3A_15 = tpu.bitcast %and3A_14 : vector<512x512xi32> -> vector<512x512xf32>
    %concatenate3A = tpu.concatenate %bitcast_convert_type3A_12, %bitcast_convert_type3A_15 in 1 : vector<512x512xf32>, vector<512x512xf32> -> vector<512x1024xf32>
    %get3A_16 = arith.constant 0 : index
    %get3A_17 = arith.constant 0 : index
    %get3A_18 = arith.constant 0 : index
    %get3A_19 = vector.load %arg4[%get3A_16, %get3A_17, %get3A_18] : memref<1x512x512xf32, #tpu.memory_space<vmem>>, vector<1x512x512xf32>
    %get3A_20 = vector.shape_cast %get3A_19 : vector<1x512x512xf32> to vector<512x512xf32>
    %bitcast_convert_type3A_21 = tpu.bitcast %get3A_20 : vector<512x512xf32> -> vector<512x512xi32>
    %shift_left3A_22 = arith.constant 16 : i32
    %shift_left3A_23 = vector.broadcast %shift_left3A_22 : i32 to vector<512x512xi32>
    %shift_left3A_24 = arith.shli %bitcast_convert_type3A_21, %shift_left3A_23 : vector<512x512xi32>
    %bitcast_convert_type3A_25 = tpu.bitcast %shift_left3A_24 : vector<512x512xi32> -> vector<512x512xf32>
    %and3A_26 = arith.constant -65536 : i32
    %and3A_27 = vector.broadcast %and3A_26 : i32 to vector<512x512xi32>
    %and3A_28 = arith.andi %bitcast_convert_type3A_21, %and3A_27 : vector<512x512xi32>
    %bitcast_convert_type3A_29 = tpu.bitcast %and3A_28 : vector<512x512xi32> -> vector<512x512xf32>
    %concatenate3A_30 = tpu.concatenate %bitcast_convert_type3A_25, %bitcast_convert_type3A_29 in 1 : vector<512x512xf32>, vector<512x512xf32> -> vector<512x1024xf32>
    %get3A_31 = arith.constant 0 : index
    %get3A_32 = arith.constant 0 : index
    %get3A_33 = vector.load %arg1[%get3A_31, %get3A_32] : memref<512x1024xf32, #tpu.memory_space<vmem>>, vector<512x1024xf32>
    %mul3A = vector.broadcast %get3A_1 : vector<512x1xf32> to vector<512x1024xf32>
    %mul3A_34 = arith.mulf %mul3A, %concatenate3A : vector<512x1024xf32>
    %add3A = arith.addf %get3A_33, %mul3A_34 : vector<512x1024xf32>
    %mul3A_35 = vector.broadcast %get3A_4 : vector<512x1xf32> to vector<512x1024xf32>
    %mul3A_36 = arith.mulf %mul3A_35, %concatenate3A_30 : vector<512x1024xf32>
    %add3A_37 = arith.addf %add3A, %mul3A_36 : vector<512x1024xf32>
    %swap3A = arith.constant 0 : index
    %swap3A_38 = arith.constant 0 : index
    %swap3A_39 = vector.load %arg5[%swap3A, %swap3A_38] : memref<512x1024xf32, #tpu.memory_space<vmem>>, vector<512x1024xf32>
    tpu.vector_store %arg5[%swap3A, %swap3A_38], %add3A_37 {strides = array<i32>} : memref<512x1024xf32, #tpu.memory_space<vmem>>, vector<512x1024xf32>,
    return
  }
  func.func @transform_0(%arg0: i32) -> (i32, i32) {
    %c0_i32 = arith.constant 0 : i32
    %c0_i32_0 = arith.constant 0 : i32
    return %arg0, %c0_i32 : i32, i32
  }
  func.func @transform_1(%arg0: i32) -> (i32, i32) {
    %c0_i32 = arith.constant 0 : i32
    %c0_i32_0 = arith.constant 0 : i32
    return %arg0, %c0_i32 : i32, i32
  }
  func.func @transform_2(%arg0: i32) -> (i32, i32, i32) {
    %c0_i32 = arith.constant 0 : i32
    %c0_i32_0 = arith.constant 0 : i32
    %c0_i32_1 = arith.constant 0 : i32
    return %c0_i32, %arg0, %c0_i32_0 : i32, i32, i32
  }
  func.func @transform_3(%arg0: i32) -> (i32, i32, i32) {
    %c1_i32 = arith.constant 1 : i32
    %c0_i32 = arith.constant 0 : i32
    %c0_i32_0 = arith.constant 0 : i32
    return %c1_i32, %arg0, %c0_i32 : i32, i32, i32
  }
  func.func @transform_4(%arg0: i32) -> (i32, i32) {
    %c0_i32 = arith.constant 0 : i32
    %c0_i32_0 = arith.constant 0 : i32
    return %arg0, %c0_i32 : i32, i32
  }
}

</mosaic_0001>

<sc_bundles>
// kernel: kernel.12.cloned.1.call-start
scs
__scs_entry_jumppad:
0x0: {  	(pc) =	sbr.rel $0x88, $3  }
0x1: {  	(tag) =	ssettag $0x0;
	lr =	simm.s32 $0x1  }
0x2: {  	[smem:$0x3F99] =	sst lr;
	_ =	strace $0xD0000000  }
0x3: {  	_ = 	snop  }
0x4: {  	_ = 	snop  }
0x5: {  	_ = 	snop  }
0x6: {  	_ = 	snop  }
0x7: {  	_ = 	snop  }
__scs_overlays_trampoline_lowered:
0x8: {  	[smem:$0x3FA8] =	sst s0  }
0x9: {  	[smem:$0x3FA9] =	sst s1  }
0xa: {  	[smem:$0x3FAA] =	sst s2  }
0xb: {  	[smem:$0x3FAB] =	sst s3  }
0xc: {  	[smem:$0x3FAC] =	sst s4  }
0xd: {  	[smem:$0x3FAD] =	sst s5  }
0xe: {  	[smem:$0x3FAE] =	sst s6  }
0xf: {  	[smem:$0x3FAF] =	sst s7  }
0x10: {  	[smem:$0x3FB0] =	sst s8  }
0x11: {  	[smem:$0x3FB1] =	sst s9;
	s0 =	simm.s32 @!p0 $0x0  }
0x12: {  	s1 =	sld [smem:$0x3F97];
	s0 =	simm.s32 @p0 $0x1  }
0x13: {  	[smem:$0x3FB2] =	sst s0;
	s0 =	simm.s32 @!p1 $0x0  }
0x14: {  	s2 =	sld [smem:$0x3F96];
	s0 =	simm.s32 @p1 $0x1  }
0x15: {  	[smem:$0x3FB3] =	sst s0;
	s0 =	simm.s32 @!p2 $0x0  }
0x16: {  	s3 =	sld [smem:$0x3FDB];
	s0 =	simm.s32 @p2 $0x1  }
0x17: {  	s4 =	simm.s32 $0x1BF5;
	[smem:$0x3FB5] =	sst s0  }
0x18: {  	s0 =	sld [smem:$0x3F98];
	_ =	swait.ge [sflag:s4], $0x0  }
0x19: {  	s7 =	sld [smem:$0x3F99]  }
0x1a: {  	s8 =	sadd.s32 $0xFFFFE003, lr  }
0x1b: {  	s9 =	sadd.s32 $0xFFFFFEF7, lr;
	s5 =	simm.s32 $0xFFFFFFFF;
	p2 =	slt.u32 s8, $0xFFFFF086  }
0x1c: {  	p1 =	slt.u32 s9, $0xF7A;
	s5 =	simm.s32 @!p2 $0x0  }
0x1d: {  	s5 =	simm.s32 @p1 $0x1;
	p0 =	seq.s32 s7, s2  }
0x1e: {  	s7 =	smul.u32 @!p0 $0xF7A, s2;
	p2 =	seq.s32 @!p0 s5, $0x0  }
0x1f: {  	s9 =	smul.u32 $0xF7A, s1;
	s8 =	simm.s32 @!p0 $0x1BF5;
	p2 =	por !p2, p0  }
0x20: {  	[sflag:s8] =	ssyncset.s32 @!p0 $0xFFFFF086;
	s6 =	sadd.s32 @!p0 s3, s7;
	s7 =	simm.s32 @!p0 $0x108  }
0x21: {  	s3 =	sadd.s32 s3, s9;
	s6 =	sadd.s32 @!p0 $0x88, s6;
	s7 =	simm.s32 @p2 $0x1082  }
0x22: {  	[simem:s7], [sflag:s8] =	dma.local @!p0 [hbm:s6], $0xF7A  }
0x23: {  	s9 =	sor.u32 $0xD0000000, s2;
	s6 =	simm.s32 $0x108;
	_ =	swait.ge @!p0 [sflag:s8], $0x0  }
0x24: {  	s3 =	sadd.s32 $0x88, s3;
	s6 =	simm.s32 @!p1 $0x1082;
	[sflag:s4] =	ssyncset.s32 $0xFFFFF086  }
0x25: {  	[simem:s6], [sflag:s4] =	dma.local [hbm:s3], $0xF7A  }
0x26: {  	[smem:$0x3F99] =	sst s1;
	(tag) =	ssettag s2;
	_ =	strace s9  }
0x27: {  	s1 =	sld [smem:$0x3FA9]  }
0x28: {  	s2 =	sld [smem:$0x3FAA]  }
0x29: {  	s4 =	sld [smem:$0x3FAC]  }
0x2a: {  	p0 =	seq.s32 s5, $0x0;
	s5 =	sld [smem:$0x3FAD]  }
0x2b: {  	s6 =	sld [smem:$0x3FAE]  }
0x2c: {  	s7 =	sld [smem:$0x3FAF]  }
0x2d: {  	s3 =	simm.s32 $0x108;
	s8 =	sld [smem:$0x3FB0]  }
0x2e: {  	s3 =	simm.s32 @!p0 $0x1082;
	s9 =	sld [smem:$0x3FB1]  }
0x2f: {  	lr =	sadd.s32 s0, s3;
	s0 =	sld [smem:$0x3FA8]  }
0x30: {  	s3 =	sld [smem:$0x3FAB]  }
0x31: {  	[smem:$0x3FB4] =	sst s10  }
0x32: {  	s10 =	sld [smem:$0x3FB2];
	_ =	sdelay $0x3  }
0x33: {  	p0 =	seq.s32 s10, $0x1;
	s10 =	sld [smem:$0x3FB4];
	_ =	sdelay $0x3  }
0x34: {  	[smem:$0x3FB4] =	sst s10  }
0x35: {  	s10 =	sld [smem:$0x3FB3];
	_ =	sdelay $0x3  }
0x36: {  	p1 =	seq.s32 s10, $0x1;
	s10 =	sld [smem:$0x3FB4];
	_ =	sdelay $0x3  }
0x37: {  	[smem:$0x3FB4] =	sst s10  }
0x38: {  	s10 =	sld [smem:$0x3FB5]  }
0x39: {  	_ = 	snop;
	(pc) =	sbr.ind lr, $3  }
0x3a: {  	_ = 	snop  }
0x3b: {  	_ = 	snop  }
0x3c: {  	p2 =	seq.s32 s10, $0x1;
	s10 =	sld [smem:$0x3FB4]  }
0x3d: {  	_ =	shalt  }
0x3e: {  	_ =	shalt  }
0x3f: {  	_ =	shalt  }
0x40: {  	_ =	shalt  }
0x41: {  	_ =	shalt  }
0x42: {  	_ =	shalt  }
0x43: {  	_ =	shalt  }
0x44: {  	_ =	shalt  }
0x45: {  	_ =	shalt  }
0x46: {  	_ =	shalt  }
0x47: {  	_ =	shalt  }
0x48: {  	_ =	shalt  }
0x49: {  	_ =	shalt  }
0x4a: {  	_ =	shalt  }
0x4b: {  	_ =	shalt  }
0x4c: {  	_ =	shalt  }
0x4d: {  	_ =	shalt  }
0x4e: {  	_ =	shalt  }
0x4f: {  	_ =	shalt  }
0x50: {  	_ =	shalt  }
0x51: {  	_ =	shalt  }
0x52: {  	_ =	shalt  }
0x53: {  	_ =	shalt  }
0x54: {  	_ =	shalt  }
0x55: {  	_ =	shalt  }
0x56: {  	_ =	shalt  }
0x57: {  	_ =	shalt  }
0x58: {  	_ =	shalt  }
0x59: {  	_ =	shalt  }
0x5a: {  	_ =	shalt  }
0x5b: {  	_ =	shalt  }
0x5c: {  	_ =	shalt  }
0x5d: {  	_ =	shalt  }
0x5e: {  	_ =	shalt  }
0x5f: {  	_ =	shalt  }
0x60: {  	_ =	shalt  }
0x61: {  	_ =	shalt  }
0x62: {  	_ =	shalt  }
0x63: {  	_ =	shalt  }
0x64: {  	_ =	shalt  }
0x65: {  	_ =	shalt  }
0x66: {  	_ =	shalt  }
0x67: {  	_ =	shalt  }
0x68: {  	_ =	shalt  }
0x69: {  	_ =	shalt  }
0x6a: {  	_ =	shalt  }
0x6b: {  	_ =	shalt  }
0x6c: {  	_ =	shalt  }
0x6d: {  	_ =	shalt  }
0x6e: {  	_ =	shalt  }
0x6f: {  	_ =	shalt  }
0x70: {  	_ =	shalt  }
0x71: {  	_ =	shalt  }
0x72: {  	_ =	shalt  }
0x73: {  	_ =	shalt  }
0x74: {  	_ =	shalt  }
0x75: {  	_ =	shalt  }
0x76: {  	_ =	shalt  }
0x77: {  	_ =	shalt  }
0x78: {  	_ =	shalt  }
0x79: {  	_ =	shalt  }
0x7a: {  	_ =	shalt  }
0x7b: {  	_ =	shalt  }
0x7c: {  	_ =	shalt  }
0x7d: {  	_ =	shalt  }
0x7e: {  	_ =	shalt  }
0x7f: {  	_ =	shalt  }
0x80: {  	_ =	shalt  }
0x81: {  	_ =	shalt  }
0x82: {  	_ =	shalt  }
0x83: {  	_ =	shalt  }
0x84: {  	_ =	shalt  }
0x85: {  	_ =	shalt  }
0x86: {  	_ =	shalt  }
0x87: {  	_ =	shalt  }
.Lfunc_end0:
.L_simem_size_0:
called_computation.1_lowered:
.L_overlay_start_0:
0x88: {  	s2 =	sld [smem:$0x3FD9]  }
0x89: {  	s3 =	sld [smem:$0x3FFE];
	_ =	sdelay $0x1  }
0x8a: {  	s1 =	srdreg.scid  }
0x8b: {  	s0 =	sand.u32 $0x1, s1  }
0x8c: {  	s16 =	sshll.u32 s0, $0xA;
	s2 =	sadd.s32 s3, s2  }
0x8d: {  	s2 =	sadd.s32 s2, s16  }
0x8e: {  	[smem:$0x3FC0] =	sst s2  }
0x8f: {  	_ = 	snop  }
0x90: {  	(tm) =	ssettm $0x1  }
0x91: {  	s17 =	sld [smem:$0x3FFB];
	_ =	sdelay $0x3  }
0x92: {  	_ =	strace s17  }
0x93: {  	s2 =	sld [smem:$0x3FFC];
	_ =	sdelay $0x3  }
0x94: {  	_ =	strace s2  }
0x95: {  	s2 =	sld [smem:$0x3FFD];
	_ =	sdelay $0x3  }
0x96: {  	_ =	strace s2  }
0x97: {  	_ =	strace $0x8FFFFFFF  }
0x98: {  	s18 =	sld [smem:$0x3FDB];
	_ =	sdelay $0x1  }
0x99: {  	s19 =	simm.s32 $_scs_section_size  }
0x9a: {  	s4 =	simm.s32 $_size__tile_overlayer_lowered;
	s5 =	simm.s32 $_tile_overlayer_lowered  }
0x9b: {  	s22 =	simm.s32 $0x1BFF;
	s21 =	sshll.u32 s5, $0x1;
	s2 =	sadd.s32 s19, s18  }
0x9c: {  	s6 =	simm.s32 $0x0;
	s20 =	sshll.u32 s4, $0x1;
	s4 =	sadd.s32 s21, s2  }
0x9d: {  	[timem:s6], [sflag:s22] =	dma.local [hbm:s4], s20  }
0x9e: {  	_ =	swait.ge [sflag:s22], s20  }
0x9f: {  	s3 =	ssub.s32 $0x0, s20;
	[sflag:s22] =	ssyncset.done $0x0  }
0xa0: {  	[sflag:s22] =	ssyncadd.s32 s3;
	_ =	sdelay $0x1  }
0xa1: {  	s23 =	simm.s32 $0x1B8B  }
0xa2: {  	_ =	swait.ge [sflag:s23], $0x1  }
0xa3: {  	[sflag:s23] =	ssyncset.done $0x0  }
0xa4: {  	s25 =	simm.s32 $0x1B8E;
	s24 =	sld [smem:$0x3FFE];
	[sflag:s23] =	ssyncadd.s32 $0xFFFFFFFF  }
0xa5: {  	s26 =	simm.s32 $execute0_lowered;
	[smem:$0x3FD2] =	sst s25  }
0xa6: {  	s4 =	sshll.u32 s26, $0x1;
	_ =	strace $0x80000049;
	[dreg:$0x1] =	wrdreg $0xFFFFFFFF  }
0xa7: {  	s28 =	simm.s32 $_size_execute0_lowered;
	s2 =	sadd.s32 s2, s4;
	[dreg:$0x0] =	wrdreg $0x0  }
0xa8: {  	s4 =	sshll.u32 s28, $0x1;
	[dreg:$0x2] =	wrdreg s2  }
0xa9: {  	[dreg:$0x3] =	wrdreg s4  }
0xaa: {  	[dreg:$0x4] =	wrdreg $0xC0  }
0xab: {  	_ =	task [dreg:s6], $0x5FFFF  }
0xac: {  	[dreg:$0x1] =	wrdreg $0xFFFFFFFF  }
0xad: {  	[dreg:$0x0] =	wrdreg $0x60  }
0xae: {  	[dreg:$0x2] =	wrdreg s24  }
0xaf: {  	[dreg:$0x3] =	wrdreg $0x9  }
0xb0: {  	_ =	task.clear_ibuf [dreg:s6], $0x4FFFF;
	_ =	strace $0x90000049  }
0xb1: {  	s29 =	simm.s32 $0x9;
	_ =	strace $0x8000004B  }
0xb2: {  	_ =	swait.ge [sflag:s29], $0x1  }
0xb3: {  	[sflag:s29] =	ssyncadd.s32 $0xFFFFFFFF  }
0xb4: {  	_ =	strace $0x9000004B  }
0xb5: {  	_ =	sfence  }
0xb6: {  	s30 =	sld [smem:$0x0];
	_ =	sdelay $0x2  }
0xb7: {  	s31 =	sshll.u32 s1, $0xD;
	s1 =	sshrl.u32 s1, $0x2  }
0xb8: {  	s3 =	sand.u32 $0x4000, s31;
	s1 =	sadd.s32 s1, s30  }
0xb9: {  	s0 =	sor.u32 s3, s0;
	s1 =	sshll.u32 s1, $0x11  }
0xba: {  	s0 =	sor.u32 s1, s0  }
0xbb: {  	s0 =	sadd.s32 $0x8F2B, s0  }
0xbc: {  	[sflag:s0] =	ssyncadd.remote.s32 $0x1  }
0xbd: {  	_ =	sfence.sel $0xFFFF  }
0xbe: {  	[dreg:$0x0] =	wrdreg $0xFFFFFFFF;
	(pc) =	sbr.abs _section_cstart, $3  }
0xbf: {  	[dreg:$0x1] =	wrdreg $0xFFFFFFFF  }
0xc0: {  	_ =	task.clear_ibuf [dreg:s6], $0x2FFFF;
	_ =	strace $0x9FFFFFFF  }
0xc1: {  	(tm) =	ssettm $0x7FFFFFFF  }
tec
execute0_lowered:
.L_overlay_start_1:
0x0: {  	(tag) =	ssettag $0x1  }
0x1: {  	s1 =	srdreg.scid  }
0x2: {  	s0 =	stileid.u32;
	s4 =	rddreg [dreg:$0x0]  }
0x3: {  	s11 =	simm.s32 $0x5;
	s12 =	simm.s32 $0x100;
	s13 =	simm.s32 $0x900  }
0x4: {  	s14 =	simm.s32 $0x1100;
	s15 =	simm.s32 $0x1900;
	s16 =	simm.s32 $0x2100  }
0x5: {  	s17 =	simm.s32 $0x2900;
	s18 =	simm.s32 $0x3100;
	s19 =	simm.s32 $0x3900  }
0x6: {  	s20 =	simm.s32 $0x4100;
	s21 =	simm.s32 $0x4900;
	s22 =	simm.s32 $0x5100  }
0x7: {  	s23 =	simm.s32 $0x5900;
	s28 =	simm.s32 $0x7900;
	s29 =	simm.s32 $0x1  }
0x8: {  	s30 =	simm.s32 $0x3;
	s31 =	simm.s32 $0x2;
	s1 =	sand.u32 $0x1, s1  }
0x9: {  	s2 =	sshll.u32 s0, $0x9;
	s3 =	sshll.u32 s1, $0x8;
	s1 =	ssub.s32 $0x2, s1  }
0xa: {  	s3 =	sor.u32 s3, s2;
	s2 =	simm.s32 $0x0;
	s6 =	sshrl.u32 s1, $0x1  }
0xb: {  	s5 =	sshrl.u32 s3, $0x3;
	[smem:$0x7FF] =	sst s2;
	s3 =	sshll.u32 s3, $0x6  }
0xc: {  	s1 =	ssub.s32 s1, s6;
	s5 =	sadd.s32 s5, s4;
	_ =	strace $0x8000004A  }
0xd: {  	s9 =	sadd.s32 s3, s4;
	s3 =	sadd.s32 $0x11A00, s4;
	s4 =	sadd.s32 $0x11B00, s4  }
0xe: {  	s10 =	smax.u32 s1, $0x1;
	s1 =	simm.s32 $0x4;
	s5 =	sadd.s32 $0xB2A00, s5  }
0xf: {  	s24 =	sadd.s32 $0xB2E00, s9;
	s25 =	sadd.s32 $0xB3600, s9;
	[dreg:$0x2] =	wrdreg s5  }
0x10: {  	s26 =	sadd.s32 $0xB3E00, s9;
	s6 =	sadd.s32 $0xB4E00, s9;
	[dreg:$0x3] =	wrdreg s24  }
0x11: {  	v2 =	vlaneseq.u32;
	s7 =	sadd.s32 $0xB5600, s9;
	s8 =	sadd.s32 $0xB5E00, s9;
	[dreg:$0x4] =	wrdreg s25  }
0x12: {  	vm0 =	vmmov $0xffff;
	v1 =	vshrl.u32 v2, $0x3;
	[dreg:$0x5] =	wrdreg s26;
	s5 =	sadd.s32 $0xB4600, s9;
	s9 =	sadd.s32 $0xB6600, s9  }
0x13: {  	v0 =	vand.u32 $0x7, v2;
	v2 =	vor.u32 $0x8, v2;
	v1 =	vmul.u32 $0x8, v1;
	s24 =	simm.s32 $0x6100;
	s25 =	simm.s32 $0x6900;
	s26 =	simm.s32 $0x7100  }
.LBB2_1:
0x14: {  	s0 =	rddreg [dreg:$0x2]  }
0x15: {  	[tilespmem:s2], [sflag:$0x5] =	stream.linear.gather [hbm4b:s0+s2], $0x100, $0x38;
	[tilespmem:$0x8100] =	vst v63  }
0x16: {  	_ =	swait.ge [sflag:s11], $0x100  }
0x17: {  	[sflag:s11] =	ssyncset.done $0x0  }
0x18: {  	[sflag:s11] =	ssyncadd.s32 $0xFFFFFF00  }
0x19: {  	v3 =	vld [tilespmem:$0x0];
	_ =	sdelay $0x4  }
0x1a: {  	v4 =	vshll.u32 v3, $0x2  }
0x1b: {  	v3 =	vand.u32 $0x7, v3;
	v4 =	vand.u32 $0xFFFFFFE0, v4  }
0x1c: {  	v3 =	vor.u32 v3, v4  }
0x1d: {  	v4 =	vperm.xlane v3, v0;
	_ =	sdelay $0x1  }
0x1e: {  	v4 =	vadd.s32 v1, v4;
	_ =	sdelay $0x1  }
0x1f: {  	v3 =	vperm.xlane v3, v2;
	_ =	sdelay $0x1  }
0x20: {  	v3 =	vadd.s32 v1, v3  }
0x21: {  	[tilespmem:s12], [sflag:$0x1] =	stream.indirect_vreg.gather [hbm4b:s3+s2], $0x80, v4, vm0, $0xb8;
	[tilespmem:$0x8100] =	vst v63  }
0x22: {  	_ = 	snop  }
0x23: {  	[tilespmem:s13], [sflag:$0x1] =	stream.indirect_vreg.gather [hbm4b:s4+s2], $0x80, v4, vm0, $0xb8;
	[tilespmem:$0x8100] =	vst v63  }
0x24: {  	_ = 	snop  }
0x25: {  	[tilespmem:s14], [sflag:$0x1] =	stream.indirect_vreg.gather [hbm4b:s3+s2], $0x80, v3, vm0, $0xb8;
	[tilespmem:$0x8100] =	vst v63  }
0x26: {  	_ = 	snop  }
0x27: {  	[tilespmem:s15], [sflag:$0x1] =	stream.indirect_vreg.gather [hbm4b:s4+s2], $0x80, v3, vm0, $0xb8;
	[tilespmem:$0x8100] =	vst v63  }
0x28: {  	v3 =	vld [tilespmem:$0x10];
	_ =	sdelay $0x4  }
0x29: {  	v49 =	vshll.u32 v3, $0x2  }
0x2a: {  	v3 =	vand.u32 $0x7, v3;
	v4 =	vand.u32 $0xFFFFFFE0, v49  }
0x2b: {  	v3 =	vor.u32 v3, v4  }
0x2c: {  	v4 =	vperm.xlane v3, v0;
	_ =	sdelay $0x1  }
0x2d: {  	v4 =	vadd.s32 v1, v4;
	_ =	sdelay $0x1  }
0x2e: {  	v3 =	vperm.xlane v3, v2;
	_ =	sdelay $0x1  }
0x2f: {  	v3 =	vadd.s32 v1, v3  }
0x30: {  	[tilespmem:s16], [sflag:$0x1] =	stream.indirect_vreg.gather [hbm4b:s3+s2], $0x80, v4, vm0, $0xb8;
	[tilespmem:$0x8100] =	vst v63  }
0x31: {  	_ = 	snop  }
0x32: {  	[tilespmem:s17], [sflag:$0x1] =	stream.indirect_vreg.gather [hbm4b:s4+s2], $0x80, v4, vm0, $0xb8;
	[tilespmem:$0x8100] =	vst v63  }
0x33: {  	_ = 	snop  }
0x34: {  	[tilespmem:s18], [sflag:$0x1] =	stream.indirect_vreg.gather [hbm4b:s3+s2], $0x80, v3, vm0, $0xb8;
	[tilespmem:$0x8100] =	vst v63  }
0x35: {  	_ = 	snop  }
0x36: {  	[tilespmem:s19], [sflag:$0x1] =	stream.indirect_vreg.gather [hbm4b:s4+s2], $0x80, v3, vm0, $0xb8;
	[tilespmem:$0x8100] =	vst v63  }
0x37: {  	v3 =	vld [tilespmem:$0x20];
	_ =	sdelay $0x4  }
0x38: {  	v50 =	vshll.u32 v3, $0x2  }
0x39: {  	v3 =	vand.u32 $0x7, v3;
	v4 =	vand.u32 $0xFFFFFFE0, v50  }
0x3a: {  	v3 =	vor.u32 v3, v4  }
0x3b: {  	v4 =	vperm.xlane v3, v0;
	_ =	sdelay $0x1  }
0x3c: {  	v4 =	vadd.s32 v1, v4;
	_ =	sdelay $0x1  }
0x3d: {  	v3 =	vperm.xlane v3, v2;
	_ =	sdelay $0x1  }
0x3e: {  	v3 =	vadd.s32 v1, v3  }
0x3f: {  	[tilespmem:s20], [sflag:$0x2] =	stream.indirect_vreg.gather [hbm4b:s3+s2], $0x80, v4, vm0, $0xb8;
	[tilespmem:$0x8100] =	vst v63  }
0x40: {  	_ = 	snop  }
0x41: {  	[tilespmem:s21], [sflag:$0x2] =	stream.indirect_vreg.gather [hbm4b:s4+s2], $0x80, v4, vm0, $0xb8;
	[tilespmem:$0x8100] =	vst v63  }
0x42: {  	_ = 	snop  }
0x43: {  	[tilespmem:s22], [sflag:$0x2] =	stream.indirect_vreg.gather [hbm4b:s3+s2], $0x80, v3, vm0, $0xb8;
	[tilespmem:$0x8100] =	vst v63  }
0x44: {  	_ = 	snop  }
0x45: {  	[tilespmem:s23], [sflag:$0x2] =	stream.indirect_vreg.gather [hbm4b:s4+s2], $0x80, v3, vm0, $0xb8;
	[tilespmem:$0x8100] =	vst v63  }
0x46: {  	v3 =	vld [tilespmem:$0x30];
	_ =	sdelay $0x4  }
0x47: {  	v51 =	vshll.u32 v3, $0x2  }
0x48: {  	v3 =	vand.u32 $0x7, v3;
	v4 =	vand.u32 $0xFFFFFFE0, v51  }
0x49: {  	v3 =	vor.u32 v3, v4  }
0x4a: {  	v4 =	vperm.xlane v3, v0;
	_ =	sdelay $0x1  }
0x4b: {  	v4 =	vadd.s32 v1, v4;
	_ =	sdelay $0x1  }
0x4c: {  	v3 =	vperm.xlane v3, v2;
	_ =	sdelay $0x1  }
0x4d: {  	v3 =	vadd.s32 v1, v3  }
0x4e: {  	[tilespmem:s24], [sflag:$0x2] =	stream.indirect_vreg.gather [hbm4b:s3+s2], $0x80, v4, vm0, $0xb8;
	[tilespmem:$0x8100] =	vst v63  }
0x4f: {  	_ = 	snop  }
0x50: {  	[tilespmem:s25], [sflag:$0x2] =	stream.indirect_vreg.gather [hbm4b:s4+s2], $0x80, v4, vm0, $0xb8;
	[tilespmem:$0x8100] =	vst v63  }
0x51: {  	_ = 	snop  }
0x52: {  	[tilespmem:s26], [sflag:$0x2] =	stream.indirect_vreg.gather [hbm4b:s3+s2], $0x80, v3, vm0, $0xb8;
	[tilespmem:$0x8100] =	vst v63  }
0x53: {  	_ = 	snop  }
0x54: {  	[tilespmem:s28], [sflag:$0x2] =	stream.indirect_vreg.gather [hbm4b:s4+s2], $0x80, v3, vm0, $0xb8;
	[tilespmem:$0x8100] =	vst v63  }
0x55: {  	_ =	swait.ge [sflag:s29], $0x4000  }
0x56: {  	[sflag:s29] =	ssyncset.done $0x0  }
0x57: {  	s0 =	rddreg [dreg:$0x3];
	[sflag:s29] =	ssyncadd.s32 $0xFFFFC000  }
0x58: {  	[hbm4b:s0+s2] =	stream.linear.scatter [tilespmem:s12], [sflag:$0x3], $0x4000, $0x38;
	[tilespmem:$0x8100] =	vst v63  }
0x59: {  	_ =	swait.ge [sflag:s30], $0x4000  }
0x5a: {  	[sflag:s30] =	ssyncset.done $0x0  }
0x5b: {  	[sflag:s30] =	ssyncadd.s32 $0xFFFFC000  }
0x5c: {  	v3 =	vld [tilespmem:$0x40];
	_ =	sdelay $0x4  }
0x5d: {  	v52 =	vshll.u32 v3, $0x2  }
0x5e: {  	v3 =	vand.u32 $0x7, v3;
	v4 =	vand.u32 $0xFFFFFFE0, v52  }
0x5f: {  	v3 =	vor.u32 v3, v4  }
0x60: {  	v4 =	vperm.xlane v3, v0;
	_ =	sdelay $0x1  }
0x61: {  	v4 =	vadd.s32 v1, v4;
	_ =	sdelay $0x1  }
0x62: {  	v3 =	vperm.xlane v3, v2;
	_ =	sdelay $0x1  }
0x63: {  	v3 =	vadd.s32 v1, v3  }
0x64: {  	[tilespmem:s12], [sflag:$0x1] =	stream.indirect_vreg.gather [hbm4b:s3+s2], $0x80, v4, vm0, $0xb8;
	[tilespmem:$0x8100] =	vst v63  }
0x65: {  	_ = 	snop  }
0x66: {  	[tilespmem:s13], [sflag:$0x1] =	stream.indirect_vreg.gather [hbm4b:s4+s2], $0x80, v4, vm0, $0xb8;
	[tilespmem:$0x8100] =	vst v63  }
0x67: {  	_ = 	snop  }
0x68: {  	[tilespmem:s14], [sflag:$0x1] =	stream.indirect_vreg.gather [hbm4b:s3+s2], $0x80, v3, vm0, $0xb8;
	[tilespmem:$0x8100] =	vst v63  }
0x69: {  	_ = 	snop  }
0x6a: {  	[tilespmem:s15], [sflag:$0x1] =	stream.indirect_vreg.gather [hbm4b:s4+s2], $0x80, v3, vm0, $0xb8;
	[tilespmem:$0x8100] =	vst v63  }
0x6b: {  	v3 =	vld [tilespmem:$0x50];
	_ =	sdelay $0x4  }
0x6c: {  	v53 =	vshll.u32 v3, $0x2  }
0x6d: {  	v3 =	vand.u32 $0x7, v3;
	v4 =	vand.u32 $0xFFFFFFE0, v53  }
0x6e: {  	v3 =	vor.u32 v3, v4  }
0x6f: {  	v4 =	vperm.xlane v3, v0;
	_ =	sdelay $0x1  }
0x70: {  	v4 =	vadd.s32 v1, v4;
	_ =	sdelay $0x1  }
0x71: {  	v3 =	vperm.xlane v3, v2;
	_ =	sdelay $0x1  }
0x72: {  	v3 =	vadd.s32 v1, v3  }
0x73: {  	[tilespmem:s16], [sflag:$0x1] =	stream.indirect_vreg.gather [hbm4b:s3+s2], $0x80, v4, vm0, $0xb8;
	[tilespmem:$0x8100] =	vst v63  }
0x74: {  	_ = 	snop  }
0x75: {  	[tilespmem:s17], [sflag:$0x1] =	stream.indirect_vreg.gather [hbm4b:s4+s2], $0x80, v4, vm0, $0xb8;
	[tilespmem:$0x8100] =	vst v63  }
0x76: {  	_ = 	snop  }
0x77: {  	[tilespmem:s18], [sflag:$0x1] =	stream.indirect_vreg.gather [hbm4b:s3+s2], $0x80, v3, vm0, $0xb8;
	[tilespmem:$0x8100] =	vst v63  }
0x78: {  	_ = 	snop  }
0x79: {  	[tilespmem:s19], [sflag:$0x1] =	stream.indirect_vreg.gather [hbm4b:s4+s2], $0x80, v3, vm0, $0xb8;
	[tilespmem:$0x8100] =	vst v63  }
0x7a: {  	_ =	swait.ge [sflag:s31], $0x4000  }
0x7b: {  	[sflag:s31] =	ssyncset.done $0x0  }
0x7c: {  	s0 =	rddreg [dreg:$0x4];
	[sflag:s31] =	ssyncadd.s32 $0xFFFFC000  }
0x7d: {  	[hbm4b:s0+s2] =	stream.linear.scatter [tilespmem:s20], [sflag:$0x4], $0x4000, $0x38;
	[tilespmem:$0x8100] =	vst v63  }
0x7e: {  	_ =	swait.ge [sflag:s1], $0x4000  }
0x7f: {  	[sflag:s1] =	ssyncset.done $0x0  }
0x80: {  	[sflag:s1] =	ssyncadd.s32 $0xFFFFC000  }
0x81: {  	v3 =	vld [tilespmem:$0x60];
	_ =	sdelay $0x4  }
0x82: {  	v54 =	vshll.u32 v3, $0x2  }
0x83: {  	v3 =	vand.u32 $0x7, v3;
	v4 =	vand.u32 $0xFFFFFFE0, v54  }
0x84: {  	v3 =	vor.u32 v3, v4  }
0x85: {  	v4 =	vperm.xlane v3, v0;
	_ =	sdelay $0x1  }
0x86: {  	v4 =	vadd.s32 v1, v4;
	_ =	sdelay $0x1  }
0x87: {  	v3 =	vperm.xlane v3, v2;
	_ =	sdelay $0x1  }
0x88: {  	v3 =	vadd.s32 v1, v3  }
0x89: {  	[tilespmem:s20], [sflag:$0x2] =	stream.indirect_vreg.gather [hbm4b:s3+s2], $0x80, v4, vm0, $0xb8;
	[tilespmem:$0x8100] =	vst v63  }
0x8a: {  	_ = 	snop  }
0x8b: {  	[tilespmem:s21], [sflag:$0x2] =	stream.indirect_vreg.gather [hbm4b:s4+s2], $0x80, v4, vm0, $0xb8;
	[tilespmem:$0x8100] =	vst v63  }
0x8c: {  	_ = 	snop  }
0x8d: {  	[tilespmem:s22], [sflag:$0x2] =	stream.indirect_vreg.gather [hbm4b:s3+s2], $0x80, v3, vm0, $0xb8;
	[tilespmem:$0x8100] =	vst v63  }
0x8e: {  	_ = 	snop  }
0x8f: {  	[tilespmem:s23], [sflag:$0x2] =	stream.indirect_vreg.gather [hbm4b:s4+s2], $0x80, v3, vm0, $0xb8;
	[tilespmem:$0x8100] =	vst v63  }
0x90: {  	v3 =	vld [tilespmem:$0x70];
	_ =	sdelay $0x4  }
0x91: {  	v55 =	vshll.u32 v3, $0x2  }
0x92: {  	v3 =	vand.u32 $0x7, v3;
	v4 =	vand.u32 $0xFFFFFFE0, v55  }
0x93: {  	v3 =	vor.u32 v3, v4  }
0x94: {  	v4 =	vperm.xlane v3, v0;
	_ =	sdelay $0x1  }
0x95: {  	v4 =	vadd.s32 v1, v4;
	_ =	sdelay $0x1  }
0x96: {  	v3 =	vperm.xlane v3, v2;
	_ =	sdelay $0x1  }
0x97: {  	v3 =	vadd.s32 v1, v3  }
0x98: {  	[tilespmem:s24], [sflag:$0x2] =	stream.indirect_vreg.gather [hbm4b:s3+s2], $0x80, v4, vm0, $0xb8;
	[tilespmem:$0x8100] =	vst v63  }
0x99: {  	_ = 	snop  }
0x9a: {  	[tilespmem:s25], [sflag:$0x2] =	stream.indirect_vreg.gather [hbm4b:s4+s2], $0x80, v4, vm0, $0xb8;
	[tilespmem:$0x8100] =	vst v63  }
0x9b: {  	_ = 	snop  }
0x9c: {  	[tilespmem:s26], [sflag:$0x2] =	stream.indirect_vreg.gather [hbm4b:s3+s2], $0x80, v3, vm0, $0xb8;
	[tilespmem:$0x8100] =	vst v63  }
0x9d: {  	_ = 	snop  }
0x9e: {  	[tilespmem:s28], [sflag:$0x2] =	stream.indirect_vreg.gather [hbm4b:s4+s2], $0x80, v3, vm0, $0xb8;
	[tilespmem:$0x8100] =	vst v63  }
0x9f: {  	_ =	swait.ge [sflag:s29], $0x4000  }
0xa0: {  	[sflag:s29] =	ssyncset.done $0x0  }
0xa1: {  	s0 =	rddreg [dreg:$0x5];
	[sflag:s29] =	ssyncadd.s32 $0xFFFFC000  }
0xa2: {  	[hbm4b:s0+s2] =	stream.linear.scatter [tilespmem:s12], [sflag:$0x3], $0x4000, $0x38;
	[tilespmem:$0x8100] =	vst v63  }
0xa3: {  	_ =	swait.ge [sflag:s30], $0x4000  }
0xa4: {  	[sflag:s30] =	ssyncset.done $0x0  }
0xa5: {  	[sflag:s30] =	ssyncadd.s32 $0xFFFFC000  }
0xa6: {  	v3 =	vld [tilespmem:$0x80];
	_ =	sdelay $0x4  }
0xa7: {  	v56 =	vshll.u32 v3, $0x2  }
0xa8: {  	v3 =	vand.u32 $0x7, v3;
	v4 =	vand.u32 $0xFFFFFFE0, v56  }
0xa9: {  	v3 =	vor.u32 v3, v4  }
0xaa: {  	v4 =	vperm.xlane v3, v0;
	_ =	sdelay $0x1  }
0xab: {  	v4 =	vadd.s32 v1, v4;
	_ =	sdelay $0x1  }
0xac: {  	v3 =	vperm.xlane v3, v2;
	_ =	sdelay $0x1  }
0xad: {  	v3 =	vadd.s32 v1, v3  }
0xae: {  	[tilespmem:s12], [sflag:$0x1] =	stream.indirect_vreg.gather [hbm4b:s3+s2], $0x80, v4, vm0, $0xb8;
	[tilespmem:$0x8100] =	vst v63  }
0xaf: {  	_ = 	snop  }
0xb0: {  	[tilespmem:s13], [sflag:$0x1] =	stream.indirect_vreg.gather [hbm4b:s4+s2], $0x80, v4, vm0, $0xb8;
	[tilespmem:$0x8100] =	vst v63  }
0xb1: {  	_ = 	snop  }
0xb2: {  	[tilespmem:s14], [sflag:$0x1] =	stream.indirect_vreg.gather [hbm4b:s3+s2], $0x80, v3, vm0, $0xb8;
	[tilespmem:$0x8100] =	vst v63  }
0xb3: {  	_ = 	snop  }
0xb4: {  	[tilespmem:s15], [sflag:$0x1] =	stream.indirect_vreg.gather [hbm4b:s4+s2], $0x80, v3, vm0, $0xb8;
	[tilespmem:$0x8100] =	vst v63  }
0xb5: {  	v3 =	vld [tilespmem:$0x90];
	_ =	sdelay $0x4  }
0xb6: {  	v57 =	vshll.u32 v3, $0x2  }
0xb7: {  	v3 =	vand.u32 $0x7, v3;
	v4 =	vand.u32 $0xFFFFFFE0, v57  }
0xb8: {  	v3 =	vor.u32 v3, v4  }
0xb9: {  	v4 =	vperm.xlane v3, v0;
	_ =	sdelay $0x1  }
0xba: {  	v4 =	vadd.s32 v1, v4;
	_ =	sdelay $0x1  }
0xbb: {  	v3 =	vperm.xlane v3, v2;
	_ =	sdelay $0x1  }
0xbc: {  	v3 =	vadd.s32 v1, v3  }
0xbd: {  	[tilespmem:s16], [sflag:$0x1] =	stream.indirect_vreg.gather [hbm4b:s3+s2], $0x80, v4, vm0, $0xb8;
	[tilespmem:$0x8100] =	vst v63  }
0xbe: {  	_ = 	snop  }
0xbf: {  	[tilespmem:s17], [sflag:$0x1] =	stream.indirect_vreg.gather [hbm4b:s4+s2], $0x80, v4, vm0, $0xb8;
	[tilespmem:$0x8100] =	vst v63  }
0xc0: {  	_ = 	snop  }
0xc1: {  	[tilespmem:s18], [sflag:$0x1] =	stream.indirect_vreg.gather [hbm4b:s3+s2], $0x80, v3, vm0, $0xb8;
	[tilespmem:$0x8100] =	vst v63  }
0xc2: {  	_ = 	snop  }
0xc3: {  	[tilespmem:s19], [sflag:$0x1] =	stream.indirect_vreg.gather [hbm4b:s4+s2], $0x80, v3, vm0, $0xb8;
	[tilespmem:$0x8100] =	vst v63  }
0xc4: {  	_ =	swait.ge [sflag:s31], $0x4000  }
0xc5: {  	[sflag:s31] =	ssyncset.done $0x0  }
0xc6: {  	[sflag:s31] =	ssyncadd.s32 $0xFFFFC000  }
0xc7: {  	[hbm4b:s5+s2] =	stream.linear.scatter [tilespmem:s20], [sflag:$0x4], $0x4000, $0x38;
	[tilespmem:$0x8100] =	vst v63  }
0xc8: {  	_ =	swait.ge [sflag:s1], $0x4000  }
0xc9: {  	[sflag:s1] =	ssyncset.done $0x0  }
0xca: {  	[sflag:s1] =	ssyncadd.s32 $0xFFFFC000  }
0xcb: {  	v3 =	vld [tilespmem:$0xA0];
	_ =	sdelay $0x4  }
0xcc: {  	v58 =	vshll.u32 v3, $0x2  }
0xcd: {  	v3 =	vand.u32 $0x7, v3;
	v4 =	vand.u32 $0xFFFFFFE0, v58  }
0xce: {  	v3 =	vor.u32 v3, v4  }
0xcf: {  	v4 =	vperm.xlane v3, v0;
	_ =	sdelay $0x1  }
0xd0: {  	v4 =	vadd.s32 v1, v4;
	_ =	sdelay $0x1  }
0xd1: {  	v3 =	vperm.xlane v3, v2;
	_ =	sdelay $0x1  }
0xd2: {  	v3 =	vadd.s32 v1, v3  }
0xd3: {  	[tilespmem:s20], [sflag:$0x2] =	stream.indirect_vreg.gather [hbm4b:s3+s2], $0x80, v4, vm0, $0xb8;
	[tilespmem:$0x8100] =	vst v63  }
0xd4: {  	_ = 	snop  }
0xd5: {  	[tilespmem:s21], [sflag:$0x2] =	stream.indirect_vreg.gather [hbm4b:s4+s2], $0x80, v4, vm0, $0xb8;
	[tilespmem:$0x8100] =	vst v63  }
0xd6: {  	_ = 	snop  }
0xd7: {  	[tilespmem:s22], [sflag:$0x2] =	stream.indirect_vreg.gather [hbm4b:s3+s2], $0x80, v3, vm0, $0xb8;
	[tilespmem:$0x8100] =	vst v63  }
0xd8: {  	_ = 	snop  }
0xd9: {  	[tilespmem:s23], [sflag:$0x2] =	stream.indirect_vreg.gather [hbm4b:s4+s2], $0x80, v3, vm0, $0xb8;
	[tilespmem:$0x8100] =	vst v63  }
0xda: {  	v3 =	vld [tilespmem:$0xB0];
	_ =	sdelay $0x4  }
0xdb: {  	v59 =	vshll.u32 v3, $0x2  }
0xdc: {  	v3 =	vand.u32 $0x7, v3;
	v4 =	vand.u32 $0xFFFFFFE0, v59  }
0xdd: {  	v3 =	vor.u32 v3, v4  }
0xde: {  	v4 =	vperm.xlane v3, v0;
	_ =	sdelay $0x1  }
0xdf: {  	v4 =	vadd.s32 v1, v4;
	_ =	sdelay $0x1  }
0xe0: {  	v3 =	vperm.xlane v3, v2;
	_ =	sdelay $0x1  }
0xe1: {  	v3 =	vadd.s32 v1, v3  }
0xe2: {  	[tilespmem:s24], [sflag:$0x2] =	stream.indirect_vreg.gather [hbm4b:s3+s2], $0x80, v4, vm0, $0xb8;
	[tilespmem:$0x8100] =	vst v63  }
0xe3: {  	_ = 	snop  }
0xe4: {  	[tilespmem:s25], [sflag:$0x2] =	stream.indirect_vreg.gather [hbm4b:s4+s2], $0x80, v4, vm0, $0xb8;
	[tilespmem:$0x8100] =	vst v63  }
0xe5: {  	_ = 	snop  }
0xe6: {  	[tilespmem:s26], [sflag:$0x2] =	stream.indirect_vreg.gather [hbm4b:s3+s2], $0x80, v3, vm0, $0xb8;
	[tilespmem:$0x8100] =	vst v63  }
0xe7: {  	_ = 	snop  }
0xe8: {  	[tilespmem:s28], [sflag:$0x2] =	stream.indirect_vreg.gather [hbm4b:s4+s2], $0x80, v3, vm0, $0xb8;
	[tilespmem:$0x8100] =	vst v63  }
0xe9: {  	_ =	swait.ge [sflag:s29], $0x4000  }
0xea: {  	[sflag:s29] =	ssyncset.done $0x0  }
0xeb: {  	[sflag:s29] =	ssyncadd.s32 $0xFFFFC000  }
0xec: {  	[hbm4b:s6+s2] =	stream.linear.scatter [tilespmem:s12], [sflag:$0x3], $0x4000, $0x38;
	[tilespmem:$0x8100] =	vst v63  }
0xed: {  	_ =	swait.ge [sflag:s30], $0x4000  }
0xee: {  	[sflag:s30] =	ssyncset.done $0x0  }
0xef: {  	[sflag:s30] =	ssyncadd.s32 $0xFFFFC000  }
0xf0: {  	v3 =	vld [tilespmem:$0xC0];
	_ =	sdelay $0x4  }
0xf1: {  	v60 =	vshll.u32 v3, $0x2  }
0xf2: {  	v3 =	vand.u32 $0x7, v3;
	v4 =	vand.u32 $0xFFFFFFE0, v60  }
0xf3: {  	v3 =	vor.u32 v3, v4  }
0xf4: {  	v4 =	vperm.xlane v3, v0;
	_ =	sdelay $0x1  }
0xf5: {  	v4 =	vadd.s32 v1, v4;
	_ =	sdelay $0x1  }
0xf6: {  	v3 =	vperm.xlane v3, v2;
	_ =	sdelay $0x1  }
0xf7: {  	v3 =	vadd.s32 v1, v3  }
0xf8: {  	[tilespmem:s12], [sflag:$0x1] =	stream.indirect_vreg.gather [hbm4b:s3+s2], $0x80, v4, vm0, $0xb8;
	[tilespmem:$0x8100] =	vst v63  }
0xf9: {  	_ = 	snop  }
0xfa: {  	[tilespmem:s13], [sflag:$0x1] =	stream.indirect_vreg.gather [hbm4b:s4+s2], $0x80, v4, vm0, $0xb8;
	[tilespmem:$0x8100] =	vst v63  }
0xfb: {  	_ = 	snop  }
0xfc: {  	[tilespmem:s14], [sflag:$0x1] =	stream.indirect_vreg.gather [hbm4b:s3+s2], $0x80, v3, vm0, $0xb8;
	[tilespmem:$0x8100] =	vst v63  }
0xfd: {  	_ = 	snop  }
0xfe: {  	[tilespmem:s15], [sflag:$0x1] =	stream.indirect_vreg.gather [hbm4b:s4+s2], $0x80, v3, vm0, $0xb8;
	[tilespmem:$0x8100] =	vst v63  }
0xff: {  	v3 =	vld [tilespmem:$0xD0];
	_ =	sdelay $0x4  }
0x100: {  	v61 =	vshll.u32 v3, $0x2  }
0x101: {  	v3 =	vand.u32 $0x7, v3;
	v4 =	vand.u32 $0xFFFFFFE0, v61  }
0x102: {  	v3 =	vor.u32 v3, v4  }
0x103: {  	v4 =	vperm.xlane v3, v0;
	_ =	sdelay $0x1  }
0x104: {  	v4 =	vadd.s32 v1, v4;
	_ =	sdelay $0x1  }
0x105: {  	v3 =	vperm.xlane v3, v2;
	_ =	sdelay $0x1  }
0x106: {  	v3 =	vadd.s32 v1, v3  }
0x107: {  	[tilespmem:s16], [sflag:$0x1] =	stream.indirect_vreg.gather [hbm4b:s3+s2], $0x80, v4, vm0, $0xb8;
	[tilespmem:$0x8100] =	vst v63  }
0x108: {  	_ = 	snop  }
0x109: {  	[tilespmem:s17], [sflag:$0x1] =	stream.indirect_vreg.gather [hbm4b:s4+s2], $0x80, v4, vm0, $0xb8;
	[tilespmem:$0x8100] =	vst v63  }
0x10a: {  	_ = 	snop  }
0x10b: {  	[tilespmem:s18], [sflag:$0x1] =	stream.indirect_vreg.gather [hbm4b:s3+s2], $0x80, v3, vm0, $0xb8;
	[tilespmem:$0x8100] =	vst v63  }
0x10c: {  	_ = 	snop  }
0x10d: {  	[tilespmem:s19], [sflag:$0x1] =	stream.indirect_vreg.gather [hbm4b:s4+s2], $0x80, v3, vm0, $0xb8;
	[tilespmem:$0x8100] =	vst v63  }
0x10e: {  	_ =	swait.ge [sflag:s31], $0x4000  }
0x10f: {  	[sflag:s31] =	ssyncset.done $0x0  }
0x110: {  	[sflag:s31] =	ssyncadd.s32 $0xFFFFC000  }
0x111: {  	[hbm4b:s7+s2] =	stream.linear.scatter [tilespmem:s20], [sflag:$0x4], $0x4000, $0x38;
	[tilespmem:$0x8100] =	vst v63  }
0x112: {  	_ =	swait.ge [sflag:s1], $0x4000  }
0x113: {  	[sflag:s1] =	ssyncset.done $0x0  }
0x114: {  	[sflag:s1] =	ssyncadd.s32 $0xFFFFC000  }
0x115: {  	v3 =	vld [tilespmem:$0xE0];
	_ =	sdelay $0x4  }
0x116: {  	v62 =	vshll.u32 v3, $0x2  }
0x117: {  	v3 =	vand.u32 $0x7, v3;
	v4 =	vand.u32 $0xFFFFFFE0, v62  }
0x118: {  	v3 =	vor.u32 v3, v4  }
0x119: {  	v4 =	vperm.xlane v3, v0;
	_ =	sdelay $0x1  }
0x11a: {  	v4 =	vadd.s32 v1, v4;
	_ =	sdelay $0x1  }
0x11b: {  	v3 =	vperm.xlane v3, v2;
	_ =	sdelay $0x1  }
0x11c: {  	v3 =	vadd.s32 v1, v3  }
0x11d: {  	[tilespmem:s20], [sflag:$0x2] =	stream.indirect_vreg.gather [hbm4b:s3+s2], $0x80, v4, vm0, $0xb8;
	[tilespmem:$0x8100] =	vst v63  }
0x11e: {  	_ = 	snop  }
0x11f: {  	[tilespmem:s21], [sflag:$0x2] =	stream.indirect_vreg.gather [hbm4b:s4+s2], $0x80, v4, vm0, $0xb8;
	[tilespmem:$0x8100] =	vst v63  }
0x120: {  	_ = 	snop  }
0x121: {  	[tilespmem:s22], [sflag:$0x2] =	stream.indirect_vreg.gather [hbm4b:s3+s2], $0x80, v3, vm0, $0xb8;
	[tilespmem:$0x8100] =	vst v63  }
0x122: {  	_ = 	snop  }
0x123: {  	[tilespmem:s23], [sflag:$0x2] =	stream.indirect_vreg.gather [hbm4b:s4+s2], $0x80, v3, vm0, $0xb8;
	[tilespmem:$0x8100] =	vst v63  }
0x124: {  	v3 =	vld [tilespmem:$0xF0];
	_ =	sdelay $0x4  }
0x125: {  	v63 =	vshll.u32 v3, $0x2  }
0x126: {  	v3 =	vand.u32 $0x7, v3;
	v4 =	vand.u32 $0xFFFFFFE0, v63  }
0x127: {  	v3 =	vor.u32 v3, v4  }
0x128: {  	v4 =	vperm.xlane v3, v0;
	_ =	sdelay $0x1  }
0x129: {  	v4 =	vadd.s32 v1, v4;
	_ =	sdelay $0x1  }
0x12a: {  	v3 =	vperm.xlane v3, v2;
	_ =	sdelay $0x1  }
0x12b: {  	v3 =	vadd.s32 v1, v3  }
0x12c: {  	[tilespmem:s24], [sflag:$0x2] =	stream.indirect_vreg.gather [hbm4b:s3+s2], $0x80, v4, vm0, $0xb8;
	[tilespmem:$0x8100] =	vst v63  }
0x12d: {  	_ = 	snop  }
0x12e: {  	[tilespmem:s25], [sflag:$0x2] =	stream.indirect_vreg.gather [hbm4b:s4+s2], $0x80, v4, vm0, $0xb8;
	[tilespmem:$0x8100] =	vst v63  }
0x12f: {  	_ = 	snop  }
0x130: {  	[tilespmem:s26], [sflag:$0x2] =	stream.indirect_vreg.gather [hbm4b:s3+s2], $0x80, v3, vm0, $0xb8;
	[tilespmem:$0x8100] =	vst v63  }
0x131: {  	_ = 	snop  }
0x132: {  	[tilespmem:s28], [sflag:$0x2] =	stream.indirect_vreg.gather [hbm4b:s4+s2], $0x80, v3, vm0, $0xb8;
	[tilespmem:$0x8100] =	vst v63  }
0x133: {  	_ =	swait.ge [sflag:s29], $0x4000  }
0x134: {  	[sflag:s29] =	ssyncset.done $0x0  }
0x135: {  	[sflag:s29] =	ssyncadd.s32 $0xFFFFC000  }
0x136: {  	[hbm4b:s8+s2] =	stream.linear.scatter [tilespmem:s12], [sflag:$0x3], $0x4000, $0x38;
	[tilespmem:$0x8100] =	vst v63  }
0x137: {  	_ =	swait.ge [sflag:s31], $0x4000  }
0x138: {  	[sflag:s31] =	ssyncset.done $0x0  }
0x139: {  	[sflag:s31] =	ssyncadd.s32 $0xFFFFC000  }
0x13a: {  	[hbm4b:s9+s2] =	stream.linear.scatter [tilespmem:s20], [sflag:$0x4], $0x4000, $0x38;
	[tilespmem:$0x8100] =	vst v63  }
0x13b: {  	p0 =	sne.s32 s10, $0x1;
	_ =	swait.ge [sflag:s30], $0x4000  }
.Ltmp0:
0x13c: {  	[sflag:s30] =	ssyncset.done $0x0;
	(pc) =	sbr.rel @p0 .LBB2_1-.Ltmp0, $4  }
0x13d: {  	[sflag:s30] =	ssyncadd.s32 $0xFFFFC000  }
0x13e: {  	_ =	swait.ge [sflag:s1], $0x4000  }
0x13f: {  	[sflag:s1] =	ssyncset.done $0x0  }
0x140: {  	s10 =	sadd.s32 $0xFFFFFFFF, s10;
	[sflag:s1] =	ssyncadd.s32 $0xFFFFC000  }
0x141: {  	_ =	sfence.sel $0x180000  }
0x142: {  	[bflag:$0x0] =	sbarrier.arrive $0xFFFF  }
0x143: {  	_ =	strace $0x9000004A  }
0x144: {  	s0 =	stileid.u32;
	[bflag:$0x2] =	sbarrier.arrive $0xFFFF  }
0x145: {  	p0 =	sne.s32 s0, $0x0;
	s0 =	rddreg [dreg:$0x1]  }
0x146: {  	s0 =	sadd.s32 @!p0 $0x100000, s0  }
0x147: {  	[sflag:s0] =	ssyncadd.tile.s32 @!p0 $0x1;
	_ =	shalt  }
.Lfunc_end2:
_tile_overlayer_lowered:
.L_overlay_start_2:
0x148: {  	(tag) =	ssettag $0x2  }
0x149: {  	s0 =	rddreg [dreg:$0x0];
	s2 =	stileid.u32  }
0x14a: {  	s1 =	rddreg [dreg:$0x1];
	p0 =	sne.s32 s2, $0x0  }
0x14b: {  	s3 =	rddreg [dreg:$0x2];
	[bflag:$0x3] =	sbarrier.arrive $0xFFFF;
	s2 =	simm.s32 @!p0 $0x1C05  }
0x14c: {  	[timem:s3], [sflag:s2] =	dma.local @!p0 [hbm:s0], s1  }
0x14d: {  	s0 =	simm.s32 @!p0 $0x5  }
0x14e: {  	_ =	swait.ge @!p0 [sflag:s0], s1  }
0x14f: {  	s1 =	ssub.s32 @!p0 $0x0, s1;
	[sflag:s0] =	ssyncset.done @!p0 $0x0  }
0x150: {  	[sflag:s0] =	ssyncadd.s32 @!p0 s1  }
0x151: {  	[bflag:$0x3] =	sbarrier.arrive $0xFFFF  }
0x152: {  	_ =	shalt  }

// kernel: kernel.9.cloned.1.call-start
scs
__scs_entry_jumppad:
0x0: {  	(pc) =	sbr.rel $0x88, $3  }
0x1: {  	(tag) =	ssettag $0x0;
	lr =	simm.s32 $0x1  }
0x2: {  	[smem:$0x3F99] =	sst lr;
	_ =	strace $0xD0000000  }
0x3: {  	_ = 	snop  }
0x4: {  	_ = 	snop  }
0x5: {  	_ = 	snop  }
0x6: {  	_ = 	snop  }
0x7: {  	_ = 	snop  }
__scs_overlays_trampoline_lowered:
0x8: {  	[smem:$0x3FA8] =	sst s0  }
0x9: {  	[smem:$0x3FA9] =	sst s1  }
0xa: {  	[smem:$0x3FAA] =	sst s2  }
0xb: {  	[smem:$0x3FAB] =	sst s3  }
0xc: {  	[smem:$0x3FAC] =	sst s4  }
0xd: {  	[smem:$0x3FAD] =	sst s5  }
0xe: {  	[smem:$0x3FAE] =	sst s6  }
0xf: {  	[smem:$0x3FAF] =	sst s7  }
0x10: {  	[smem:$0x3FB0] =	sst s8  }
0x11: {  	[smem:$0x3FB1] =	sst s9;
	s0 =	simm.s32 @!p0 $0x0  }
0x12: {  	s1 =	sld [smem:$0x3F97];
	s0 =	simm.s32 @p0 $0x1  }
0x13: {  	[smem:$0x3FB2] =	sst s0;
	s0 =	simm.s32 @!p1 $0x0  }
0x14: {  	s2 =	sld [smem:$0x3F96];
	s0 =	simm.s32 @p1 $0x1  }
0x15: {  	[smem:$0x3FB3] =	sst s0;
	s0 =	simm.s32 @!p2 $0x0  }
0x16: {  	s3 =	sld [smem:$0x3FDB];
	s0 =	simm.s32 @p2 $0x1  }
0x17: {  	s4 =	simm.s32 $0x1BF5;
	[smem:$0x3FB5] =	sst s0  }
0x18: {  	s0 =	sld [smem:$0x3F98];
	_ =	swait.ge [sflag:s4], $0x0  }
0x19: {  	s7 =	sld [smem:$0x3F99]  }
0x1a: {  	s8 =	sadd.s32 $0xFFFFE003, lr  }
0x1b: {  	s9 =	sadd.s32 $0xFFFFFEF7, lr;
	s5 =	simm.s32 $0xFFFFFFFF;
	p2 =	slt.u32 s8, $0xFFFFF086  }
0x1c: {  	p1 =	slt.u32 s9, $0xF7A;
	s5 =	simm.s32 @!p2 $0x0  }
0x1d: {  	s5 =	simm.s32 @p1 $0x1;
	p0 =	seq.s32 s7, s2  }
0x1e: {  	s7 =	smul.u32 @!p0 $0xF7A, s2;
	p2 =	seq.s32 @!p0 s5, $0x0  }
0x1f: {  	s9 =	smul.u32 $0xF7A, s1;
	s8 =	simm.s32 @!p0 $0x1BF5;
	p2 =	por !p2, p0  }
0x20: {  	[sflag:s8] =	ssyncset.s32 @!p0 $0xFFFFF086;
	s6 =	sadd.s32 @!p0 s3, s7;
	s7 =	simm.s32 @!p0 $0x108  }
0x21: {  	s3 =	sadd.s32 s3, s9;
	s6 =	sadd.s32 @!p0 $0x88, s6;
	s7 =	simm.s32 @p2 $0x1082  }
0x22: {  	[simem:s7], [sflag:s8] =	dma.local @!p0 [hbm:s6], $0xF7A  }
0x23: {  	s9 =	sor.u32 $0xD0000000, s2;
	s6 =	simm.s32 $0x108;
	_ =	swait.ge @!p0 [sflag:s8], $0x0  }
0x24: {  	s3 =	sadd.s32 $0x88, s3;
	s6 =	simm.s32 @!p1 $0x1082;
	[sflag:s4] =	ssyncset.s32 $0xFFFFF086  }
0x25: {  	[simem:s6], [sflag:s4] =	dma.local [hbm:s3], $0xF7A  }
0x26: {  	[smem:$0x3F99] =	sst s1;
	(tag) =	ssettag s2;
	_ =	strace s9  }
0x27: {  	s1 =	sld [smem:$0x3FA9]  }
0x28: {  	s2 =	sld [smem:$0x3FAA]  }
0x29: {  	s4 =	sld [smem:$0x3FAC]  }
0x2a: {  	p0 =	seq.s32 s5, $0x0;
	s5 =	sld [smem:$0x3FAD]  }
0x2b: {  	s6 =	sld [smem:$0x3FAE]  }
0x2c: {  	s7 =	sld [smem:$0x3FAF]  }
0x2d: {  	s3 =	simm.s32 $0x108;
	s8 =	sld [smem:$0x3FB0]  }
0x2e: {  	s3 =	simm.s32 @!p0 $0x1082;
	s9 =	sld [smem:$0x3FB1]  }
0x2f: {  	lr =	sadd.s32 s0, s3;
	s0 =	sld [smem:$0x3FA8]  }
0x30: {  	s3 =	sld [smem:$0x3FAB]  }
0x31: {  	[smem:$0x3FB4] =	sst s10  }
0x32: {  	s10 =	sld [smem:$0x3FB2];
	_ =	sdelay $0x3  }
0x33: {  	p0 =	seq.s32 s10, $0x1;
	s10 =	sld [smem:$0x3FB4];
	_ =	sdelay $0x3  }
0x34: {  	[smem:$0x3FB4] =	sst s10  }
0x35: {  	s10 =	sld [smem:$0x3FB3];
	_ =	sdelay $0x3  }
0x36: {  	p1 =	seq.s32 s10, $0x1;
	s10 =	sld [smem:$0x3FB4];
	_ =	sdelay $0x3  }
0x37: {  	[smem:$0x3FB4] =	sst s10  }
0x38: {  	s10 =	sld [smem:$0x3FB5]  }
0x39: {  	_ = 	snop;
	(pc) =	sbr.ind lr, $3  }
0x3a: {  	_ = 	snop  }
0x3b: {  	_ = 	snop  }
0x3c: {  	p2 =	seq.s32 s10, $0x1;
	s10 =	sld [smem:$0x3FB4]  }
0x3d: {  	_ =	shalt  }
0x3e: {  	_ =	shalt  }
0x3f: {  	_ =	shalt  }
0x40: {  	_ =	shalt  }
0x41: {  	_ =	shalt  }
0x42: {  	_ =	shalt  }
0x43: {  	_ =	shalt  }
0x44: {  	_ =	shalt  }
0x45: {  	_ =	shalt  }
0x46: {  	_ =	shalt  }
0x47: {  	_ =	shalt  }
0x48: {  	_ =	shalt  }
0x49: {  	_ =	shalt  }
0x4a: {  	_ =	shalt  }
0x4b: {  	_ =	shalt  }
0x4c: {  	_ =	shalt  }
0x4d: {  	_ =	shalt  }
0x4e: {  	_ =	shalt  }
0x4f: {  	_ =	shalt  }
0x50: {  	_ =	shalt  }
0x51: {  	_ =	shalt  }
0x52: {  	_ =	shalt  }
0x53: {  	_ =	shalt  }
0x54: {  	_ =	shalt  }
0x55: {  	_ =	shalt  }
0x56: {  	_ =	shalt  }
0x57: {  	_ =	shalt  }
0x58: {  	_ =	shalt  }
0x59: {  	_ =	shalt  }
0x5a: {  	_ =	shalt  }
0x5b: {  	_ =	shalt  }
0x5c: {  	_ =	shalt  }
0x5d: {  	_ =	shalt  }
0x5e: {  	_ =	shalt  }
0x5f: {  	_ =	shalt  }
0x60: {  	_ =	shalt  }
0x61: {  	_ =	shalt  }
0x62: {  	_ =	shalt  }
0x63: {  	_ =	shalt  }
0x64: {  	_ =	shalt  }
0x65: {  	_ =	shalt  }
0x66: {  	_ =	shalt  }
0x67: {  	_ =	shalt  }
0x68: {  	_ =	shalt  }
0x69: {  	_ =	shalt  }
0x6a: {  	_ =	shalt  }
0x6b: {  	_ =	shalt  }
0x6c: {  	_ =	shalt  }
0x6d: {  	_ =	shalt  }
0x6e: {  	_ =	shalt  }
0x6f: {  	_ =	shalt  }
0x70: {  	_ =	shalt  }
0x71: {  	_ =	shalt  }
0x72: {  	_ =	shalt  }
0x73: {  	_ =	shalt  }
0x74: {  	_ =	shalt  }
0x75: {  	_ =	shalt  }
0x76: {  	_ =	shalt  }
0x77: {  	_ =	shalt  }
0x78: {  	_ =	shalt  }
0x79: {  	_ =	shalt  }
0x7a: {  	_ =	shalt  }
0x7b: {  	_ =	shalt  }
0x7c: {  	_ =	shalt  }
0x7d: {  	_ =	shalt  }
0x7e: {  	_ =	shalt  }
0x7f: {  	_ =	shalt  }
0x80: {  	_ =	shalt  }
0x81: {  	_ =	shalt  }
0x82: {  	_ =	shalt  }
0x83: {  	_ =	shalt  }
0x84: {  	_ =	shalt  }
0x85: {  	_ =	shalt  }
0x86: {  	_ =	shalt  }
0x87: {  	_ =	shalt  }
.Lfunc_end0:
.L_simem_size_0:
called_computation_lowered:
.L_overlay_start_0:
0x88: {  	s2 =	sld [smem:$0x3FD9]  }
0x89: {  	s3 =	sld [smem:$0x3FFE];
	_ =	sdelay $0x1  }
0x8a: {  	s1 =	srdreg.scid  }
0x8b: {  	s0 =	sand.u32 $0x1, s1  }
0x8c: {  	s17 =	sshll.u32 s0, $0xA;
	s2 =	sadd.s32 s3, s2  }
0x8d: {  	s2 =	sadd.s32 s2, s17  }
0x8e: {  	[smem:$0x3FC0] =	sst s2  }
0x8f: {  	_ = 	snop  }
0x90: {  	s2 =	sld [smem:$0x3FD0];
	(tm) =	ssettm $0x1  }
0x91: {  	s18 =	sld [smem:$0x3FFB];
	_ =	sdelay $0x3  }
0x92: {  	_ =	strace s18  }
0x93: {  	s3 =	sld [smem:$0x3FFC];
	_ =	sdelay $0x3  }
0x94: {  	_ =	strace s3  }
0x95: {  	s3 =	sld [smem:$0x3FFD];
	_ =	sdelay $0x3  }
0x96: {  	_ =	strace s3  }
0x97: {  	_ =	strace $0x8FFFFFFF  }
0x98: {  	s19 =	sld [smem:$0x3FDB];
	_ =	sdelay $0x1  }
0x99: {  	s4 =	simm.s32 $_scs_section_size  }
0x9a: {  	s5 =	simm.s32 $_size__tile_overlayer_lowered;
	s6 =	simm.s32 $_tile_overlayer_lowered  }
0x9b: {  	s22 =	simm.s32 $0x1BFF;
	s21 =	sshll.u32 s6, $0x1;
	s3 =	sadd.s32 s4, s19  }
0x9c: {  	s7 =	simm.s32 $0x0;
	s20 =	sshll.u32 s5, $0x1;
	s5 =	sadd.s32 s21, s3  }
0x9d: {  	[timem:s7], [sflag:s22] =	dma.local [hbm:s5], s20  }
0x9e: {  	_ =	swait.ge [sflag:s22], s20  }
0x9f: {  	s4 =	ssub.s32 $0x0, s20;
	[sflag:s22] =	ssyncset.done $0x0  }
0xa0: {  	[sflag:s22] =	ssyncadd.s32 s4;
	_ =	sdelay $0x1  }
0xa1: {  	s23 =	simm.s32 $0x1B8B  }
0xa2: {  	_ =	swait.ge [sflag:s23], $0x1  }
0xa3: {  	[sflag:s23] =	ssyncset.done $0x0  }
0xa4: {  	s25 =	simm.s32 $0x1B8E;
	s24 =	sld [smem:$0x3FFE];
	[sflag:s23] =	ssyncadd.s32 $0xFFFFFFFF  }
0xa5: {  	s26 =	simm.s32 $execute0_lowered;
	[smem:$0x3FD2] =	sst s25  }
0xa6: {  	s5 =	sshll.u32 s26, $0x1;
	_ =	strace $0x80000046;
	[dreg:$0x1] =	wrdreg $0xFFFFFFFF  }
0xa7: {  	s28 =	simm.s32 $_size_execute0_lowered;
	s3 =	sadd.s32 s3, s5;
	[dreg:$0x0] =	wrdreg $0x0  }
0xa8: {  	s5 =	sshll.u32 s28, $0x1;
	[dreg:$0x2] =	wrdreg s3  }
0xa9: {  	[dreg:$0x3] =	wrdreg s5  }
0xaa: {  	[dreg:$0x4] =	wrdreg $0xC0  }
0xab: {  	_ =	task [dreg:s7], $0x5FFFF  }
0xac: {  	[dreg:$0x1] =	wrdreg $0xFFFFFFFF  }
0xad: {  	[dreg:$0x0] =	wrdreg $0x60  }
0xae: {  	[dreg:$0x2] =	wrdreg s2  }
0xaf: {  	[dreg:$0x3] =	wrdreg s24  }
0xb0: {  	[dreg:$0x4] =	wrdreg $0x9  }
0xb1: {  	_ =	task.clear_ibuf [dreg:s7], $0x5FFFF;
	_ =	strace $0x90000046  }
0xb2: {  	s29 =	simm.s32 $0x9;
	_ =	strace $0x80000048  }
0xb3: {  	_ =	swait.ge [sflag:s29], $0x1  }
0xb4: {  	[sflag:s29] =	ssyncadd.s32 $0xFFFFFFFF  }
0xb5: {  	_ =	strace $0x90000048  }
0xb6: {  	_ =	sfence  }
0xb7: {  	s30 =	sld [smem:$0x0];
	_ =	sdelay $0x2  }
0xb8: {  	s31 =	sshll.u32 s1, $0xD;
	s1 =	sshrl.u32 s1, $0x2  }
0xb9: {  	s3 =	sand.u32 $0x4000, s31;
	s1 =	sadd.s32 s1, s30  }
0xba: {  	s0 =	sor.u32 s3, s0;
	s1 =	sshll.u32 s1, $0x11  }
0xbb: {  	s0 =	sor.u32 s1, s0  }
0xbc: {  	s0 =	sadd.s32 $0x8F2B, s0  }
0xbd: {  	[sflag:s0] =	ssyncadd.remote.s32 $0x1  }
0xbe: {  	_ =	sfence.sel $0xFFFF  }
0xbf: {  	[dreg:$0x0] =	wrdreg $0xFFFFFFFF;
	(pc) =	sbr.abs _section_cstart, $3  }
0xc0: {  	[dreg:$0x1] =	wrdreg $0xFFFFFFFF  }
0xc1: {  	_ =	task.clear_ibuf [dreg:s7], $0x2FFFF;
	_ =	strace $0x9FFFFFFF  }
0xc2: {  	(tm) =	ssettm $0x7FFFFFFF  }
0xc3: {  	_ =	shalt  }
tec
execute0_lowered:
.L_overlay_start_1:
0x0: {  	(tag) =	ssettag $0x1  }
0x1: {  	s1 =	rddreg [dreg:$0x0];
	s2 =	srdreg.scid  }
0x2: {  	s0 =	stileid.u32;
	s6 =	rddreg [dreg:$0x1]  }
0x3: {  	s10 =	simm.s32 $0x5;
	s11 =	simm.s32 $0x200;
	s12 =	simm.s32 $0x400  }
0x4: {  	s13 =	simm.s32 $0x4400;
	s14 =	simm.s32 $0x1;
	s15 =	simm.s32 $0xC00  }
0x5: {  	s16 =	simm.s32 $0x1400;
	s17 =	simm.s32 $0x1C00;
	s18 =	simm.s32 $0x2400  }
0x6: {  	s19 =	simm.s32 $0x2C00;
	s20 =	simm.s32 $0x3400;
	s21 =	simm.s32 $0x3C00  }
0x7: {  	s22 =	simm.s32 $0x3;
	s23 =	simm.s32 $0x2;
	s24 =	simm.s32 $0x4C00  }
0x8: {  	s25 =	simm.s32 $0x5400;
	s28 =	simm.s32 $0x6400;
	s29 =	simm.s32 $0x6C00  }
0x9: {  	s30 =	simm.s32 $0x7400;
	s3 =	sand.u32 $0x1, s2;
	s4 =	sshll.u32 s0, $0x1  }
0xa: {  	s31 =	simm.s32 $0x7C00;
	s2 =	simm.s32 $0x0;
	s4 =	sor.u32 s3, s4  }
0xb: {  	[smem:$0x7FF] =	sst s2;
	s7 =	ssub.s32 $0x2, s3;
	s3 =	sadd.s32 $0x12A00, s6  }
0xc: {  	s5 =	sshll.u32 s4, $0x6;
	_ =	strace $0x80000047;
	s8 =	sshrl.u32 s7, $0x1  }
0xd: {  	s4 =	sshll.u32 s4, $0xD;
	s5 =	sadd.s32 s5, s6;
	s26 =	ssub.s32 s7, s8  }
0xe: {  	s4 =	sadd.s32 s1, s4;
	s6 =	sadd.s32 $0x12B00, s6;
	s9 =	sadd.s32 $0x11A00, s5  }
0xf: {  	v2 =	vlaneseq.u32;
	s1 =	simm.s32 $0x4;
	s5 =	sadd.s32 $0x12200, s5;
	[dreg:$0x3] =	wrdreg s9  }
0x10: {  	vm0 =	vmmov $0xffff;
	v1 =	vshrl.u32 v2, $0x3;
	s7 =	sadd.s32 $0x1000, s4;
	s8 =	sadd.s32 $0x1800, s4;
	[dreg:$0x4] =	wrdreg s5  }
0x11: {  	v0 =	vand.u32 $0x7, v2;
	v2 =	vor.u32 $0x8, v2;
	v1 =	vmul.u32 $0x8, v1;
	s5 =	sadd.s32 $0x800, s4;
	s9 =	smax.u32 s26, $0x1;
	s26 =	simm.s32 $0x5C00  }
.LBB2_1:
0x12: {  	s0 =	rddreg [dreg:$0x3]  }
0x13: {  	[tilespmem:s2], [sflag:$0x5] =	stream.linear.gather [hbm4b:s0+s2], $0x200, $0x38;
	[tilespmem:$0x8400] =	vst v63  }
0x14: {  	_ =	swait.ge [sflag:s10], $0x200  }
0x15: {  	[sflag:s10] =	ssyncset.done $0x0  }
0x16: {  	s0 =	rddreg [dreg:$0x4];
	[sflag:s10] =	ssyncadd.s32 $0xFFFFFE00  }
0x17: {  	[tilespmem:s11], [sflag:$0x5] =	stream.linear.gather [hbm4b:s0+s2], $0x200, $0x38;
	[tilespmem:$0x8400] =	vst v63  }
0x18: {  	_ =	swait.ge [sflag:s10], $0x200  }
0x19: {  	[sflag:s10] =	ssyncset.done $0x0  }
0x1a: {  	[sflag:s10] =	ssyncadd.s32 $0xFFFFFE00  }
0x1b: {  	[tilespmem:s12], [sflag:$0x1] =	stream.linear.gather [hbm4b:s4+s2], $0x4000, $0x38;
	[tilespmem:$0x8400] =	vst v63  }
0x1c: {  	_ = 	snop  }
0x1d: {  	[tilespmem:s13], [sflag:$0x2] =	stream.linear.gather [hbm4b:s5+s2], $0x4000, $0x38;
	[tilespmem:$0x8400] =	vst v63  }
0x1e: {  	_ =	swait.ge [sflag:s14], $0x4000  }
0x1f: {  	[sflag:s14] =	ssyncset.done $0x0  }
0x20: {  	[sflag:s14] =	ssyncadd.s32 $0xFFFFC000  }
0x21: {  	v3 =	vld [tilespmem:$0x0];
	_ =	sdelay $0x4  }
0x22: {  	v4 =	vshll.u32 v3, $0x2  }
0x23: {  	v3 =	vand.u32 $0x7, v3;
	v4 =	vand.u32 $0xFFFFFFE0, v4  }
0x24: {  	v3 =	vor.u32 v3, v4  }
0x25: {  	v4 =	vperm.xlane v3, v0;
	_ =	sdelay $0x1  }
0x26: {  	v4 =	vadd.s32 v1, v4;
	_ =	sdelay $0x1  }
0x27: {  	v3 =	vperm.xlane v3, v2;
	_ =	sdelay $0x1  }
0x28: {  	v3 =	vadd.s32 v1, v3  }
0x29: {  	[hbm4b:s3+s2] =	stream.indirect_vreg.scatter [tilespmem:s12], [sflag:$0x3], $0x80, v4, vm0, $0xb8;
	[tilespmem:$0x8400] =	vst v63  }
0x2a: {  	_ = 	snop  }
0x2b: {  	[hbm4b:s6+s2] =	stream.indirect_vreg.scatter [tilespmem:s15], [sflag:$0x3], $0x80, v4, vm0, $0xb8;
	[tilespmem:$0x8400] =	vst v63  }
0x2c: {  	_ = 	snop  }
0x2d: {  	[hbm4b:s3+s2] =	stream.indirect_vreg.scatter [tilespmem:s16], [sflag:$0x3], $0x80, v3, vm0, $0xb8;
	[tilespmem:$0x8400] =	vst v63  }
0x2e: {  	_ = 	snop  }
0x2f: {  	[hbm4b:s6+s2] =	stream.indirect_vreg.scatter [tilespmem:s17], [sflag:$0x3], $0x80, v3, vm0, $0xb8;
	[tilespmem:$0x8400] =	vst v63  }
0x30: {  	v3 =	vld [tilespmem:$0x10];
	_ =	sdelay $0x4  }
0x31: {  	v49 =	vshll.u32 v3, $0x2  }
0x32: {  	v3 =	vand.u32 $0x7, v3;
	v4 =	vand.u32 $0xFFFFFFE0, v49  }
0x33: {  	v3 =	vor.u32 v3, v4  }
0x34: {  	v4 =	vperm.xlane v3, v0;
	_ =	sdelay $0x1  }
0x35: {  	v4 =	vadd.s32 v1, v4;
	_ =	sdelay $0x1  }
0x36: {  	v3 =	vperm.xlane v3, v2;
	_ =	sdelay $0x1  }
0x37: {  	v3 =	vadd.s32 v1, v3  }
0x38: {  	[hbm4b:s3+s2] =	stream.indirect_vreg.scatter [tilespmem:s18], [sflag:$0x3], $0x80, v4, vm0, $0xb8;
	[tilespmem:$0x8400] =	vst v63  }
0x39: {  	_ = 	snop  }
0x3a: {  	[hbm4b:s6+s2] =	stream.indirect_vreg.scatter [tilespmem:s19], [sflag:$0x3], $0x80, v4, vm0, $0xb8;
	[tilespmem:$0x8400] =	vst v63  }
0x3b: {  	_ = 	snop  }
0x3c: {  	[hbm4b:s3+s2] =	stream.indirect_vreg.scatter [tilespmem:s20], [sflag:$0x3], $0x80, v3, vm0, $0xb8;
	[tilespmem:$0x8400] =	vst v63  }
0x3d: {  	_ = 	snop  }
0x3e: {  	[hbm4b:s6+s2] =	stream.indirect_vreg.scatter [tilespmem:s21], [sflag:$0x3], $0x80, v3, vm0, $0xb8;
	[tilespmem:$0x8400] =	vst v63  }
0x3f: {  	v3 =	vld [tilespmem:$0x200];
	_ =	sdelay $0x4  }
0x40: {  	v50 =	vshll.u32 v3, $0x2  }
0x41: {  	v3 =	vand.u32 $0x7, v3;
	v4 =	vand.u32 $0xFFFFFFE0, v50  }
0x42: {  	v3 =	vor.u32 v3, v4  }
0x43: {  	v4 =	vperm.xlane v3, v0;
	_ =	sdelay $0x1  }
0x44: {  	v4 =	vadd.s32 v1, v4;
	_ =	sdelay $0x1  }
0x45: {  	v3 =	vperm.xlane v3, v2;
	_ =	sdelay $0x1  }
0x46: {  	v3 =	vadd.s32 v1, v3  }
0x47: {  	[hbm4b:s3+s2] =	stream.indirect_vreg.scatter [tilespmem:s12], [sflag:$0x3], $0x80, v4, vm0, $0xb8;
	[tilespmem:$0x8400] =	vst v63  }
0x48: {  	_ = 	snop  }
0x49: {  	[hbm4b:s6+s2] =	stream.indirect_vreg.scatter [tilespmem:s15], [sflag:$0x3], $0x80, v4, vm0, $0xb8;
	[tilespmem:$0x8400] =	vst v63  }
0x4a: {  	_ = 	snop  }
0x4b: {  	[hbm4b:s3+s2] =	stream.indirect_vreg.scatter [tilespmem:s16], [sflag:$0x3], $0x80, v3, vm0, $0xb8;
	[tilespmem:$0x8400] =	vst v63  }
0x4c: {  	_ = 	snop  }
0x4d: {  	[hbm4b:s6+s2] =	stream.indirect_vreg.scatter [tilespmem:s17], [sflag:$0x3], $0x80, v3, vm0, $0xb8;
	[tilespmem:$0x8400] =	vst v63  }
0x4e: {  	v3 =	vld [tilespmem:$0x210];
	_ =	sdelay $0x4  }
0x4f: {  	v51 =	vshll.u32 v3, $0x2  }
0x50: {  	v3 =	vand.u32 $0x7, v3;
	v4 =	vand.u32 $0xFFFFFFE0, v51  }
0x51: {  	v3 =	vor.u32 v3, v4  }
0x52: {  	v4 =	vperm.xlane v3, v0;
	_ =	sdelay $0x1  }
0x53: {  	v4 =	vadd.s32 v1, v4;
	_ =	sdelay $0x1  }
0x54: {  	v3 =	vperm.xlane v3, v2;
	_ =	sdelay $0x1  }
0x55: {  	v3 =	vadd.s32 v1, v3  }
0x56: {  	[hbm4b:s3+s2] =	stream.indirect_vreg.scatter [tilespmem:s18], [sflag:$0x3], $0x80, v4, vm0, $0xb8;
	[tilespmem:$0x8400] =	vst v63  }
0x57: {  	_ = 	snop  }
0x58: {  	[hbm4b:s6+s2] =	stream.indirect_vreg.scatter [tilespmem:s19], [sflag:$0x3], $0x80, v4, vm0, $0xb8;
	[tilespmem:$0x8400] =	vst v63  }
0x59: {  	_ = 	snop  }
0x5a: {  	[hbm4b:s3+s2] =	stream.indirect_vreg.scatter [tilespmem:s20], [sflag:$0x3], $0x80, v3, vm0, $0xb8;
	[tilespmem:$0x8400] =	vst v63  }
0x5b: {  	_ = 	snop  }
0x5c: {  	[hbm4b:s6+s2] =	stream.indirect_vreg.scatter [tilespmem:s21], [sflag:$0x3], $0x80, v3, vm0, $0xb8;
	[tilespmem:$0x8400] =	vst v63  }
0x5d: {  	_ =	swait.ge [sflag:s22], $0x4000  }
0x5e: {  	[sflag:s22] =	ssyncset.done $0x0  }
0x5f: {  	[sflag:s22] =	ssyncadd.s32 $0xFFFFC000  }
0x60: {  	_ =	swait.ge [sflag:s22], $0x4000  }
0x61: {  	[sflag:s22] =	ssyncset.done $0x0  }
0x62: {  	[sflag:s22] =	ssyncadd.s32 $0xFFFFC000  }
0x63: {  	[tilespmem:s12], [sflag:$0x1] =	stream.linear.gather [hbm4b:s7+s2], $0x4000, $0x38;
	[tilespmem:$0x8400] =	vst v63  }
0x64: {  	_ =	swait.ge [sflag:s23], $0x4000  }
0x65: {  	[sflag:s23] =	ssyncset.done $0x0  }
0x66: {  	[sflag:s23] =	ssyncadd.s32 $0xFFFFC000  }
0x67: {  	v3 =	vld [tilespmem:$0x80];
	_ =	sdelay $0x4  }
0x68: {  	v52 =	vshll.u32 v3, $0x2  }
0x69: {  	v3 =	vand.u32 $0x7, v3;
	v4 =	vand.u32 $0xFFFFFFE0, v52  }
0x6a: {  	v3 =	vor.u32 v3, v4  }
0x6b: {  	v4 =	vperm.xlane v3, v0;
	_ =	sdelay $0x1  }
0x6c: {  	v4 =	vadd.s32 v1, v4;
	_ =	sdelay $0x1  }
0x6d: {  	v3 =	vperm.xlane v3, v2;
	_ =	sdelay $0x1  }
0x6e: {  	v3 =	vadd.s32 v1, v3  }
0x6f: {  	[hbm4b:s3+s2] =	stream.indirect_vreg.scatter [tilespmem:s13], [sflag:$0x4], $0x80, v4, vm0, $0xb8;
	[tilespmem:$0x8400] =	vst v63  }
0x70: {  	_ = 	snop  }
0x71: {  	[hbm4b:s6+s2] =	stream.indirect_vreg.scatter [tilespmem:s24], [sflag:$0x4], $0x80, v4, vm0, $0xb8;
	[tilespmem:$0x8400] =	vst v63  }
0x72: {  	_ = 	snop  }
0x73: {  	[hbm4b:s3+s2] =	stream.indirect_vreg.scatter [tilespmem:s25], [sflag:$0x4], $0x80, v3, vm0, $0xb8;
	[tilespmem:$0x8400] =	vst v63  }
0x74: {  	_ = 	snop  }
0x75: {  	[hbm4b:s6+s2] =	stream.indirect_vreg.scatter [tilespmem:s26], [sflag:$0x4], $0x80, v3, vm0, $0xb8;
	[tilespmem:$0x8400] =	vst v63  }
0x76: {  	v3 =	vld [tilespmem:$0x90];
	_ =	sdelay $0x4  }
0x77: {  	v53 =	vshll.u32 v3, $0x2  }
0x78: {  	v3 =	vand.u32 $0x7, v3;
	v4 =	vand.u32 $0xFFFFFFE0, v53  }
0x79: {  	v3 =	vor.u32 v3, v4  }
0x7a: {  	v4 =	vperm.xlane v3, v0;
	_ =	sdelay $0x1  }
0x7b: {  	v4 =	vadd.s32 v1, v4;
	_ =	sdelay $0x1  }
0x7c: {  	v3 =	vperm.xlane v3, v2;
	_ =	sdelay $0x1  }
0x7d: {  	v3 =	vadd.s32 v1, v3  }
0x7e: {  	[hbm4b:s3+s2] =	stream.indirect_vreg.scatter [tilespmem:s28], [sflag:$0x4], $0x80, v4, vm0, $0xb8;
	[tilespmem:$0x8400] =	vst v63  }
0x7f: {  	_ = 	snop  }
0x80: {  	[hbm4b:s6+s2] =	stream.indirect_vreg.scatter [tilespmem:s29], [sflag:$0x4], $0x80, v4, vm0, $0xb8;
	[tilespmem:$0x8400] =	vst v63  }
0x81: {  	_ = 	snop  }
0x82: {  	[hbm4b:s3+s2] =	stream.indirect_vreg.scatter [tilespmem:s30], [sflag:$0x4], $0x80, v3, vm0, $0xb8;
	[tilespmem:$0x8400] =	vst v63  }
0x83: {  	_ = 	snop  }
0x84: {  	[hbm4b:s6+s2] =	stream.indirect_vreg.scatter [tilespmem:s31], [sflag:$0x4], $0x80, v3, vm0, $0xb8;
	[tilespmem:$0x8400] =	vst v63  }
0x85: {  	v3 =	vld [tilespmem:$0x280];
	_ =	sdelay $0x4  }
0x86: {  	v54 =	vshll.u32 v3, $0x2  }
0x87: {  	v3 =	vand.u32 $0x7, v3;
	v4 =	vand.u32 $0xFFFFFFE0, v54  }
0x88: {  	v3 =	vor.u32 v3, v4  }
0x89: {  	v4 =	vperm.xlane v3, v0;
	_ =	sdelay $0x1  }
0x8a: {  	v4 =	vadd.s32 v1, v4;
	_ =	sdelay $0x1  }
0x8b: {  	v3 =	vperm.xlane v3, v2;
	_ =	sdelay $0x1  }
0x8c: {  	v3 =	vadd.s32 v1, v3  }
0x8d: {  	[hbm4b:s3+s2] =	stream.indirect_vreg.scatter [tilespmem:s13], [sflag:$0x4], $0x80, v4, vm0, $0xb8;
	[tilespmem:$0x8400] =	vst v63  }
0x8e: {  	_ = 	snop  }
0x8f: {  	[hbm4b:s6+s2] =	stream.indirect_vreg.scatter [tilespmem:s24], [sflag:$0x4], $0x80, v4, vm0, $0xb8;
	[tilespmem:$0x8400] =	vst v63  }
0x90: {  	_ = 	snop  }
0x91: {  	[hbm4b:s3+s2] =	stream.indirect_vreg.scatter [tilespmem:s25], [sflag:$0x4], $0x80, v3, vm0, $0xb8;
	[tilespmem:$0x8400] =	vst v63  }
0x92: {  	_ = 	snop  }
0x93: {  	[hbm4b:s6+s2] =	stream.indirect_vreg.scatter [tilespmem:s26], [sflag:$0x4], $0x80, v3, vm0, $0xb8;
	[tilespmem:$0x8400] =	vst v63  }
0x94: {  	v3 =	vld [tilespmem:$0x290];
	_ =	sdelay $0x4  }
0x95: {  	v55 =	vshll.u32 v3, $0x2  }
0x96: {  	v3 =	vand.u32 $0x7, v3;
	v4 =	vand.u32 $0xFFFFFFE0, v55  }
0x97: {  	v3 =	vor.u32 v3, v4  }
0x98: {  	v4 =	vperm.xlane v3, v0;
	_ =	sdelay $0x1  }
0x99: {  	v4 =	vadd.s32 v1, v4;
	_ =	sdelay $0x1  }
0x9a: {  	v3 =	vperm.xlane v3, v2;
	_ =	sdelay $0x1  }
0x9b: {  	v3 =	vadd.s32 v1, v3  }
0x9c: {  	[hbm4b:s3+s2] =	stream.indirect_vreg.scatter [tilespmem:s28], [sflag:$0x4], $0x80, v4, vm0, $0xb8;
	[tilespmem:$0x8400] =	vst v63  }
0x9d: {  	_ = 	snop  }
0x9e: {  	[hbm4b:s6+s2] =	stream.indirect_vreg.scatter [tilespmem:s29], [sflag:$0x4], $0x80, v4, vm0, $0xb8;
	[tilespmem:$0x8400] =	vst v63  }
0x9f: {  	_ = 	snop  }
0xa0: {  	[hbm4b:s3+s2] =	stream.indirect_vreg.scatter [tilespmem:s30], [sflag:$0x4], $0x80, v3, vm0, $0xb8;
	[tilespmem:$0x8400] =	vst v63  }
0xa1: {  	_ = 	snop  }
0xa2: {  	[hbm4b:s6+s2] =	stream.indirect_vreg.scatter [tilespmem:s31], [sflag:$0x4], $0x80, v3, vm0, $0xb8;
	[tilespmem:$0x8400] =	vst v63  }
0xa3: {  	_ =	swait.ge [sflag:s1], $0x4000  }
0xa4: {  	[sflag:s1] =	ssyncset.done $0x0  }
0xa5: {  	[sflag:s1] =	ssyncadd.s32 $0xFFFFC000  }
0xa6: {  	_ =	swait.ge [sflag:s1], $0x4000  }
0xa7: {  	[sflag:s1] =	ssyncset.done $0x0  }
0xa8: {  	[sflag:s1] =	ssyncadd.s32 $0xFFFFC000  }
0xa9: {  	[tilespmem:s13], [sflag:$0x2] =	stream.linear.gather [hbm4b:s8+s2], $0x4000, $0x38;
	[tilespmem:$0x8400] =	vst v63  }
0xaa: {  	_ =	swait.ge [sflag:s14], $0x4000  }
0xab: {  	[sflag:s14] =	ssyncset.done $0x0  }
0xac: {  	[sflag:s14] =	ssyncadd.s32 $0xFFFFC000  }
0xad: {  	v3 =	vld [tilespmem:$0x100];
	_ =	sdelay $0x4  }
0xae: {  	v56 =	vshll.u32 v3, $0x2  }
0xaf: {  	v3 =	vand.u32 $0x7, v3;
	v4 =	vand.u32 $0xFFFFFFE0, v56  }
0xb0: {  	v3 =	vor.u32 v3, v4  }
0xb1: {  	v4 =	vperm.xlane v3, v0;
	_ =	sdelay $0x1  }
0xb2: {  	v4 =	vadd.s32 v1, v4;
	_ =	sdelay $0x1  }
0xb3: {  	v3 =	vperm.xlane v3, v2;
	_ =	sdelay $0x1  }
0xb4: {  	v3 =	vadd.s32 v1, v3  }
0xb5: {  	[hbm4b:s3+s2] =	stream.indirect_vreg.scatter [tilespmem:s12], [sflag:$0x3], $0x80, v4, vm0, $0xb8;
	[tilespmem:$0x8400] =	vst v63  }
0xb6: {  	_ = 	snop  }
0xb7: {  	[hbm4b:s6+s2] =	stream.indirect_vreg.scatter [tilespmem:s15], [sflag:$0x3], $0x80, v4, vm0, $0xb8;
	[tilespmem:$0x8400] =	vst v63  }
0xb8: {  	_ = 	snop  }
0xb9: {  	[hbm4b:s3+s2] =	stream.indirect_vreg.scatter [tilespmem:s16], [sflag:$0x3], $0x80, v3, vm0, $0xb8;
	[tilespmem:$0x8400] =	vst v63  }
0xba: {  	_ = 	snop  }
0xbb: {  	[hbm4b:s6+s2] =	stream.indirect_vreg.scatter [tilespmem:s17], [sflag:$0x3], $0x80, v3, vm0, $0xb8;
	[tilespmem:$0x8400] =	vst v63  }
0xbc: {  	v3 =	vld [tilespmem:$0x110];
	_ =	sdelay $0x4  }
0xbd: {  	v57 =	vshll.u32 v3, $0x2  }
0xbe: {  	v3 =	vand.u32 $0x7, v3;
	v4 =	vand.u32 $0xFFFFFFE0, v57  }
0xbf: {  	v3 =	vor.u32 v3, v4  }
0xc0: {  	v4 =	vperm.xlane v3, v0;
	_ =	sdelay $0x1  }
0xc1: {  	v4 =	vadd.s32 v1, v4;
	_ =	sdelay $0x1  }
0xc2: {  	v3 =	vperm.xlane v3, v2;
	_ =	sdelay $0x1  }
0xc3: {  	v3 =	vadd.s32 v1, v3  }
0xc4: {  	[hbm4b:s3+s2] =	stream.indirect_vreg.scatter [tilespmem:s18], [sflag:$0x3], $0x80, v4, vm0, $0xb8;
	[tilespmem:$0x8400] =	vst v63  }
0xc5: {  	_ = 	snop  }
0xc6: {  	[hbm4b:s6+s2] =	stream.indirect_vreg.scatter [tilespmem:s19], [sflag:$0x3], $0x80, v4, vm0, $0xb8;
	[tilespmem:$0x8400] =	vst v63  }
0xc7: {  	_ = 	snop  }
0xc8: {  	[hbm4b:s3+s2] =	stream.indirect_vreg.scatter [tilespmem:s20], [sflag:$0x3], $0x80, v3, vm0, $0xb8;
	[tilespmem:$0x8400] =	vst v63  }
0xc9: {  	_ = 	snop  }
0xca: {  	[hbm4b:s6+s2] =	stream.indirect_vreg.scatter [tilespmem:s21], [sflag:$0x3], $0x80, v3, vm0, $0xb8;
	[tilespmem:$0x8400] =	vst v63  }
0xcb: {  	v3 =	vld [tilespmem:$0x300];
	_ =	sdelay $0x4  }
0xcc: {  	v58 =	vshll.u32 v3, $0x2  }
0xcd: {  	v3 =	vand.u32 $0x7, v3;
	v4 =	vand.u32 $0xFFFFFFE0, v58  }
0xce: {  	v3 =	vor.u32 v3, v4  }
0xcf: {  	v4 =	vperm.xlane v3, v0;
	_ =	sdelay $0x1  }
0xd0: {  	v4 =	vadd.s32 v1, v4;
	_ =	sdelay $0x1  }
0xd1: {  	v3 =	vperm.xlane v3, v2;
	_ =	sdelay $0x1  }
0xd2: {  	v3 =	vadd.s32 v1, v3  }
0xd3: {  	[hbm4b:s3+s2] =	stream.indirect_vreg.scatter [tilespmem:s12], [sflag:$0x3], $0x80, v4, vm0, $0xb8;
	[tilespmem:$0x8400] =	vst v63  }
0xd4: {  	_ = 	snop  }
0xd5: {  	[hbm4b:s6+s2] =	stream.indirect_vreg.scatter [tilespmem:s15], [sflag:$0x3], $0x80, v4, vm0, $0xb8;
	[tilespmem:$0x8400] =	vst v63  }
0xd6: {  	_ = 	snop  }
0xd7: {  	[hbm4b:s3+s2] =	stream.indirect_vreg.scatter [tilespmem:s16], [sflag:$0x3], $0x80, v3, vm0, $0xb8;
	[tilespmem:$0x8400] =	vst v63  }
0xd8: {  	_ = 	snop  }
0xd9: {  	[hbm4b:s6+s2] =	stream.indirect_vreg.scatter [tilespmem:s17], [sflag:$0x3], $0x80, v3, vm0, $0xb8;
	[tilespmem:$0x8400] =	vst v63  }
0xda: {  	v3 =	vld [tilespmem:$0x310];
	_ =	sdelay $0x4  }
0xdb: {  	v59 =	vshll.u32 v3, $0x2  }
0xdc: {  	v3 =	vand.u32 $0x7, v3;
	v4 =	vand.u32 $0xFFFFFFE0, v59  }
0xdd: {  	v3 =	vor.u32 v3, v4  }
0xde: {  	v4 =	vperm.xlane v3, v0;
	_ =	sdelay $0x1  }
0xdf: {  	v4 =	vadd.s32 v1, v4;
	_ =	sdelay $0x1  }
0xe0: {  	v3 =	vperm.xlane v3, v2;
	_ =	sdelay $0x1  }
0xe1: {  	v3 =	vadd.s32 v1, v3  }
0xe2: {  	[hbm4b:s3+s2] =	stream.indirect_vreg.scatter [tilespmem:s18], [sflag:$0x3], $0x80, v4, vm0, $0xb8;
	[tilespmem:$0x8400] =	vst v63  }
0xe3: {  	_ = 	snop  }
0xe4: {  	[hbm4b:s6+s2] =	stream.indirect_vreg.scatter [tilespmem:s19], [sflag:$0x3], $0x80, v4, vm0, $0xb8;
	[tilespmem:$0x8400] =	vst v63  }
0xe5: {  	_ = 	snop  }
0xe6: {  	[hbm4b:s3+s2] =	stream.indirect_vreg.scatter [tilespmem:s20], [sflag:$0x3], $0x80, v3, vm0, $0xb8;
	[tilespmem:$0x8400] =	vst v63  }
0xe7: {  	_ = 	snop  }
0xe8: {  	[hbm4b:s6+s2] =	stream.indirect_vreg.scatter [tilespmem:s21], [sflag:$0x3], $0x80, v3, vm0, $0xb8;
	[tilespmem:$0x8400] =	vst v63  }
0xe9: {  	_ =	swait.ge [sflag:s23], $0x4000  }
0xea: {  	[sflag:s23] =	ssyncset.done $0x0  }
0xeb: {  	[sflag:s23] =	ssyncadd.s32 $0xFFFFC000  }
0xec: {  	v3 =	vld [tilespmem:$0x180];
	_ =	sdelay $0x4  }
0xed: {  	v60 =	vshll.u32 v3, $0x2  }
0xee: {  	v3 =	vand.u32 $0x7, v3;
	v4 =	vand.u32 $0xFFFFFFE0, v60  }
0xef: {  	v3 =	vor.u32 v3, v4  }
0xf0: {  	v4 =	vperm.xlane v3, v0;
	_ =	sdelay $0x1  }
0xf1: {  	v4 =	vadd.s32 v1, v4;
	_ =	sdelay $0x1  }
0xf2: {  	v3 =	vperm.xlane v3, v2;
	_ =	sdelay $0x1  }
0xf3: {  	v3 =	vadd.s32 v1, v3  }
0xf4: {  	[hbm4b:s3+s2] =	stream.indirect_vreg.scatter [tilespmem:s13], [sflag:$0x4], $0x80, v4, vm0, $0xb8;
	[tilespmem:$0x8400] =	vst v63  }
0xf5: {  	_ = 	snop  }
0xf6: {  	[hbm4b:s6+s2] =	stream.indirect_vreg.scatter [tilespmem:s24], [sflag:$0x4], $0x80, v4, vm0, $0xb8;
	[tilespmem:$0x8400] =	vst v63  }
0xf7: {  	_ = 	snop  }
0xf8: {  	[hbm4b:s3+s2] =	stream.indirect_vreg.scatter [tilespmem:s25], [sflag:$0x4], $0x80, v3, vm0, $0xb8;
	[tilespmem:$0x8400] =	vst v63  }
0xf9: {  	_ = 	snop  }
0xfa: {  	[hbm4b:s6+s2] =	stream.indirect_vreg.scatter [tilespmem:s26], [sflag:$0x4], $0x80, v3, vm0, $0xb8;
	[tilespmem:$0x8400] =	vst v63  }
0xfb: {  	v3 =	vld [tilespmem:$0x190];
	_ =	sdelay $0x4  }
0xfc: {  	v61 =	vshll.u32 v3, $0x2  }
0xfd: {  	v3 =	vand.u32 $0x7, v3;
	v4 =	vand.u32 $0xFFFFFFE0, v61  }
0xfe: {  	v3 =	vor.u32 v3, v4  }
0xff: {  	v4 =	vperm.xlane v3, v0;
	_ =	sdelay $0x1  }
0x100: {  	v4 =	vadd.s32 v1, v4;
	_ =	sdelay $0x1  }
0x101: {  	v3 =	vperm.xlane v3, v2;
	_ =	sdelay $0x1  }
0x102: {  	v3 =	vadd.s32 v1, v3  }
0x103: {  	[hbm4b:s3+s2] =	stream.indirect_vreg.scatter [tilespmem:s28], [sflag:$0x4], $0x80, v4, vm0, $0xb8;
	[tilespmem:$0x8400] =	vst v63  }
0x104: {  	_ = 	snop  }
0x105: {  	[hbm4b:s6+s2] =	stream.indirect_vreg.scatter [tilespmem:s29], [sflag:$0x4], $0x80, v4, vm0, $0xb8;
	[tilespmem:$0x8400] =	vst v63  }
0x106: {  	_ = 	snop  }
0x107: {  	[hbm4b:s3+s2] =	stream.indirect_vreg.scatter [tilespmem:s30], [sflag:$0x4], $0x80, v3, vm0, $0xb8;
	[tilespmem:$0x8400] =	vst v63  }
0x108: {  	_ = 	snop  }
0x109: {  	[hbm4b:s6+s2] =	stream.indirect_vreg.scatter [tilespmem:s31], [sflag:$0x4], $0x80, v3, vm0, $0xb8;
	[tilespmem:$0x8400] =	vst v63  }
0x10a: {  	v3 =	vld [tilespmem:$0x380];
	_ =	sdelay $0x4  }
0x10b: {  	v62 =	vshll.u32 v3, $0x2  }
0x10c: {  	v3 =	vand.u32 $0x7, v3;
	v4 =	vand.u32 $0xFFFFFFE0, v62  }
0x10d: {  	v3 =	vor.u32 v3, v4  }
0x10e: {  	v4 =	vperm.xlane v3, v0;
	_ =	sdelay $0x1  }
0x10f: {  	v4 =	vadd.s32 v1, v4;
	_ =	sdelay $0x1  }
0x110: {  	v3 =	vperm.xlane v3, v2;
	_ =	sdelay $0x1  }
0x111: {  	v3 =	vadd.s32 v1, v3  }
0x112: {  	[hbm4b:s3+s2] =	stream.indirect_vreg.scatter [tilespmem:s13], [sflag:$0x4], $0x80, v4, vm0, $0xb8;
	[tilespmem:$0x8400] =	vst v63  }
0x113: {  	_ = 	snop  }
0x114: {  	[hbm4b:s6+s2] =	stream.indirect_vreg.scatter [tilespmem:s24], [sflag:$0x4], $0x80, v4, vm0, $0xb8;
	[tilespmem:$0x8400] =	vst v63  }
0x115: {  	_ = 	snop  }
0x116: {  	[hbm4b:s3+s2] =	stream.indirect_vreg.scatter [tilespmem:s25], [sflag:$0x4], $0x80, v3, vm0, $0xb8;
	[tilespmem:$0x8400] =	vst v63  }
0x117: {  	_ = 	snop  }
0x118: {  	[hbm4b:s6+s2] =	stream.indirect_vreg.scatter [tilespmem:s26], [sflag:$0x4], $0x80, v3, vm0, $0xb8;
	[tilespmem:$0x8400] =	vst v63  }
0x119: {  	v3 =	vld [tilespmem:$0x390];
	_ =	sdelay $0x4  }
0x11a: {  	v63 =	vshll.u32 v3, $0x2  }
0x11b: {  	v3 =	vand.u32 $0x7, v3;
	v4 =	vand.u32 $0xFFFFFFE0, v63  }
0x11c: {  	v3 =	vor.u32 v3, v4  }
0x11d: {  	v4 =	vperm.xlane v3, v0;
	_ =	sdelay $0x1  }
0x11e: {  	v4 =	vadd.s32 v1, v4;
	_ =	sdelay $0x1  }
0x11f: {  	v3 =	vperm.xlane v3, v2;
	_ =	sdelay $0x1  }
0x120: {  	v3 =	vadd.s32 v1, v3  }
0x121: {  	[hbm4b:s3+s2] =	stream.indirect_vreg.scatter [tilespmem:s28], [sflag:$0x4], $0x80, v4, vm0, $0xb8;
	[tilespmem:$0x8400] =	vst v63  }
0x122: {  	_ = 	snop  }
0x123: {  	[hbm4b:s6+s2] =	stream.indirect_vreg.scatter [tilespmem:s29], [sflag:$0x4], $0x80, v4, vm0, $0xb8;
	[tilespmem:$0x8400] =	vst v63  }
0x124: {  	_ = 	snop  }
0x125: {  	[hbm4b:s3+s2] =	stream.indirect_vreg.scatter [tilespmem:s30], [sflag:$0x4], $0x80, v3, vm0, $0xb8;
	[tilespmem:$0x8400] =	vst v63  }
0x126: {  	_ = 	snop  }
0x127: {  	[hbm4b:s6+s2] =	stream.indirect_vreg.scatter [tilespmem:s31], [sflag:$0x4], $0x80, v3, vm0, $0xb8;
	[tilespmem:$0x8400] =	vst v63  }
0x128: {  	_ =	swait.ge [sflag:s22], $0x4000  }
0x129: {  	[sflag:s22] =	ssyncset.done $0x0  }
0x12a: {  	[sflag:s22] =	ssyncadd.s32 $0xFFFFC000  }
0x12b: {  	_ =	swait.ge [sflag:s22], $0x4000  }
0x12c: {  	[sflag:s22] =	ssyncset.done $0x0  }
0x12d: {  	[sflag:s22] =	ssyncadd.s32 $0xFFFFC000  }
0x12e: {  	p0 =	sne.s32 s9, $0x1;
	_ =	swait.ge [sflag:s1], $0x4000  }
.Ltmp0:
0x12f: {  	[sflag:s1] =	ssyncset.done $0x0;
	(pc) =	sbr.rel @p0 .LBB2_1-.Ltmp0, $4  }
0x130: {  	[sflag:s1] =	ssyncadd.s32 $0xFFFFC000  }
0x131: {  	_ =	swait.ge [sflag:s1], $0x4000  }
0x132: {  	[sflag:s1] =	ssyncset.done $0x0  }
0x133: {  	s9 =	sadd.s32 $0xFFFFFFFF, s9;
	[sflag:s1] =	ssyncadd.s32 $0xFFFFC000  }
0x134: {  	_ =	sfence.sel $0x180000  }
0x135: {  	[bflag:$0x0] =	sbarrier.arrive $0xFFFF  }
0x136: {  	_ =	strace $0x90000047  }
0x137: {  	s0 =	stileid.u32;
	[bflag:$0x2] =	sbarrier.arrive $0xFFFF  }
0x138: {  	p0 =	sne.s32 s0, $0x0;
	s0 =	rddreg [dreg:$0x2]  }
0x139: {  	s0 =	sadd.s32 @!p0 $0x100000, s0  }
0x13a: {  	[sflag:s0] =	ssyncadd.tile.s32 @!p0 $0x1;
	_ =	shalt  }
.Lfunc_end2:
_tile_overlayer_lowered:
.L_overlay_start_2:
0x13b: {  	(tag) =	ssettag $0x2  }
0x13c: {  	s0 =	rddreg [dreg:$0x0];
	s2 =	stileid.u32  }
0x13d: {  	s1 =	rddreg [dreg:$0x1];
	p0 =	sne.s32 s2, $0x0  }
0x13e: {  	s3 =	rddreg [dreg:$0x2];
	[bflag:$0x3] =	sbarrier.arrive $0xFFFF;
	s2 =	simm.s32 @!p0 $0x1C05  }
0x13f: {  	[timem:s3], [sflag:s2] =	dma.local @!p0 [hbm:s0], s1  }
0x140: {  	s0 =	simm.s32 @!p0 $0x5  }
0x141: {  	_ =	swait.ge @!p0 [sflag:s0], s1  }
0x142: {  	s1 =	ssub.s32 @!p0 $0x0, s1;
	[sflag:s0] =	ssyncset.done @!p0 $0x0  }
0x143: {  	[sflag:s0] =	ssyncadd.s32 @!p0 s1  }
0x144: {  	[bflag:$0x3] =	sbarrier.arrive $0xFFFF  }
0x145: {  	_ =	shalt  }

</sc_bundles>
